<compile_context>
chip_gen: v7x
topology: tpu7x:2x2x1
jax: 0.10.2.dev20260603
libtpu: 0.0.44.dev20260713+nightly
codegen_flags: <defaults>
</compile_context>

<pallas_src>
import jax
import jax.numpy as jnp
from jax import lax
from jax.experimental import pallas as pl
from jax.experimental.pallas import tpu as pltpu
from jax.experimental.pallas import tpu_sc as plsc

B, T, F, H = 8, 2048, 16, 128
G4 = 4 * H
NP = 512
CH = 256
NCHUNK = T // CH
NC, NS = 2, 16
BPC = B // NC
BINS_C = BPC * NP
IPW = (B * T) // (NC * NS)


def _wrap_ids(ids):
    mask = ids < NP
    idw = jnp.where(ids < 0, ids + NP, ids)
    idw2 = jnp.where(idw < 0, idw + NP, idw)
    valid = mask & (idw2 >= 0) & (idw2 < NP)
    return idw2, valid


def _lstm_body(xt_ref, xiT_ref, wih_ref, whh_ref, bi_ref, bh_ref,
               fcw_ref, fcb_ref, vals_ref, p_scr, hs_scr):
    bias = bi_ref[...] + bh_ref[...]
    lane = lax.broadcasted_iota(jnp.int32, (CH, 16), 1)

    def substep(z, c):
        ifo = 0.5 * jnp.tanh(0.5 * z[:, 0:3 * H]) + 0.5
        i = ifo[:, 0:H]
        f = ifo[:, H:2 * H]
        o = ifo[:, 2 * H:3 * H]
        g = jnp.tanh(z[:, 3 * H:4 * H])
        c2 = f * c + i * g
        h2 = o * jnp.tanh(c2)
        return h2, c2

    def chunk(ci, carry):
        xs = xt_ref[pl.ds(ci * CH * B, CH * B), :]
        p_scr[...] = jnp.dot(xs, wih_ref[...],
                             preferred_element_type=jnp.float32) + bias

        def step(tl, hc):
            h, c = hc
            z = p_scr[pl.ds(tl * B, B), :] + jnp.dot(
                h.astype(jnp.bfloat16), whh_ref[...],
                preferred_element_type=jnp.float32)
            h2, c2 = substep(z, c)
            hs_scr[pl.ds(tl, 1), :, :] = h2[None]
            return (h2, c2)

        carry = lax.fori_loop(0, CH, step, carry, unroll=8)
        for b in range(B):
            hb = hs_scr[:, pl.ds(b, 1), :].reshape(CH, H)
            y = jnp.dot(hb, fcw_ref[...],
                        preferred_element_type=jnp.float32) + fcb_ref[...]
            idsf = xiT_ref[pl.ds(ci * CH, CH), pl.ds(b, 1)]
            _, valid = _wrap_ids(idsf.astype(jnp.int32))
            y = jnp.where(lane == 3, valid.astype(jnp.float32), y)
            vals_ref[b, pl.ds(ci * CH, CH), :] = y
        return carry

    z8 = jnp.zeros((B, H), jnp.float32)
    lax.fori_loop(0, NCHUNK, chunk, (z8, z8))


ACC_N = 528


def _seg_mean_body(vals_hbm, xi_hbm, out_hbm,
                   vals_v, xi_v, lidx_v, a0, a1, a2, a3, mg, ob, shared, sem):
    c = lax.axis_index("c")
    s = lax.axis_index("s")
    b = BPC * c + s // 4
    q = s % 4
    accs = (a0, a1, a2, a3)

    cp1 = pltpu.async_copy(vals_hbm.at[b, pl.ds(q * IPW, IPW), :], vals_v, sem)
    cp2 = pltpu.async_copy(xi_hbm.at[b, pl.ds(q * IPW, IPW)], xi_v, sem)

    zv = jnp.zeros((16,), jnp.float32)

    def zero(r, _):
        for comp in range(4):
            accs[comp][pl.ds(r * 16, 16)] = zv
        return 0

    lax.fori_loop(0, ACC_N // 16, zero, 0)
    cp1.wait()
    cp2.wait()

    def mkidx(i, _):
        v = xi_v[pl.ds(i * 16, 16)]
        idw2, valid = _wrap_ids(v.astype(jnp.int32))
        lidx_v[pl.ds(i * 16, 16)] = jnp.where(valid, idw2, NP)
        return 0

    lax.fori_loop(0, IPW // 16, mkidx, 0)

    iota16 = lax.iota(jnp.int32, 16)

    def accg(g, _):
        rows = lidx_v[pl.ds(g * 16, 16)]
        rvec = g * 16 + iota16
        for comp in range(4):
            cvec = jnp.full((16,), comp, jnp.int32)
            x = plsc.load_gather(vals_v, [rvec, cvec])
            plsc.addupdate_scatter(accs[comp], [rows], x)
        return 0

    lax.fori_loop(0, IPW // 16, accg, 0)

    pubs = [pltpu.async_copy(accs[comp], shared.at[s, comp], sem)
            for comp in range(4)]
    for p in pubs:
        p.wait()
    plsc.subcore_barrier()

    bq = s // 4
    ph = s % 4
    reads = []
    for k in range(1, 4):
        qq = (ph + k) % 4
        for comp in range(4):
            reads.append(pltpu.async_copy(
                shared.at[bq * 4 + qq, comp, pl.ds(ph * 128, 128)],
                mg.at[qq, comp], sem))

    def selfcp(j, _):
        for comp in range(4):
            mg[ph, comp, pl.ds(j * 16, 16)] = (
                accs[comp][pl.ds(ph * 128 + j * 16, 16)])
        return 0

    lax.fori_loop(0, 8, selfcp, 0)
    for r in reads:
        r.wait()

    def nrm(j, _):
        sl = pl.ds(j * 16, 16)
        tot = [mg[0, comp, sl] + mg[1, comp, sl]
               + mg[2, comp, sl] + mg[3, comp, sl] for comp in range(4)]
        cnt = tot[3]
        cnt = jnp.where(cnt == 0.0, 1.0, cnt)
        for comp in range(4):
            ob[comp, sl] = tot[comp] / cnt
        return 0

    lax.fori_loop(0, 128 // 16, nrm, 0)
    for comp in range(4):
        pltpu.sync_copy(ob.at[comp],
                        out_hbm.at[comp, pl.ds(c * BINS_C + s * 128, 128)])


def kernel(x, num_photos, W_ih, W_hh, b_ih, b_hh, fc_W, fc_b):
    del num_photos
    xt = x.transpose(1, 0, 2).reshape(T * B, F)
    xiT = x[:, :, 2].T
    xi = x[:, :, 2]
    fcw16 = jnp.pad(fc_W, ((0, 13), (0, 0))).T
    fcb16 = jnp.pad(fc_b, (0, 13))[None]
    perm = jnp.concatenate([jnp.arange(2 * H), jnp.arange(3 * H, 4 * H),
                            jnp.arange(2 * H, 3 * H)])
    W_ih = W_ih[perm]
    W_hh = W_hh[perm]
    b_ih = b_ih[perm]
    b_hh = b_hh[perm]

    vals = pl.pallas_call(
        _lstm_body,
        out_shape=jax.ShapeDtypeStruct((B, T, 16), jnp.float32),
        scratch_shapes=[
            pltpu.VMEM((CH * B, G4), jnp.float32),
            pltpu.VMEM((CH, B, H), jnp.float32),
        ],
    )(xt, xiT, W_ih.T, W_hh.T.astype(jnp.bfloat16),
      b_ih[None], b_hh[None], fcw16, fcb16)

    seg = pl.kernel(
        _seg_mean_body,
        out_type=jax.ShapeDtypeStruct((4, NC * BINS_C), jnp.float32),
        mesh=plsc.VectorSubcoreMesh(core_axis_name="c", subcore_axis_name="s",
                                    num_cores=NC, num_subcores=NS),
        scratch_types=[
            pltpu.VMEM((IPW, 16), jnp.float32),
            pltpu.VMEM((IPW,), jnp.float32),
            pltpu.VMEM((IPW,), jnp.int32),
            pltpu.VMEM((ACC_N,), jnp.float32),
            pltpu.VMEM((ACC_N,), jnp.float32),
            pltpu.VMEM((ACC_N,), jnp.float32),
            pltpu.VMEM((ACC_N,), jnp.float32),
            pltpu.VMEM((4, 4, 128), jnp.float32),
            pltpu.VMEM((4, 128), jnp.float32),
            pltpu.VMEM_SHARED((NS, 4, ACC_N), jnp.float32),
            pltpu.SemaphoreType.DMA,
        ],
        compiler_params=pltpu.CompilerParams(needs_layout_passes=False),
    )
    out4 = seg(vals, xi)
    return out4[:3].transpose(1, 0).reshape(B, NP, 3)

# --- scband reference (transcript-rebuilt; emitter-appended) ---
"""Pipeline reference for scband-tracklet-prediction-model-67774583931429 (READ-ONLY COPY).

The authoritative reference and input builder live on the scoring server;
editing this copy changes nothing except your own understanding.
"""

import jax, jax.numpy as jnp
import numpy as np


def setup_inputs(seed: int = 0) -> dict:
    key = jax.random.key(seed)
    ks = jax.random.split(key, 8)
    B, T, F = 8, 2048, 16
    H, O = 128, 3
    x = jax.random.normal(ks[0], (B, T, F), dtype=jnp.float32)
    num_photos = 512
    s = 1.0 / np.sqrt(H)
    W_ih = jax.random.uniform(ks[1], (4 * H, F), minval=-s, maxval=s, dtype=jnp.float32)
    W_hh = jax.random.uniform(ks[2], (4 * H, H), minval=-s, maxval=s, dtype=jnp.float32)
    b_ih = jax.random.uniform(ks[3], (4 * H,), minval=-s, maxval=s, dtype=jnp.float32)
    b_hh = jax.random.uniform(ks[4], (4 * H,), minval=-s, maxval=s, dtype=jnp.float32)
    fc_W = jax.random.uniform(ks[5], (O, H), minval=-s, maxval=s, dtype=jnp.float32)
    fc_b = jax.random.uniform(ks[6], (O,), minval=-s, maxval=s, dtype=jnp.float32)
    return {"x": x, "num_photos": num_photos, "W_ih": W_ih, "W_hh": W_hh,
            "b_ih": b_ih, "b_hh": b_hh, "fc_W": fc_W, "fc_b": fc_b}


def _lstm(x, W_ih, W_hh, b_ih, b_hh):
    B, T, F = x.shape
    H = W_hh.shape[1]

    def step(carry, xt):
        h, c = carry
        z = xt @ W_ih.T + h @ W_hh.T + b_ih + b_hh
        i, f, g, o = jnp.split(z, 4, axis=-1)
        i = jax.nn.sigmoid(i)
        f = jax.nn.sigmoid(f)
        g = jnp.tanh(g)
        o = jax.nn.sigmoid(o)
        c = f * c + i * g
        h = o * jnp.tanh(c)
        return (h, c), h

    h0 = jnp.zeros((B, H), x.dtype)
    c0 = jnp.zeros((B, H), x.dtype)
    (_, _), hs = jax.lax.scan(step, (h0, c0), jnp.swapaxes(x, 0, 1))
    return jnp.swapaxes(hs, 0, 1)


def reference(x, num_photos, W_ih, W_hh, b_ih, b_hh, fc_W, fc_b):
    B, T, _ = x.shape
    num_photos_static = 512
    hs = _lstm(x, W_ih, W_hh, b_ih, b_hh)
    out = hs @ fc_W.T + fc_b  # [B, T, 3]
    # torch `.long()` truncates toward zero; jnp int cast does the same
    ids = x[:, :, 2].astype(jnp.int32)
    mask = ids < num_photos
    # torch negative tensor indexing wraps: idx -k -> num_photos - k
    ids_w = jnp.where(ids < 0, ids + num_photos, ids)
    ids_w = jnp.where(mask, ids_w, 0)
    b_idx = jnp.broadcast_to(jnp.arange(B)[:, None], (B, T))
    vals = jnp.where(mask[..., None], out, 0.0)
    photo_outputs = jnp.zeros((B, num_photos_static, 3), x.dtype).at[b_idx, ids_w].add(vals)
    counts = jnp.zeros((B, num_photos_static, 1), x.dtype).at[b_idx, ids_w].add(
        mask[..., None].astype(x.dtype))
    counts = jnp.where(counts == 0, 1.0, counts)
    return photo_outputs / counts

if __name__ == "__main__":
    import jax
    _d = setup_inputs()
    print(jax.jit(kernel)(*tuple(_d.values())))

</pallas_src>

<mosaic_0001>
#map = affine_map<(d0, d1) -> (0, 0, 0)>
#map1 = affine_map<(d0, d1) -> (0, 0)>
module attributes {stable_mosaic.version = 14 : i64} {
  func.func @_seg_mean_body(%arg0: i32, %arg1: i32, %arg2: memref<8x2048x16xf32, #tpu.memory_space<hbm>>, %arg3: memref<8x2048xf32, #tpu.memory_space<hbm>>, %arg4: memref<4x4096xf32, #tpu.memory_space<hbm>>, %arg5: memref<512x16xf32, #tpu.memory_space<vmem>>, %arg6: memref<512xf32, #tpu.memory_space<vmem>>, %arg7: memref<512xi32, #tpu.memory_space<vmem>>, %arg8: memref<528xf32, #tpu.memory_space<vmem>>, %arg9: memref<528xf32, #tpu.memory_space<vmem>>, %arg10: memref<528xf32, #tpu.memory_space<vmem>>, %arg11: memref<528xf32, #tpu.memory_space<vmem>>, %arg12: memref<4x4x128xf32, #tpu.memory_space<vmem>>, %arg13: memref<4x128xf32, #tpu.memory_space<vmem>>, %arg14: memref<16x4x528xf32, #tpu.memory_space<vmem_shared>>, %arg15: memref<!tpu.dma_semaphore, #tpu.memory_space<semaphore_mem>>) attributes {dimension_semantics = [#tpu.dimension_semantics<core_parallel>, #tpu.dimension_semantics<subcore_parallel>], iteration_bounds = array<i64: 2, 16>, scalar_prefetch = 0 : i64, scratch_operands = 11 : i64, tpu.core_type = #tpu.core_type<sc_vector_subcore>, window_params = [{transform_indices = #map}, {transform_indices = #map1}, {transform_indices = #map1}]} {
    %mul3A = arith.constant 4 : i32
    %mul3A_0 = arith.muli %mul3A, %arg0 : i32
    %jit3A = arith.constant 4 : i32
    %div3A = arith.divsi %arg1, %jit3A : i32
    %sign3A = arith.constant 0 : i32
    %sign3A_1 = arith.cmpi sgt, %arg1, %sign3A : i32
    %sign3A_2 = arith.extui %sign3A_1 : i1 to i32
    %sign3A_3 = arith.constant 0 : i32
    %sign3A_4 = arith.cmpi slt, %arg1, %sign3A_3 : i32
    %sign3A_5 = arith.extui %sign3A_4 : i1 to i32
    %sign3A_6 = arith.subi %sign3A_2, %sign3A_5 : i32
    %sign3A_7 = arith.constant 0 : i32
    %sign3A_8 = arith.cmpi sgt, %jit3A, %sign3A_7 : i32
    %sign3A_9 = arith.extui %sign3A_8 : i1 to i32
    %sign3A_10 = arith.constant 0 : i32
    %sign3A_11 = arith.cmpi slt, %jit3A, %sign3A_10 : i32
    %sign3A_12 = arith.extui %sign3A_11 : i1 to i32
    %sign3A_13 = arith.subi %sign3A_9, %sign3A_12 : i32
    %ne3A = arith.cmpi ne, %sign3A_6, %sign3A_13 : i32
    %rem3A = arith.remsi %arg1, %jit3A : i32
    %ne3A_14 = arith.constant 0 : i32
    %ne3A_15 = arith.cmpi ne, %rem3A, %ne3A_14 : i32
    %and3A = arith.andi %ne3A, %ne3A_15 : i1
    %sub3A = arith.constant 1 : i32
    %sub3A_16 = arith.subi %div3A, %sub3A : i32
    %select_n3A = arith.select %and3A, %sub3A_16, %div3A : i32
    %add3A = arith.addi %mul3A_0, %select_n3A : i32
    %jit3A_17 = arith.constant 4 : i32
    %eq3A = arith.constant 0 : i32
    %eq3A_18 = arith.cmpi eq, %jit3A_17, %eq3A : i32
    %jit3A_19 = arith.constant 1 : i32
    %select_n3A_20 = arith.select %eq3A_18, %jit3A_19, %jit3A_17 : i32
    %rem3A_21 = arith.remsi %arg1, %select_n3A_20 : i32
    %ne3A_22 = arith.constant 0 : i32
    %ne3A_23 = arith.cmpi ne, %rem3A_21, %ne3A_22 : i32
    %lt3A = arith.constant 0 : i32
    %lt3A_24 = arith.cmpi slt, %rem3A_21, %lt3A : i32
    %lt3A_25 = arith.constant 0 : i32
    %lt3A_26 = arith.cmpi slt, %select_n3A_20, %lt3A_25 : i32
    %ne3A_27 = arith.xori %lt3A_24, %lt3A_26 : i1
    %and3A_28 = arith.andi %ne3A_27, %ne3A_23 : i1
    %add3A_29 = arith.addi %rem3A_21, %select_n3A_20 : i32
    %select_n3A_30 = arith.select %and3A_28, %add3A_29, %rem3A_21 : i32
    %mul3A_31 = arith.constant 512 : i32
    %mul3A_32 = arith.muli %select_n3A_30, %mul3A_31 : i32
    %dma_start3A = arith.constant 0 : i32
    %dma_start3A_33 = tpu.memref_slice %arg2[%add3A, %mul3A_32, %dma_start3A] : memref<8x2048x16xf32, #tpu.memory_space<hbm>> -> memref<1x512x16xf32, #tpu.memory_space<hbm>>
    %dma_start3A_34 = tpu.memref_squeeze %dma_start3A_33 : memref<1x512x16xf32, #tpu.memory_space<hbm>> -> memref<512x16xf32, #tpu.memory_space<hbm>>
    %dma_start3A_35 = arith.constant 0 : i32
    %dma_start3A_36 = tpu.memref_slice %arg2[%add3A, %mul3A_32, %dma_start3A_35] : memref<8x2048x16xf32, #tpu.memory_space<hbm>> -> memref<1x512x16xf32, #tpu.memory_space<hbm>>
    %dma_start3A_37 = tpu.memref_squeeze %dma_start3A_36 : memref<1x512x16xf32, #tpu.memory_space<hbm>> -> memref<512x16xf32, #tpu.memory_space<hbm>>
    tpu.enqueue_dma source(%dma_start3A_37 : memref<512x16xf32, #tpu.memory_space<hbm>>) target(%arg5 : memref<512x16xf32, #tpu.memory_space<vmem>>) target_semaphore(%arg15 : memref<!tpu.dma_semaphore, #tpu.memory_space<semaphore_mem>>)
    %mul3A_38 = arith.constant 512 : i32
    %mul3A_39 = arith.muli %select_n3A_30, %mul3A_38 : i32
    %dma_start3A_40 = tpu.memref_slice %arg3[%add3A, %mul3A_39] : memref<8x2048xf32, #tpu.memory_space<hbm>> -> memref<1x512xf32, #tpu.memory_space<hbm>>
    %dma_start3A_41 = tpu.memref_squeeze %dma_start3A_40 : memref<1x512xf32, #tpu.memory_space<hbm>> -> memref<512xf32, #tpu.memory_space<hbm>>
    %dma_start3A_42 = tpu.memref_slice %arg3[%add3A, %mul3A_39] : memref<8x2048xf32, #tpu.memory_space<hbm>> -> memref<1x512xf32, #tpu.memory_space<hbm>>
    %dma_start3A_43 = tpu.memref_squeeze %dma_start3A_42 : memref<1x512xf32, #tpu.memory_space<hbm>> -> memref<512xf32, #tpu.memory_space<hbm>>
    tpu.enqueue_dma source(%dma_start3A_43 : memref<512xf32, #tpu.memory_space<hbm>>) target(%arg6 : memref<512xf32, #tpu.memory_space<vmem>>) target_semaphore(%arg15 : memref<!tpu.dma_semaphore, #tpu.memory_space<semaphore_mem>>)
    %broadcast_in_dim3A = arith.constant 0.000000e+00 : f32
    %broadcast_in_dim3A_44 = vector.broadcast %broadcast_in_dim3A : f32 to vector<16xf32>
    %scan3A = arith.constant 0 : i32
    %scan3A_45 = arith.constant 0 : i32
    %scan3A_46 = arith.constant 33 : i32
    %scan3A_47 = arith.addi %scan3A_45, %scan3A_46 : i32
    %scan3A_48 = arith.constant 1 : i32
    %scan3A_49 = scf.for %scan3A_613 = %scan3A_45 to %scan3A_47 step %scan3A_48 iter_args(%scan3A_614 = %scan3A) -> (i32)  : i32 {
      %mul3A_615 = arith.constant 16 : i32
      %mul3A_616 = arith.muli %scan3A_613, %mul3A_615 : i32
      %swap3A = arith.index_cast %mul3A_616 : i32 to index
      %swap3A_617 = tpu.vector_load %arg8[%swap3A] {strides = array<i32>} : memref<528xf32, #tpu.memory_space<vmem>>, vector<16xf32>,
      tpu.vector_store %arg8[%swap3A], %broadcast_in_dim3A_44 {strides = array<i32>} : memref<528xf32, #tpu.memory_space<vmem>>, vector<16xf32>,
      %mul3A_618 = arith.constant 16 : i32
      %mul3A_619 = arith.muli %scan3A_613, %mul3A_618 : i32
      %swap3A_620 = arith.index_cast %mul3A_619 : i32 to index
      %swap3A_621 = tpu.vector_load %arg9[%swap3A_620] {strides = array<i32>} : memref<528xf32, #tpu.memory_space<vmem>>, vector<16xf32>,
      tpu.vector_store %arg9[%swap3A_620], %broadcast_in_dim3A_44 {strides = array<i32>} : memref<528xf32, #tpu.memory_space<vmem>>, vector<16xf32>,
      %mul3A_622 = arith.constant 16 : i32
      %mul3A_623 = arith.muli %scan3A_613, %mul3A_622 : i32
      %swap3A_624 = arith.index_cast %mul3A_623 : i32 to index
      %swap3A_625 = tpu.vector_load %arg10[%swap3A_624] {strides = array<i32>} : memref<528xf32, #tpu.memory_space<vmem>>, vector<16xf32>,
      tpu.vector_store %arg10[%swap3A_624], %broadcast_in_dim3A_44 {strides = array<i32>} : memref<528xf32, #tpu.memory_space<vmem>>, vector<16xf32>,
      %mul3A_626 = arith.constant 16 : i32
      %mul3A_627 = arith.muli %scan3A_613, %mul3A_626 : i32
      %swap3A_628 = arith.index_cast %mul3A_627 : i32 to index
      %swap3A_629 = tpu.vector_load %arg11[%swap3A_628] {strides = array<i32>} : memref<528xf32, #tpu.memory_space<vmem>>, vector<16xf32>,
      tpu.vector_store %arg11[%swap3A_628], %broadcast_in_dim3A_44 {strides = array<i32>} : memref<528xf32, #tpu.memory_space<vmem>>, vector<16xf32>,
      %scan3A_630 = arith.constant 0 : i32
      scf.yield %scan3A_630 : i32
    }
    %scan3A_50 = arith.constant 33 : i32
    %dma_wait3A = arith.constant 0 : i32
    %dma_wait3A_51 = tpu.memref_slice %arg2[%add3A, %mul3A_32, %dma_wait3A] : memref<8x2048x16xf32, #tpu.memory_space<hbm>> -> memref<1x512x16xf32, #tpu.memory_space<hbm>>
    %dma_wait3A_52 = tpu.memref_squeeze %dma_wait3A_51 : memref<1x512x16xf32, #tpu.memory_space<hbm>> -> memref<512x16xf32, #tpu.memory_space<hbm>>
    %dma_wait3A_53 = arith.constant 0 : i32
    %dma_wait3A_54 = tpu.memref_slice %arg2[%add3A, %mul3A_32, %dma_wait3A_53] : memref<8x2048x16xf32, #tpu.memory_space<hbm>> -> memref<1x512x16xf32, #tpu.memory_space<hbm>>
    %dma_wait3A_55 = tpu.memref_squeeze %dma_wait3A_54 : memref<1x512x16xf32, #tpu.memory_space<hbm>> -> memref<512x16xf32, #tpu.memory_space<hbm>>
    tpu.wait_dma2 semaphore(%arg15 : memref<!tpu.dma_semaphore, #tpu.memory_space<semaphore_mem>>) src(%dma_wait3A_55 : memref<512x16xf32, #tpu.memory_space<hbm>>) dst(%arg5 : memref<512x16xf32, #tpu.memory_space<vmem>>)
    %dma_wait3A_56 = tpu.memref_slice %arg3[%add3A, %mul3A_39] : memref<8x2048xf32, #tpu.memory_space<hbm>> -> memref<1x512xf32, #tpu.memory_space<hbm>>
    %dma_wait3A_57 = tpu.memref_squeeze %dma_wait3A_56 : memref<1x512xf32, #tpu.memory_space<hbm>> -> memref<512xf32, #tpu.memory_space<hbm>>
    %dma_wait3A_58 = tpu.memref_slice %arg3[%add3A, %mul3A_39] : memref<8x2048xf32, #tpu.memory_space<hbm>> -> memref<1x512xf32, #tpu.memory_space<hbm>>
    %dma_wait3A_59 = tpu.memref_squeeze %dma_wait3A_58 : memref<1x512xf32, #tpu.memory_space<hbm>> -> memref<512xf32, #tpu.memory_space<hbm>>
    tpu.wait_dma2 semaphore(%arg15 : memref<!tpu.dma_semaphore, #tpu.memory_space<semaphore_mem>>) src(%dma_wait3A_59 : memref<512xf32, #tpu.memory_space<hbm>>) dst(%arg6 : memref<512xf32, #tpu.memory_space<vmem>>)
    %scan3A_60 = arith.constant 0 : i32
    %scan3A_61 = arith.constant 0 : i32
    %scan3A_62 = arith.constant 32 : i32
    %scan3A_63 = arith.addi %scan3A_61, %scan3A_62 : i32
    %scan3A_64 = arith.constant 1 : i32
    %scan3A_65 = scf.for %scan3A_613 = %scan3A_61 to %scan3A_63 step %scan3A_64 iter_args(%scan3A_614 = %scan3A_60) -> (i32)  : i32 {
      %mul3A_615 = arith.constant 16 : i32
      %mul3A_616 = arith.muli %scan3A_613, %mul3A_615 : i32
      %get3A = arith.index_cast %mul3A_616 : i32 to index
      %get3A_617 = tpu.vector_load %arg6[%get3A] {strides = array<i32>} : memref<512xf32, #tpu.memory_space<vmem>>, vector<16xf32>,
      %convert_element_type3A = arith.fptosi %get3A_617 : vector<16xf32> to vector<16xi32>
      %lt3A_618 = arith.constant 512 : i32
      %lt3A_619 = vector.broadcast %lt3A_618 : i32 to vector<16xi32>
      %lt3A_620 = arith.cmpi slt, %convert_element_type3A, %lt3A_619 : vector<16xi32>
      %lt3A_621 = arith.constant 0 : i32
      %lt3A_622 = vector.broadcast %lt3A_621 : i32 to vector<16xi32>
      %lt3A_623 = arith.cmpi slt, %convert_element_type3A, %lt3A_622 : vector<16xi32>
      %add3A_624 = arith.constant 512 : i32
      %add3A_625 = vector.broadcast %add3A_624 : i32 to vector<16xi32>
      %add3A_626 = arith.addi %convert_element_type3A, %add3A_625 : vector<16xi32>
      %select_n3A_627 = arith.select %lt3A_623, %add3A_626, %convert_element_type3A : vector<16xi1>, vector<16xi32>
      %lt3A_628 = arith.constant 0 : i32
      %lt3A_629 = vector.broadcast %lt3A_628 : i32 to vector<16xi32>
      %lt3A_630 = arith.cmpi slt, %select_n3A_627, %lt3A_629 : vector<16xi32>
      %add3A_631 = arith.constant 512 : i32
      %add3A_632 = vector.broadcast %add3A_631 : i32 to vector<16xi32>
      %add3A_633 = arith.addi %select_n3A_627, %add3A_632 : vector<16xi32>
      %select_n3A_634 = arith.select %lt3A_630, %add3A_633, %select_n3A_627 : vector<16xi1>, vector<16xi32>
      %ge3A = arith.constant 0 : i32
      %ge3A_635 = vector.broadcast %ge3A : i32 to vector<16xi32>
      %ge3A_636 = arith.cmpi sge, %select_n3A_634, %ge3A_635 : vector<16xi32>
      %and3A_637 = arith.andi %lt3A_620, %ge3A_636 : vector<16xi1>
      %lt3A_638 = arith.constant 512 : i32
      %lt3A_639 = vector.broadcast %lt3A_638 : i32 to vector<16xi32>
      %lt3A_640 = arith.cmpi slt, %select_n3A_634, %lt3A_639 : vector<16xi32>
      %and3A_641 = arith.andi %and3A_637, %lt3A_640 : vector<16xi1>
      %jit3A_642 = arith.constant 512 : i32
      %broadcast_in_dim3A_643 = vector.broadcast %jit3A_642 : i32 to vector<16xi32>
      %select_n3A_644 = arith.select %and3A_641, %select_n3A_634, %broadcast_in_dim3A_643 : vector<16xi1>, vector<16xi32>
      %mul3A_645 = arith.constant 16 : i32
      %mul3A_646 = arith.muli %scan3A_613, %mul3A_645 : i32
      %swap3A = arith.index_cast %mul3A_646 : i32 to index
      %swap3A_647 = tpu.vector_load %arg7[%swap3A] {strides = array<i32>} : memref<512xi32, #tpu.memory_space<vmem>>, vector<16xi32>,
      tpu.vector_store %arg7[%swap3A], %select_n3A_644 {strides = array<i32>} : memref<512xi32, #tpu.memory_space<vmem>>, vector<16xi32>,
      %scan3A_648 = arith.constant 0 : i32
      scf.yield %scan3A_648 : i32
    }
    %scan3A_66 = arith.constant 32 : i32
    %iota3A = tpu.iota {dimensions = array<i32: 0>} : vector<16xi32>
    %scan3A_67 = arith.constant 0 : i32
    %scan3A_68 = arith.constant 0 : i32
    %scan3A_69 = arith.constant 32 : i32
    %scan3A_70 = arith.addi %scan3A_68, %scan3A_69 : i32
    %scan3A_71 = arith.constant 1 : i32
    %scan3A_72 = scf.for %scan3A_613 = %scan3A_68 to %scan3A_70 step %scan3A_71 iter_args(%scan3A_614 = %scan3A_67) -> (i32)  : i32 {
      %mul3A_615 = arith.constant 16 : i32
      %mul3A_616 = arith.muli %scan3A_613, %mul3A_615 : i32
      %get3A = arith.index_cast %mul3A_616 : i32 to index
      %get3A_617 = tpu.vector_load %arg7[%get3A] {strides = array<i32>} : memref<512xi32, #tpu.memory_space<vmem>>, vector<16xi32>,
      %mul3A_618 = arith.constant 16 : i32
      %mul3A_619 = arith.muli %scan3A_613, %mul3A_618 : i32
      %add3A_620 = vector.broadcast %mul3A_619 : i32 to vector<16xi32>
      %add3A_621 = arith.addi %add3A_620, %iota3A : vector<16xi32>
      %broadcast_in_dim3A_622 = arith.constant 0 : i32
      %broadcast_in_dim3A_623 = vector.broadcast %broadcast_in_dim3A_622 : i32 to vector<16xi32>
      %gather3A = tpu.vector_load_idx %arg5[%add3A_621, %broadcast_in_dim3A_623] : memref<512x16xf32, #tpu.memory_space<vmem>>[vector<16xi32>, vector<16xi32>], vector<16xf32>,
      tpu.vector_store_idx %arg8[%get3A_617], %gather3A {add = true} : memref<528xf32, #tpu.memory_space<vmem>>[vector<16xi32>], vector<16xf32>,
      %broadcast_in_dim3A_624 = arith.constant 1 : i32
      %broadcast_in_dim3A_625 = vector.broadcast %broadcast_in_dim3A_624 : i32 to vector<16xi32>
      %gather3A_626 = tpu.vector_load_idx %arg5[%add3A_621, %broadcast_in_dim3A_625] : memref<512x16xf32, #tpu.memory_space<vmem>>[vector<16xi32>, vector<16xi32>], vector<16xf32>,
      tpu.vector_store_idx %arg9[%get3A_617], %gather3A_626 {add = true} : memref<528xf32, #tpu.memory_space<vmem>>[vector<16xi32>], vector<16xf32>,
      %broadcast_in_dim3A_627 = arith.constant 2 : i32
      %broadcast_in_dim3A_628 = vector.broadcast %broadcast_in_dim3A_627 : i32 to vector<16xi32>
      %gather3A_629 = tpu.vector_load_idx %arg5[%add3A_621, %broadcast_in_dim3A_628] : memref<512x16xf32, #tpu.memory_space<vmem>>[vector<16xi32>, vector<16xi32>], vector<16xf32>,
      tpu.vector_store_idx %arg10[%get3A_617], %gather3A_629 {add = true} : memref<528xf32, #tpu.memory_space<vmem>>[vector<16xi32>], vector<16xf32>,
      %broadcast_in_dim3A_630 = arith.constant 3 : i32
      %broadcast_in_dim3A_631 = vector.broadcast %broadcast_in_dim3A_630 : i32 to vector<16xi32>
      %gather3A_632 = tpu.vector_load_idx %arg5[%add3A_621, %broadcast_in_dim3A_631] : memref<512x16xf32, #tpu.memory_space<vmem>>[vector<16xi32>, vector<16xi32>], vector<16xf32>,
      tpu.vector_store_idx %arg11[%get3A_617], %gather3A_632 {add = true} : memref<528xf32, #tpu.memory_space<vmem>>[vector<16xi32>], vector<16xf32>,
      %scan3A_633 = arith.constant 0 : i32
      scf.yield %scan3A_633 : i32
    }
    %scan3A_73 = arith.constant 32 : i32
    %dma_start3A_74 = arith.constant 0 : i32
    %dma_start3A_75 = arith.constant 0 : i32
    %dma_start3A_76 = tpu.memref_slice %arg14[%arg1, %dma_start3A_74, %dma_start3A_75] : memref<16x4x528xf32, #tpu.memory_space<vmem_shared>> -> memref<1x1x528xf32, #tpu.memory_space<vmem_shared>>
    %dma_start3A_77 = tpu.memref_squeeze %dma_start3A_76 : memref<1x1x528xf32, #tpu.memory_space<vmem_shared>> -> memref<528xf32, #tpu.memory_space<vmem_shared>>
    %dma_start3A_78 = arith.constant 0 : i32
    %dma_start3A_79 = tpu.memref_slice %arg14[%arg1, %dma_start3A_74, %dma_start3A_78] : memref<16x4x528xf32, #tpu.memory_space<vmem_shared>> -> memref<1x1x528xf32, #tpu.memory_space<vmem_shared>>
    %dma_start3A_80 = tpu.memref_squeeze %dma_start3A_79 : memref<1x1x528xf32, #tpu.memory_space<vmem_shared>> -> memref<528xf32, #tpu.memory_space<vmem_shared>>
    tpu.enqueue_dma source(%arg8 : memref<528xf32, #tpu.memory_space<vmem>>) target(%dma_start3A_80 : memref<528xf32, #tpu.memory_space<vmem_shared>>) target_semaphore(%arg15 : memref<!tpu.dma_semaphore, #tpu.memory_space<semaphore_mem>>)
    %dma_start3A_81 = arith.constant 1 : i32
    %dma_start3A_82 = arith.constant 0 : i32
    %dma_start3A_83 = tpu.memref_slice %arg14[%arg1, %dma_start3A_81, %dma_start3A_82] : memref<16x4x528xf32, #tpu.memory_space<vmem_shared>> -> memref<1x1x528xf32, #tpu.memory_space<vmem_shared>>
    %dma_start3A_84 = tpu.memref_squeeze %dma_start3A_83 : memref<1x1x528xf32, #tpu.memory_space<vmem_shared>> -> memref<528xf32, #tpu.memory_space<vmem_shared>>
    %dma_start3A_85 = arith.constant 0 : i32
    %dma_start3A_86 = tpu.memref_slice %arg14[%arg1, %dma_start3A_81, %dma_start3A_85] : memref<16x4x528xf32, #tpu.memory_space<vmem_shared>> -> memref<1x1x528xf32, #tpu.memory_space<vmem_shared>>
    %dma_start3A_87 = tpu.memref_squeeze %dma_start3A_86 : memref<1x1x528xf32, #tpu.memory_space<vmem_shared>> -> memref<528xf32, #tpu.memory_space<vmem_shared>>
    tpu.enqueue_dma source(%arg9 : memref<528xf32, #tpu.memory_space<vmem>>) target(%dma_start3A_87 : memref<528xf32, #tpu.memory_space<vmem_shared>>) target_semaphore(%arg15 : memref<!tpu.dma_semaphore, #tpu.memory_space<semaphore_mem>>)
    %dma_start3A_88 = arith.constant 2 : i32
    %dma_start3A_89 = arith.constant 0 : i32
    %dma_start3A_90 = tpu.memref_slice %arg14[%arg1, %dma_start3A_88, %dma_start3A_89] : memref<16x4x528xf32, #tpu.memory_space<vmem_shared>> -> memref<1x1x528xf32, #tpu.memory_space<vmem_shared>>
    %dma_start3A_91 = tpu.memref_squeeze %dma_start3A_90 : memref<1x1x528xf32, #tpu.memory_space<vmem_shared>> -> memref<528xf32, #tpu.memory_space<vmem_shared>>
    %dma_start3A_92 = arith.constant 0 : i32
    %dma_start3A_93 = tpu.memref_slice %arg14[%arg1, %dma_start3A_88, %dma_start3A_92] : memref<16x4x528xf32, #tpu.memory_space<vmem_shared>> -> memref<1x1x528xf32, #tpu.memory_space<vmem_shared>>
    %dma_start3A_94 = tpu.memref_squeeze %dma_start3A_93 : memref<1x1x528xf32, #tpu.memory_space<vmem_shared>> -> memref<528xf32, #tpu.memory_space<vmem_shared>>
    tpu.enqueue_dma source(%arg10 : memref<528xf32, #tpu.memory_space<vmem>>) target(%dma_start3A_94 : memref<528xf32, #tpu.memory_space<vmem_shared>>) target_semaphore(%arg15 : memref<!tpu.dma_semaphore, #tpu.memory_space<semaphore_mem>>)
    %dma_start3A_95 = arith.constant 3 : i32
    %dma_start3A_96 = arith.constant 0 : i32
    %dma_start3A_97 = tpu.memref_slice %arg14[%arg1, %dma_start3A_95, %dma_start3A_96] : memref<16x4x528xf32, #tpu.memory_space<vmem_shared>> -> memref<1x1x528xf32, #tpu.memory_space<vmem_shared>>
    %dma_start3A_98 = tpu.memref_squeeze %dma_start3A_97 : memref<1x1x528xf32, #tpu.memory_space<vmem_shared>> -> memref<528xf32, #tpu.memory_space<vmem_shared>>
    %dma_start3A_99 = arith.constant 0 : i32
    %dma_start3A_100 = tpu.memref_slice %arg14[%arg1, %dma_start3A_95, %dma_start3A_99] : memref<16x4x528xf32, #tpu.memory_space<vmem_shared>> -> memref<1x1x528xf32, #tpu.memory_space<vmem_shared>>
    %dma_start3A_101 = tpu.memref_squeeze %dma_start3A_100 : memref<1x1x528xf32, #tpu.memory_space<vmem_shared>> -> memref<528xf32, #tpu.memory_space<vmem_shared>>
    tpu.enqueue_dma source(%arg11 : memref<528xf32, #tpu.memory_space<vmem>>) target(%dma_start3A_101 : memref<528xf32, #tpu.memory_space<vmem_shared>>) target_semaphore(%arg15 : memref<!tpu.dma_semaphore, #tpu.memory_space<semaphore_mem>>)
    %dma_wait3A_102 = arith.constant 0 : i32
    %dma_wait3A_103 = arith.constant 0 : i32
    %dma_wait3A_104 = tpu.memref_slice %arg14[%arg1, %dma_wait3A_102, %dma_wait3A_103] : memref<16x4x528xf32, #tpu.memory_space<vmem_shared>> -> memref<1x1x528xf32, #tpu.memory_space<vmem_shared>>
    %dma_wait3A_105 = tpu.memref_squeeze %dma_wait3A_104 : memref<1x1x528xf32, #tpu.memory_space<vmem_shared>> -> memref<528xf32, #tpu.memory_space<vmem_shared>>
    %dma_wait3A_106 = arith.constant 0 : i32
    %dma_wait3A_107 = tpu.memref_slice %arg14[%arg1, %dma_wait3A_102, %dma_wait3A_106] : memref<16x4x528xf32, #tpu.memory_space<vmem_shared>> -> memref<1x1x528xf32, #tpu.memory_space<vmem_shared>>
    %dma_wait3A_108 = tpu.memref_squeeze %dma_wait3A_107 : memref<1x1x528xf32, #tpu.memory_space<vmem_shared>> -> memref<528xf32, #tpu.memory_space<vmem_shared>>
    tpu.wait_dma2 semaphore(%arg15 : memref<!tpu.dma_semaphore, #tpu.memory_space<semaphore_mem>>) src(%arg8 : memref<528xf32, #tpu.memory_space<vmem>>) dst(%dma_wait3A_108 : memref<528xf32, #tpu.memory_space<vmem_shared>>)
    %dma_wait3A_109 = arith.constant 1 : i32
    %dma_wait3A_110 = arith.constant 0 : i32
    %dma_wait3A_111 = tpu.memref_slice %arg14[%arg1, %dma_wait3A_109, %dma_wait3A_110] : memref<16x4x528xf32, #tpu.memory_space<vmem_shared>> -> memref<1x1x528xf32, #tpu.memory_space<vmem_shared>>
    %dma_wait3A_112 = tpu.memref_squeeze %dma_wait3A_111 : memref<1x1x528xf32, #tpu.memory_space<vmem_shared>> -> memref<528xf32, #tpu.memory_space<vmem_shared>>
    %dma_wait3A_113 = arith.constant 0 : i32
    %dma_wait3A_114 = tpu.memref_slice %arg14[%arg1, %dma_wait3A_109, %dma_wait3A_113] : memref<16x4x528xf32, #tpu.memory_space<vmem_shared>> -> memref<1x1x528xf32, #tpu.memory_space<vmem_shared>>
    %dma_wait3A_115 = tpu.memref_squeeze %dma_wait3A_114 : memref<1x1x528xf32, #tpu.memory_space<vmem_shared>> -> memref<528xf32, #tpu.memory_space<vmem_shared>>
    tpu.wait_dma2 semaphore(%arg15 : memref<!tpu.dma_semaphore, #tpu.memory_space<semaphore_mem>>) src(%arg9 : memref<528xf32, #tpu.memory_space<vmem>>) dst(%dma_wait3A_115 : memref<528xf32, #tpu.memory_space<vmem_shared>>)
    %dma_wait3A_116 = arith.constant 2 : i32
    %dma_wait3A_117 = arith.constant 0 : i32
    %dma_wait3A_118 = tpu.memref_slice %arg14[%arg1, %dma_wait3A_116, %dma_wait3A_117] : memref<16x4x528xf32, #tpu.memory_space<vmem_shared>> -> memref<1x1x528xf32, #tpu.memory_space<vmem_shared>>
    %dma_wait3A_119 = tpu.memref_squeeze %dma_wait3A_118 : memref<1x1x528xf32, #tpu.memory_space<vmem_shared>> -> memref<528xf32, #tpu.memory_space<vmem_shared>>
    %dma_wait3A_120 = arith.constant 0 : i32
    %dma_wait3A_121 = tpu.memref_slice %arg14[%arg1, %dma_wait3A_116, %dma_wait3A_120] : memref<16x4x528xf32, #tpu.memory_space<vmem_shared>> -> memref<1x1x528xf32, #tpu.memory_space<vmem_shared>>
    %dma_wait3A_122 = tpu.memref_squeeze %dma_wait3A_121 : memref<1x1x528xf32, #tpu.memory_space<vmem_shared>> -> memref<528xf32, #tpu.memory_space<vmem_shared>>
    tpu.wait_dma2 semaphore(%arg15 : memref<!tpu.dma_semaphore, #tpu.memory_space<semaphore_mem>>) src(%arg10 : memref<528xf32, #tpu.memory_space<vmem>>) dst(%dma_wait3A_122 : memref<528xf32, #tpu.memory_space<vmem_shared>>)
    %dma_wait3A_123 = arith.constant 3 : i32
    %dma_wait3A_124 = arith.constant 0 : i32
    %dma_wait3A_125 = tpu.memref_slice %arg14[%arg1, %dma_wait3A_123, %dma_wait3A_124] : memref<16x4x528xf32, #tpu.memory_space<vmem_shared>> -> memref<1x1x528xf32, #tpu.memory_space<vmem_shared>>
    %dma_wait3A_126 = tpu.memref_squeeze %dma_wait3A_125 : memref<1x1x528xf32, #tpu.memory_space<vmem_shared>> -> memref<528xf32, #tpu.memory_space<vmem_shared>>
    %dma_wait3A_127 = arith.constant 0 : i32
    %dma_wait3A_128 = tpu.memref_slice %arg14[%arg1, %dma_wait3A_123, %dma_wait3A_127] : memref<16x4x528xf32, #tpu.memory_space<vmem_shared>> -> memref<1x1x528xf32, #tpu.memory_space<vmem_shared>>
    %dma_wait3A_129 = tpu.memref_squeeze %dma_wait3A_128 : memref<1x1x528xf32, #tpu.memory_space<vmem_shared>> -> memref<528xf32, #tpu.memory_space<vmem_shared>>
    tpu.wait_dma2 semaphore(%arg15 : memref<!tpu.dma_semaphore, #tpu.memory_space<semaphore_mem>>) src(%arg11 : memref<528xf32, #tpu.memory_space<vmem>>) dst(%dma_wait3A_129 : memref<528xf32, #tpu.memory_space<vmem_shared>>)
    %barrier3A = arith.constant 0 : index
    tpu.barrier barrier_id(%barrier3A)
    %jit3A_130 = arith.constant 4 : i32
    %div3A_131 = arith.divsi %arg1, %jit3A_130 : i32
    %sign3A_132 = arith.constant 0 : i32
    %sign3A_133 = arith.cmpi sgt, %arg1, %sign3A_132 : i32
    %sign3A_134 = arith.extui %sign3A_133 : i1 to i32
    %sign3A_135 = arith.constant 0 : i32
    %sign3A_136 = arith.cmpi slt, %arg1, %sign3A_135 : i32
    %sign3A_137 = arith.extui %sign3A_136 : i1 to i32
    %sign3A_138 = arith.subi %sign3A_134, %sign3A_137 : i32
    %sign3A_139 = arith.constant 0 : i32
    %sign3A_140 = arith.cmpi sgt, %jit3A_130, %sign3A_139 : i32
    %sign3A_141 = arith.extui %sign3A_140 : i1 to i32
    %sign3A_142 = arith.constant 0 : i32
    %sign3A_143 = arith.cmpi slt, %jit3A_130, %sign3A_142 : i32
    %sign3A_144 = arith.extui %sign3A_143 : i1 to i32
    %sign3A_145 = arith.subi %sign3A_141, %sign3A_144 : i32
    %ne3A_146 = arith.cmpi ne, %sign3A_138, %sign3A_145 : i32
    %rem3A_147 = arith.remsi %arg1, %jit3A_130 : i32
    %ne3A_148 = arith.constant 0 : i32
    %ne3A_149 = arith.cmpi ne, %rem3A_147, %ne3A_148 : i32
    %and3A_150 = arith.andi %ne3A_146, %ne3A_149 : i1
    %sub3A_151 = arith.constant 1 : i32
    %sub3A_152 = arith.subi %div3A_131, %sub3A_151 : i32
    %select_n3A_153 = arith.select %and3A_150, %sub3A_152, %div3A_131 : i32
    %jit3A_154 = arith.constant 4 : i32
    %eq3A_155 = arith.constant 0 : i32
    %eq3A_156 = arith.cmpi eq, %jit3A_154, %eq3A_155 : i32
    %jit3A_157 = arith.constant 1 : i32
    %select_n3A_158 = arith.select %eq3A_156, %jit3A_157, %jit3A_154 : i32
    %rem3A_159 = arith.remsi %arg1, %select_n3A_158 : i32
    %ne3A_160 = arith.constant 0 : i32
    %ne3A_161 = arith.cmpi ne, %rem3A_159, %ne3A_160 : i32
    %lt3A_162 = arith.constant 0 : i32
    %lt3A_163 = arith.cmpi slt, %rem3A_159, %lt3A_162 : i32
    %lt3A_164 = arith.constant 0 : i32
    %lt3A_165 = arith.cmpi slt, %select_n3A_158, %lt3A_164 : i32
    %ne3A_166 = arith.xori %lt3A_163, %lt3A_165 : i1
    %and3A_167 = arith.andi %ne3A_166, %ne3A_161 : i1
    %add3A_168 = arith.addi %rem3A_159, %select_n3A_158 : i32
    %select_n3A_169 = arith.select %and3A_167, %add3A_168, %rem3A_159 : i32
    %add3A_170 = arith.constant 1 : i32
    %add3A_171 = arith.addi %select_n3A_169, %add3A_170 : i32
    %jit3A_172 = arith.constant 4 : i32
    %eq3A_173 = arith.constant 0 : i32
    %eq3A_174 = arith.cmpi eq, %jit3A_172, %eq3A_173 : i32
    %jit3A_175 = arith.constant 1 : i32
    %select_n3A_176 = arith.select %eq3A_174, %jit3A_175, %jit3A_172 : i32
    %rem3A_177 = arith.remsi %add3A_171, %select_n3A_176 : i32
    %ne3A_178 = arith.constant 0 : i32
    %ne3A_179 = arith.cmpi ne, %rem3A_177, %ne3A_178 : i32
    %lt3A_180 = arith.constant 0 : i32
    %lt3A_181 = arith.cmpi slt, %rem3A_177, %lt3A_180 : i32
    %lt3A_182 = arith.constant 0 : i32
    %lt3A_183 = arith.cmpi slt, %select_n3A_176, %lt3A_182 : i32
    %ne3A_184 = arith.xori %lt3A_181, %lt3A_183 : i1
    %and3A_185 = arith.andi %ne3A_184, %ne3A_179 : i1
    %add3A_186 = arith.addi %rem3A_177, %select_n3A_176 : i32
    %select_n3A_187 = arith.select %and3A_185, %add3A_186, %rem3A_177 : i32
    %mul3A_188 = arith.constant 4 : i32
    %mul3A_189 = arith.muli %select_n3A_153, %mul3A_188 : i32
    %add3A_190 = arith.addi %mul3A_189, %select_n3A_187 : i32
    %mul3A_191 = arith.constant 128 : i32
    %mul3A_192 = arith.muli %select_n3A_169, %mul3A_191 : i32
    %dma_start3A_193 = arith.constant 0 : i32
    %dma_start3A_194 = arith.constant 0 : i32
    %dma_start3A_195 = arith.constant 0 : i32
    %dma_start3A_196 = tpu.memref_slice %arg12[%select_n3A_187, %dma_start3A_194, %dma_start3A_195] : memref<4x4x128xf32, #tpu.memory_space<vmem>> -> memref<1x1x128xf32, #tpu.memory_space<vmem>>
    %dma_start3A_197 = tpu.memref_squeeze %dma_start3A_196 : memref<1x1x128xf32, #tpu.memory_space<vmem>> -> memref<128xf32, #tpu.memory_space<vmem>>
    %dma_start3A_198 = tpu.memref_slice %arg14[%add3A_190, %dma_start3A_193, %mul3A_192] : memref<16x4x528xf32, #tpu.memory_space<vmem_shared>> -> memref<1x1x128xf32, #tpu.memory_space<vmem_shared>>
    %dma_start3A_199 = tpu.memref_squeeze %dma_start3A_198 : memref<1x1x128xf32, #tpu.memory_space<vmem_shared>> -> memref<128xf32, #tpu.memory_space<vmem_shared>>
    %dma_start3A_200 = arith.constant 0 : i32
    %dma_start3A_201 = tpu.memref_slice %arg12[%select_n3A_187, %dma_start3A_194, %dma_start3A_200] : memref<4x4x128xf32, #tpu.memory_space<vmem>> -> memref<1x1x128xf32, #tpu.memory_space<vmem>>
    %dma_start3A_202 = tpu.memref_squeeze %dma_start3A_201 : memref<1x1x128xf32, #tpu.memory_space<vmem>> -> memref<128xf32, #tpu.memory_space<vmem>>
    %dma_start3A_203 = tpu.memref_slice %arg14[%add3A_190, %dma_start3A_193, %mul3A_192] : memref<16x4x528xf32, #tpu.memory_space<vmem_shared>> -> memref<1x1x128xf32, #tpu.memory_space<vmem_shared>>
    %dma_start3A_204 = tpu.memref_squeeze %dma_start3A_203 : memref<1x1x128xf32, #tpu.memory_space<vmem_shared>> -> memref<128xf32, #tpu.memory_space<vmem_shared>>
    tpu.enqueue_dma source(%dma_start3A_204 : memref<128xf32, #tpu.memory_space<vmem_shared>>) target(%dma_start3A_202 : memref<128xf32, #tpu.memory_space<vmem>>) target_semaphore(%arg15 : memref<!tpu.dma_semaphore, #tpu.memory_space<semaphore_mem>>)
    %mul3A_205 = arith.constant 4 : i32
    %mul3A_206 = arith.muli %select_n3A_153, %mul3A_205 : i32
    %add3A_207 = arith.addi %mul3A_206, %select_n3A_187 : i32
    %mul3A_208 = arith.constant 128 : i32
    %mul3A_209 = arith.muli %select_n3A_169, %mul3A_208 : i32
    %dma_start3A_210 = arith.constant 1 : i32
    %dma_start3A_211 = arith.constant 1 : i32
    %dma_start3A_212 = arith.constant 0 : i32
    %dma_start3A_213 = tpu.memref_slice %arg12[%select_n3A_187, %dma_start3A_211, %dma_start3A_212] : memref<4x4x128xf32, #tpu.memory_space<vmem>> -> memref<1x1x128xf32, #tpu.memory_space<vmem>>
    %dma_start3A_214 = tpu.memref_squeeze %dma_start3A_213 : memref<1x1x128xf32, #tpu.memory_space<vmem>> -> memref<128xf32, #tpu.memory_space<vmem>>
    %dma_start3A_215 = tpu.memref_slice %arg14[%add3A_207, %dma_start3A_210, %mul3A_209] : memref<16x4x528xf32, #tpu.memory_space<vmem_shared>> -> memref<1x1x128xf32, #tpu.memory_space<vmem_shared>>
    %dma_start3A_216 = tpu.memref_squeeze %dma_start3A_215 : memref<1x1x128xf32, #tpu.memory_space<vmem_shared>> -> memref<128xf32, #tpu.memory_space<vmem_shared>>
    %dma_start3A_217 = arith.constant 0 : i32
    %dma_start3A_218 = tpu.memref_slice %arg12[%select_n3A_187, %dma_start3A_211, %dma_start3A_217] : memref<4x4x128xf32, #tpu.memory_space<vmem>> -> memref<1x1x128xf32, #tpu.memory_space<vmem>>
    %dma_start3A_219 = tpu.memref_squeeze %dma_start3A_218 : memref<1x1x128xf32, #tpu.memory_space<vmem>> -> memref<128xf32, #tpu.memory_space<vmem>>
    %dma_start3A_220 = tpu.memref_slice %arg14[%add3A_207, %dma_start3A_210, %mul3A_209] : memref<16x4x528xf32, #tpu.memory_space<vmem_shared>> -> memref<1x1x128xf32, #tpu.memory_space<vmem_shared>>
    %dma_start3A_221 = tpu.memref_squeeze %dma_start3A_220 : memref<1x1x128xf32, #tpu.memory_space<vmem_shared>> -> memref<128xf32, #tpu.memory_space<vmem_shared>>
    tpu.enqueue_dma source(%dma_start3A_221 : memref<128xf32, #tpu.memory_space<vmem_shared>>) target(%dma_start3A_219 : memref<128xf32, #tpu.memory_space<vmem>>) target_semaphore(%arg15 : memref<!tpu.dma_semaphore, #tpu.memory_space<semaphore_mem>>)
    %mul3A_222 = arith.constant 4 : i32
    %mul3A_223 = arith.muli %select_n3A_153, %mul3A_222 : i32
    %add3A_224 = arith.addi %mul3A_223, %select_n3A_187 : i32
    %mul3A_225 = arith.constant 128 : i32
    %mul3A_226 = arith.muli %select_n3A_169, %mul3A_225 : i32
    %dma_start3A_227 = arith.constant 2 : i32
    %dma_start3A_228 = arith.constant 2 : i32
    %dma_start3A_229 = arith.constant 0 : i32
    %dma_start3A_230 = tpu.memref_slice %arg12[%select_n3A_187, %dma_start3A_228, %dma_start3A_229] : memref<4x4x128xf32, #tpu.memory_space<vmem>> -> memref<1x1x128xf32, #tpu.memory_space<vmem>>
    %dma_start3A_231 = tpu.memref_squeeze %dma_start3A_230 : memref<1x1x128xf32, #tpu.memory_space<vmem>> -> memref<128xf32, #tpu.memory_space<vmem>>
    %dma_start3A_232 = tpu.memref_slice %arg14[%add3A_224, %dma_start3A_227, %mul3A_226] : memref<16x4x528xf32, #tpu.memory_space<vmem_shared>> -> memref<1x1x128xf32, #tpu.memory_space<vmem_shared>>
    %dma_start3A_233 = tpu.memref_squeeze %dma_start3A_232 : memref<1x1x128xf32, #tpu.memory_space<vmem_shared>> -> memref<128xf32, #tpu.memory_space<vmem_shared>>
    %dma_start3A_234 = arith.constant 0 : i32
    %dma_start3A_235 = tpu.memref_slice %arg12[%select_n3A_187, %dma_start3A_228, %dma_start3A_234] : memref<4x4x128xf32, #tpu.memory_space<vmem>> -> memref<1x1x128xf32, #tpu.memory_space<vmem>>
    %dma_start3A_236 = tpu.memref_squeeze %dma_start3A_235 : memref<1x1x128xf32, #tpu.memory_space<vmem>> -> memref<128xf32, #tpu.memory_space<vmem>>
    %dma_start3A_237 = tpu.memref_slice %arg14[%add3A_224, %dma_start3A_227, %mul3A_226] : memref<16x4x528xf32, #tpu.memory_space<vmem_shared>> -> memref<1x1x128xf32, #tpu.memory_space<vmem_shared>>
    %dma_start3A_238 = tpu.memref_squeeze %dma_start3A_237 : memref<1x1x128xf32, #tpu.memory_space<vmem_shared>> -> memref<128xf32, #tpu.memory_space<vmem_shared>>
    tpu.enqueue_dma source(%dma_start3A_238 : memref<128xf32, #tpu.memory_space<vmem_shared>>) target(%dma_start3A_236 : memref<128xf32, #tpu.memory_space<vmem>>) target_semaphore(%arg15 : memref<!tpu.dma_semaphore, #tpu.memory_space<semaphore_mem>>)
    %mul3A_239 = arith.constant 4 : i32
    %mul3A_240 = arith.muli %select_n3A_153, %mul3A_239 : i32
    %add3A_241 = arith.addi %mul3A_240, %select_n3A_187 : i32
    %mul3A_242 = arith.constant 128 : i32
    %mul3A_243 = arith.muli %select_n3A_169, %mul3A_242 : i32
    %dma_start3A_244 = arith.constant 3 : i32
    %dma_start3A_245 = arith.constant 3 : i32
    %dma_start3A_246 = arith.constant 0 : i32
    %dma_start3A_247 = tpu.memref_slice %arg12[%select_n3A_187, %dma_start3A_245, %dma_start3A_246] : memref<4x4x128xf32, #tpu.memory_space<vmem>> -> memref<1x1x128xf32, #tpu.memory_space<vmem>>
    %dma_start3A_248 = tpu.memref_squeeze %dma_start3A_247 : memref<1x1x128xf32, #tpu.memory_space<vmem>> -> memref<128xf32, #tpu.memory_space<vmem>>
    %dma_start3A_249 = tpu.memref_slice %arg14[%add3A_241, %dma_start3A_244, %mul3A_243] : memref<16x4x528xf32, #tpu.memory_space<vmem_shared>> -> memref<1x1x128xf32, #tpu.memory_space<vmem_shared>>
    %dma_start3A_250 = tpu.memref_squeeze %dma_start3A_249 : memref<1x1x128xf32, #tpu.memory_space<vmem_shared>> -> memref<128xf32, #tpu.memory_space<vmem_shared>>
    %dma_start3A_251 = arith.constant 0 : i32
    %dma_start3A_252 = tpu.memref_slice %arg12[%select_n3A_187, %dma_start3A_245, %dma_start3A_251] : memref<4x4x128xf32, #tpu.memory_space<vmem>> -> memref<1x1x128xf32, #tpu.memory_space<vmem>>
    %dma_start3A_253 = tpu.memref_squeeze %dma_start3A_252 : memref<1x1x128xf32, #tpu.memory_space<vmem>> -> memref<128xf32, #tpu.memory_space<vmem>>
    %dma_start3A_254 = tpu.memref_slice %arg14[%add3A_241, %dma_start3A_244, %mul3A_243] : memref<16x4x528xf32, #tpu.memory_space<vmem_shared>> -> memref<1x1x128xf32, #tpu.memory_space<vmem_shared>>
    %dma_start3A_255 = tpu.memref_squeeze %dma_start3A_254 : memref<1x1x128xf32, #tpu.memory_space<vmem_shared>> -> memref<128xf32, #tpu.memory_space<vmem_shared>>
    tpu.enqueue_dma source(%dma_start3A_255 : memref<128xf32, #tpu.memory_space<vmem_shared>>) target(%dma_start3A_253 : memref<128xf32, #tpu.memory_space<vmem>>) target_semaphore(%arg15 : memref<!tpu.dma_semaphore, #tpu.memory_space<semaphore_mem>>)
    %add3A_256 = arith.constant 2 : i32
    %add3A_257 = arith.addi %select_n3A_169, %add3A_256 : i32
    %jit3A_258 = arith.constant 4 : i32
    %eq3A_259 = arith.constant 0 : i32
    %eq3A_260 = arith.cmpi eq, %jit3A_258, %eq3A_259 : i32
    %jit3A_261 = arith.constant 1 : i32
    %select_n3A_262 = arith.select %eq3A_260, %jit3A_261, %jit3A_258 : i32
    %rem3A_263 = arith.remsi %add3A_257, %select_n3A_262 : i32
    %ne3A_264 = arith.constant 0 : i32
    %ne3A_265 = arith.cmpi ne, %rem3A_263, %ne3A_264 : i32
    %lt3A_266 = arith.constant 0 : i32
    %lt3A_267 = arith.cmpi slt, %rem3A_263, %lt3A_266 : i32
    %lt3A_268 = arith.constant 0 : i32
    %lt3A_269 = arith.cmpi slt, %select_n3A_262, %lt3A_268 : i32
    %ne3A_270 = arith.xori %lt3A_267, %lt3A_269 : i1
    %and3A_271 = arith.andi %ne3A_270, %ne3A_265 : i1
    %add3A_272 = arith.addi %rem3A_263, %select_n3A_262 : i32
    %select_n3A_273 = arith.select %and3A_271, %add3A_272, %rem3A_263 : i32
    %mul3A_274 = arith.constant 4 : i32
    %mul3A_275 = arith.muli %select_n3A_153, %mul3A_274 : i32
    %add3A_276 = arith.addi %mul3A_275, %select_n3A_273 : i32
    %mul3A_277 = arith.constant 128 : i32
    %mul3A_278 = arith.muli %select_n3A_169, %mul3A_277 : i32
    %dma_start3A_279 = arith.constant 0 : i32
    %dma_start3A_280 = arith.constant 0 : i32
    %dma_start3A_281 = arith.constant 0 : i32
    %dma_start3A_282 = tpu.memref_slice %arg12[%select_n3A_273, %dma_start3A_280, %dma_start3A_281] : memref<4x4x128xf32, #tpu.memory_space<vmem>> -> memref<1x1x128xf32, #tpu.memory_space<vmem>>
    %dma_start3A_283 = tpu.memref_squeeze %dma_start3A_282 : memref<1x1x128xf32, #tpu.memory_space<vmem>> -> memref<128xf32, #tpu.memory_space<vmem>>
    %dma_start3A_284 = tpu.memref_slice %arg14[%add3A_276, %dma_start3A_279, %mul3A_278] : memref<16x4x528xf32, #tpu.memory_space<vmem_shared>> -> memref<1x1x128xf32, #tpu.memory_space<vmem_shared>>
    %dma_start3A_285 = tpu.memref_squeeze %dma_start3A_284 : memref<1x1x128xf32, #tpu.memory_space<vmem_shared>> -> memref<128xf32, #tpu.memory_space<vmem_shared>>
    %dma_start3A_286 = arith.constant 0 : i32
    %dma_start3A_287 = tpu.memref_slice %arg12[%select_n3A_273, %dma_start3A_280, %dma_start3A_286] : memref<4x4x128xf32, #tpu.memory_space<vmem>> -> memref<1x1x128xf32, #tpu.memory_space<vmem>>
    %dma_start3A_288 = tpu.memref_squeeze %dma_start3A_287 : memref<1x1x128xf32, #tpu.memory_space<vmem>> -> memref<128xf32, #tpu.memory_space<vmem>>
    %dma_start3A_289 = tpu.memref_slice %arg14[%add3A_276, %dma_start3A_279, %mul3A_278] : memref<16x4x528xf32, #tpu.memory_space<vmem_shared>> -> memref<1x1x128xf32, #tpu.memory_space<vmem_shared>>
    %dma_start3A_290 = tpu.memref_squeeze %dma_start3A_289 : memref<1x1x128xf32, #tpu.memory_space<vmem_shared>> -> memref<128xf32, #tpu.memory_space<vmem_shared>>
    tpu.enqueue_dma source(%dma_start3A_290 : memref<128xf32, #tpu.memory_space<vmem_shared>>) target(%dma_start3A_288 : memref<128xf32, #tpu.memory_space<vmem>>) target_semaphore(%arg15 : memref<!tpu.dma_semaphore, #tpu.memory_space<semaphore_mem>>)
    %mul3A_291 = arith.constant 4 : i32
    %mul3A_292 = arith.muli %select_n3A_153, %mul3A_291 : i32
    %add3A_293 = arith.addi %mul3A_292, %select_n3A_273 : i32
    %mul3A_294 = arith.constant 128 : i32
    %mul3A_295 = arith.muli %select_n3A_169, %mul3A_294 : i32
    %dma_start3A_296 = arith.constant 1 : i32
    %dma_start3A_297 = arith.constant 1 : i32
    %dma_start3A_298 = arith.constant 0 : i32
    %dma_start3A_299 = tpu.memref_slice %arg12[%select_n3A_273, %dma_start3A_297, %dma_start3A_298] : memref<4x4x128xf32, #tpu.memory_space<vmem>> -> memref<1x1x128xf32, #tpu.memory_space<vmem>>
    %dma_start3A_300 = tpu.memref_squeeze %dma_start3A_299 : memref<1x1x128xf32, #tpu.memory_space<vmem>> -> memref<128xf32, #tpu.memory_space<vmem>>
    %dma_start3A_301 = tpu.memref_slice %arg14[%add3A_293, %dma_start3A_296, %mul3A_295] : memref<16x4x528xf32, #tpu.memory_space<vmem_shared>> -> memref<1x1x128xf32, #tpu.memory_space<vmem_shared>>
    %dma_start3A_302 = tpu.memref_squeeze %dma_start3A_301 : memref<1x1x128xf32, #tpu.memory_space<vmem_shared>> -> memref<128xf32, #tpu.memory_space<vmem_shared>>
    %dma_start3A_303 = arith.constant 0 : i32
    %dma_start3A_304 = tpu.memref_slice %arg12[%select_n3A_273, %dma_start3A_297, %dma_start3A_303] : memref<4x4x128xf32, #tpu.memory_space<vmem>> -> memref<1x1x128xf32, #tpu.memory_space<vmem>>
    %dma_start3A_305 = tpu.memref_squeeze %dma_start3A_304 : memref<1x1x128xf32, #tpu.memory_space<vmem>> -> memref<128xf32, #tpu.memory_space<vmem>>
    %dma_start3A_306 = tpu.memref_slice %arg14[%add3A_293, %dma_start3A_296, %mul3A_295] : memref<16x4x528xf32, #tpu.memory_space<vmem_shared>> -> memref<1x1x128xf32, #tpu.memory_space<vmem_shared>>
    %dma_start3A_307 = tpu.memref_squeeze %dma_start3A_306 : memref<1x1x128xf32, #tpu.memory_space<vmem_shared>> -> memref<128xf32, #tpu.memory_space<vmem_shared>>
    tpu.enqueue_dma source(%dma_start3A_307 : memref<128xf32, #tpu.memory_space<vmem_shared>>) target(%dma_start3A_305 : memref<128xf32, #tpu.memory_space<vmem>>) target_semaphore(%arg15 : memref<!tpu.dma_semaphore, #tpu.memory_space<semaphore_mem>>)
    %mul3A_308 = arith.constant 4 : i32
    %mul3A_309 = arith.muli %select_n3A_153, %mul3A_308 : i32
    %add3A_310 = arith.addi %mul3A_309, %select_n3A_273 : i32
    %mul3A_311 = arith.constant 128 : i32
    %mul3A_312 = arith.muli %select_n3A_169, %mul3A_311 : i32
    %dma_start3A_313 = arith.constant 2 : i32
    %dma_start3A_314 = arith.constant 2 : i32
    %dma_start3A_315 = arith.constant 0 : i32
    %dma_start3A_316 = tpu.memref_slice %arg12[%select_n3A_273, %dma_start3A_314, %dma_start3A_315] : memref<4x4x128xf32, #tpu.memory_space<vmem>> -> memref<1x1x128xf32, #tpu.memory_space<vmem>>
    %dma_start3A_317 = tpu.memref_squeeze %dma_start3A_316 : memref<1x1x128xf32, #tpu.memory_space<vmem>> -> memref<128xf32, #tpu.memory_space<vmem>>
    %dma_start3A_318 = tpu.memref_slice %arg14[%add3A_310, %dma_start3A_313, %mul3A_312] : memref<16x4x528xf32, #tpu.memory_space<vmem_shared>> -> memref<1x1x128xf32, #tpu.memory_space<vmem_shared>>
    %dma_start3A_319 = tpu.memref_squeeze %dma_start3A_318 : memref<1x1x128xf32, #tpu.memory_space<vmem_shared>> -> memref<128xf32, #tpu.memory_space<vmem_shared>>
    %dma_start3A_320 = arith.constant 0 : i32
    %dma_start3A_321 = tpu.memref_slice %arg12[%select_n3A_273, %dma_start3A_314, %dma_start3A_320] : memref<4x4x128xf32, #tpu.memory_space<vmem>> -> memref<1x1x128xf32, #tpu.memory_space<vmem>>
    %dma_start3A_322 = tpu.memref_squeeze %dma_start3A_321 : memref<1x1x128xf32, #tpu.memory_space<vmem>> -> memref<128xf32, #tpu.memory_space<vmem>>
    %dma_start3A_323 = tpu.memref_slice %arg14[%add3A_310, %dma_start3A_313, %mul3A_312] : memref<16x4x528xf32, #tpu.memory_space<vmem_shared>> -> memref<1x1x128xf32, #tpu.memory_space<vmem_shared>>
    %dma_start3A_324 = tpu.memref_squeeze %dma_start3A_323 : memref<1x1x128xf32, #tpu.memory_space<vmem_shared>> -> memref<128xf32, #tpu.memory_space<vmem_shared>>
    tpu.enqueue_dma source(%dma_start3A_324 : memref<128xf32, #tpu.memory_space<vmem_shared>>) target(%dma_start3A_322 : memref<128xf32, #tpu.memory_space<vmem>>) target_semaphore(%arg15 : memref<!tpu.dma_semaphore, #tpu.memory_space<semaphore_mem>>)
    %mul3A_325 = arith.constant 4 : i32
    %mul3A_326 = arith.muli %select_n3A_153, %mul3A_325 : i32
    %add3A_327 = arith.addi %mul3A_326, %select_n3A_273 : i32
    %mul3A_328 = arith.constant 128 : i32
    %mul3A_329 = arith.muli %select_n3A_169, %mul3A_328 : i32
    %dma_start3A_330 = arith.constant 3 : i32
    %dma_start3A_331 = arith.constant 3 : i32
    %dma_start3A_332 = arith.constant 0 : i32
    %dma_start3A_333 = tpu.memref_slice %arg12[%select_n3A_273, %dma_start3A_331, %dma_start3A_332] : memref<4x4x128xf32, #tpu.memory_space<vmem>> -> memref<1x1x128xf32, #tpu.memory_space<vmem>>
    %dma_start3A_334 = tpu.memref_squeeze %dma_start3A_333 : memref<1x1x128xf32, #tpu.memory_space<vmem>> -> memref<128xf32, #tpu.memory_space<vmem>>
    %dma_start3A_335 = tpu.memref_slice %arg14[%add3A_327, %dma_start3A_330, %mul3A_329] : memref<16x4x528xf32, #tpu.memory_space<vmem_shared>> -> memref<1x1x128xf32, #tpu.memory_space<vmem_shared>>
    %dma_start3A_336 = tpu.memref_squeeze %dma_start3A_335 : memref<1x1x128xf32, #tpu.memory_space<vmem_shared>> -> memref<128xf32, #tpu.memory_space<vmem_shared>>
    %dma_start3A_337 = arith.constant 0 : i32
    %dma_start3A_338 = tpu.memref_slice %arg12[%select_n3A_273, %dma_start3A_331, %dma_start3A_337] : memref<4x4x128xf32, #tpu.memory_space<vmem>> -> memref<1x1x128xf32, #tpu.memory_space<vmem>>
    %dma_start3A_339 = tpu.memref_squeeze %dma_start3A_338 : memref<1x1x128xf32, #tpu.memory_space<vmem>> -> memref<128xf32, #tpu.memory_space<vmem>>
    %dma_start3A_340 = tpu.memref_slice %arg14[%add3A_327, %dma_start3A_330, %mul3A_329] : memref<16x4x528xf32, #tpu.memory_space<vmem_shared>> -> memref<1x1x128xf32, #tpu.memory_space<vmem_shared>>
    %dma_start3A_341 = tpu.memref_squeeze %dma_start3A_340 : memref<1x1x128xf32, #tpu.memory_space<vmem_shared>> -> memref<128xf32, #tpu.memory_space<vmem_shared>>
    tpu.enqueue_dma source(%dma_start3A_341 : memref<128xf32, #tpu.memory_space<vmem_shared>>) target(%dma_start3A_339 : memref<128xf32, #tpu.memory_space<vmem>>) target_semaphore(%arg15 : memref<!tpu.dma_semaphore, #tpu.memory_space<semaphore_mem>>)
    %add3A_342 = arith.constant 3 : i32
    %add3A_343 = arith.addi %select_n3A_169, %add3A_342 : i32
    %jit3A_344 = arith.constant 4 : i32
    %eq3A_345 = arith.constant 0 : i32
    %eq3A_346 = arith.cmpi eq, %jit3A_344, %eq3A_345 : i32
    %jit3A_347 = arith.constant 1 : i32
    %select_n3A_348 = arith.select %eq3A_346, %jit3A_347, %jit3A_344 : i32
    %rem3A_349 = arith.remsi %add3A_343, %select_n3A_348 : i32
    %ne3A_350 = arith.constant 0 : i32
    %ne3A_351 = arith.cmpi ne, %rem3A_349, %ne3A_350 : i32
    %lt3A_352 = arith.constant 0 : i32
    %lt3A_353 = arith.cmpi slt, %rem3A_349, %lt3A_352 : i32
    %lt3A_354 = arith.constant 0 : i32
    %lt3A_355 = arith.cmpi slt, %select_n3A_348, %lt3A_354 : i32
    %ne3A_356 = arith.xori %lt3A_353, %lt3A_355 : i1
    %and3A_357 = arith.andi %ne3A_356, %ne3A_351 : i1
    %add3A_358 = arith.addi %rem3A_349, %select_n3A_348 : i32
    %select_n3A_359 = arith.select %and3A_357, %add3A_358, %rem3A_349 : i32
    %mul3A_360 = arith.constant 4 : i32
    %mul3A_361 = arith.muli %select_n3A_153, %mul3A_360 : i32
    %add3A_362 = arith.addi %mul3A_361, %select_n3A_359 : i32
    %mul3A_363 = arith.constant 128 : i32
    %mul3A_364 = arith.muli %select_n3A_169, %mul3A_363 : i32
    %dma_start3A_365 = arith.constant 0 : i32
    %dma_start3A_366 = arith.constant 0 : i32
    %dma_start3A_367 = arith.constant 0 : i32
    %dma_start3A_368 = tpu.memref_slice %arg12[%select_n3A_359, %dma_start3A_366, %dma_start3A_367] : memref<4x4x128xf32, #tpu.memory_space<vmem>> -> memref<1x1x128xf32, #tpu.memory_space<vmem>>
    %dma_start3A_369 = tpu.memref_squeeze %dma_start3A_368 : memref<1x1x128xf32, #tpu.memory_space<vmem>> -> memref<128xf32, #tpu.memory_space<vmem>>
    %dma_start3A_370 = tpu.memref_slice %arg14[%add3A_362, %dma_start3A_365, %mul3A_364] : memref<16x4x528xf32, #tpu.memory_space<vmem_shared>> -> memref<1x1x128xf32, #tpu.memory_space<vmem_shared>>
    %dma_start3A_371 = tpu.memref_squeeze %dma_start3A_370 : memref<1x1x128xf32, #tpu.memory_space<vmem_shared>> -> memref<128xf32, #tpu.memory_space<vmem_shared>>
    %dma_start3A_372 = arith.constant 0 : i32
    %dma_start3A_373 = tpu.memref_slice %arg12[%select_n3A_359, %dma_start3A_366, %dma_start3A_372] : memref<4x4x128xf32, #tpu.memory_space<vmem>> -> memref<1x1x128xf32, #tpu.memory_space<vmem>>
    %dma_start3A_374 = tpu.memref_squeeze %dma_start3A_373 : memref<1x1x128xf32, #tpu.memory_space<vmem>> -> memref<128xf32, #tpu.memory_space<vmem>>
    %dma_start3A_375 = tpu.memref_slice %arg14[%add3A_362, %dma_start3A_365, %mul3A_364] : memref<16x4x528xf32, #tpu.memory_space<vmem_shared>> -> memref<1x1x128xf32, #tpu.memory_space<vmem_shared>>
    %dma_start3A_376 = tpu.memref_squeeze %dma_start3A_375 : memref<1x1x128xf32, #tpu.memory_space<vmem_shared>> -> memref<128xf32, #tpu.memory_space<vmem_shared>>
    tpu.enqueue_dma source(%dma_start3A_376 : memref<128xf32, #tpu.memory_space<vmem_shared>>) target(%dma_start3A_374 : memref<128xf32, #tpu.memory_space<vmem>>) target_semaphore(%arg15 : memref<!tpu.dma_semaphore, #tpu.memory_space<semaphore_mem>>)
    %mul3A_377 = arith.constant 4 : i32
    %mul3A_378 = arith.muli %select_n3A_153, %mul3A_377 : i32
    %add3A_379 = arith.addi %mul3A_378, %select_n3A_359 : i32
    %mul3A_380 = arith.constant 128 : i32
    %mul3A_381 = arith.muli %select_n3A_169, %mul3A_380 : i32
    %dma_start3A_382 = arith.constant 1 : i32
    %dma_start3A_383 = arith.constant 1 : i32
    %dma_start3A_384 = arith.constant 0 : i32
    %dma_start3A_385 = tpu.memref_slice %arg12[%select_n3A_359, %dma_start3A_383, %dma_start3A_384] : memref<4x4x128xf32, #tpu.memory_space<vmem>> -> memref<1x1x128xf32, #tpu.memory_space<vmem>>
    %dma_start3A_386 = tpu.memref_squeeze %dma_start3A_385 : memref<1x1x128xf32, #tpu.memory_space<vmem>> -> memref<128xf32, #tpu.memory_space<vmem>>
    %dma_start3A_387 = tpu.memref_slice %arg14[%add3A_379, %dma_start3A_382, %mul3A_381] : memref<16x4x528xf32, #tpu.memory_space<vmem_shared>> -> memref<1x1x128xf32, #tpu.memory_space<vmem_shared>>
    %dma_start3A_388 = tpu.memref_squeeze %dma_start3A_387 : memref<1x1x128xf32, #tpu.memory_space<vmem_shared>> -> memref<128xf32, #tpu.memory_space<vmem_shared>>
    %dma_start3A_389 = arith.constant 0 : i32
    %dma_start3A_390 = tpu.memref_slice %arg12[%select_n3A_359, %dma_start3A_383, %dma_start3A_389] : memref<4x4x128xf32, #tpu.memory_space<vmem>> -> memref<1x1x128xf32, #tpu.memory_space<vmem>>
    %dma_start3A_391 = tpu.memref_squeeze %dma_start3A_390 : memref<1x1x128xf32, #tpu.memory_space<vmem>> -> memref<128xf32, #tpu.memory_space<vmem>>
    %dma_start3A_392 = tpu.memref_slice %arg14[%add3A_379, %dma_start3A_382, %mul3A_381] : memref<16x4x528xf32, #tpu.memory_space<vmem_shared>> -> memref<1x1x128xf32, #tpu.memory_space<vmem_shared>>
    %dma_start3A_393 = tpu.memref_squeeze %dma_start3A_392 : memref<1x1x128xf32, #tpu.memory_space<vmem_shared>> -> memref<128xf32, #tpu.memory_space<vmem_shared>>
    tpu.enqueue_dma source(%dma_start3A_393 : memref<128xf32, #tpu.memory_space<vmem_shared>>) target(%dma_start3A_391 : memref<128xf32, #tpu.memory_space<vmem>>) target_semaphore(%arg15 : memref<!tpu.dma_semaphore, #tpu.memory_space<semaphore_mem>>)
    %mul3A_394 = arith.constant 4 : i32
    %mul3A_395 = arith.muli %select_n3A_153, %mul3A_394 : i32
    %add3A_396 = arith.addi %mul3A_395, %select_n3A_359 : i32
    %mul3A_397 = arith.constant 128 : i32
    %mul3A_398 = arith.muli %select_n3A_169, %mul3A_397 : i32
    %dma_start3A_399 = arith.constant 2 : i32
    %dma_start3A_400 = arith.constant 2 : i32
    %dma_start3A_401 = arith.constant 0 : i32
    %dma_start3A_402 = tpu.memref_slice %arg12[%select_n3A_359, %dma_start3A_400, %dma_start3A_401] : memref<4x4x128xf32, #tpu.memory_space<vmem>> -> memref<1x1x128xf32, #tpu.memory_space<vmem>>
    %dma_start3A_403 = tpu.memref_squeeze %dma_start3A_402 : memref<1x1x128xf32, #tpu.memory_space<vmem>> -> memref<128xf32, #tpu.memory_space<vmem>>
    %dma_start3A_404 = tpu.memref_slice %arg14[%add3A_396, %dma_start3A_399, %mul3A_398] : memref<16x4x528xf32, #tpu.memory_space<vmem_shared>> -> memref<1x1x128xf32, #tpu.memory_space<vmem_shared>>
    %dma_start3A_405 = tpu.memref_squeeze %dma_start3A_404 : memref<1x1x128xf32, #tpu.memory_space<vmem_shared>> -> memref<128xf32, #tpu.memory_space<vmem_shared>>
    %dma_start3A_406 = arith.constant 0 : i32
    %dma_start3A_407 = tpu.memref_slice %arg12[%select_n3A_359, %dma_start3A_400, %dma_start3A_406] : memref<4x4x128xf32, #tpu.memory_space<vmem>> -> memref<1x1x128xf32, #tpu.memory_space<vmem>>
    %dma_start3A_408 = tpu.memref_squeeze %dma_start3A_407 : memref<1x1x128xf32, #tpu.memory_space<vmem>> -> memref<128xf32, #tpu.memory_space<vmem>>
    %dma_start3A_409 = tpu.memref_slice %arg14[%add3A_396, %dma_start3A_399, %mul3A_398] : memref<16x4x528xf32, #tpu.memory_space<vmem_shared>> -> memref<1x1x128xf32, #tpu.memory_space<vmem_shared>>
    %dma_start3A_410 = tpu.memref_squeeze %dma_start3A_409 : memref<1x1x128xf32, #tpu.memory_space<vmem_shared>> -> memref<128xf32, #tpu.memory_space<vmem_shared>>
    tpu.enqueue_dma source(%dma_start3A_410 : memref<128xf32, #tpu.memory_space<vmem_shared>>) target(%dma_start3A_408 : memref<128xf32, #tpu.memory_space<vmem>>) target_semaphore(%arg15 : memref<!tpu.dma_semaphore, #tpu.memory_space<semaphore_mem>>)
    %mul3A_411 = arith.constant 4 : i32
    %mul3A_412 = arith.muli %select_n3A_153, %mul3A_411 : i32
    %add3A_413 = arith.addi %mul3A_412, %select_n3A_359 : i32
    %mul3A_414 = arith.constant 128 : i32
    %mul3A_415 = arith.muli %select_n3A_169, %mul3A_414 : i32
    %dma_start3A_416 = arith.constant 3 : i32
    %dma_start3A_417 = arith.constant 3 : i32
    %dma_start3A_418 = arith.constant 0 : i32
    %dma_start3A_419 = tpu.memref_slice %arg12[%select_n3A_359, %dma_start3A_417, %dma_start3A_418] : memref<4x4x128xf32, #tpu.memory_space<vmem>> -> memref<1x1x128xf32, #tpu.memory_space<vmem>>
    %dma_start3A_420 = tpu.memref_squeeze %dma_start3A_419 : memref<1x1x128xf32, #tpu.memory_space<vmem>> -> memref<128xf32, #tpu.memory_space<vmem>>
    %dma_start3A_421 = tpu.memref_slice %arg14[%add3A_413, %dma_start3A_416, %mul3A_415] : memref<16x4x528xf32, #tpu.memory_space<vmem_shared>> -> memref<1x1x128xf32, #tpu.memory_space<vmem_shared>>
    %dma_start3A_422 = tpu.memref_squeeze %dma_start3A_421 : memref<1x1x128xf32, #tpu.memory_space<vmem_shared>> -> memref<128xf32, #tpu.memory_space<vmem_shared>>
    %dma_start3A_423 = arith.constant 0 : i32
    %dma_start3A_424 = tpu.memref_slice %arg12[%select_n3A_359, %dma_start3A_417, %dma_start3A_423] : memref<4x4x128xf32, #tpu.memory_space<vmem>> -> memref<1x1x128xf32, #tpu.memory_space<vmem>>
    %dma_start3A_425 = tpu.memref_squeeze %dma_start3A_424 : memref<1x1x128xf32, #tpu.memory_space<vmem>> -> memref<128xf32, #tpu.memory_space<vmem>>
    %dma_start3A_426 = tpu.memref_slice %arg14[%add3A_413, %dma_start3A_416, %mul3A_415] : memref<16x4x528xf32, #tpu.memory_space<vmem_shared>> -> memref<1x1x128xf32, #tpu.memory_space<vmem_shared>>
    %dma_start3A_427 = tpu.memref_squeeze %dma_start3A_426 : memref<1x1x128xf32, #tpu.memory_space<vmem_shared>> -> memref<128xf32, #tpu.memory_space<vmem_shared>>
    tpu.enqueue_dma source(%dma_start3A_427 : memref<128xf32, #tpu.memory_space<vmem_shared>>) target(%dma_start3A_425 : memref<128xf32, #tpu.memory_space<vmem>>) target_semaphore(%arg15 : memref<!tpu.dma_semaphore, #tpu.memory_space<semaphore_mem>>)
    %scan3A_428 = arith.constant 0 : i32
    %scan3A_429 = arith.constant 0 : i32
    %scan3A_430 = arith.constant 8 : i32
    %scan3A_431 = arith.addi %scan3A_429, %scan3A_430 : i32
    %scan3A_432 = arith.constant 1 : i32
    %scan3A_433 = scf.for %scan3A_613 = %scan3A_429 to %scan3A_431 step %scan3A_432 iter_args(%scan3A_614 = %scan3A_428) -> (i32)  : i32 {
      %mul3A_615 = arith.constant 128 : i32
      %mul3A_616 = arith.muli %select_n3A_169, %mul3A_615 : i32
      %mul3A_617 = arith.constant 16 : i32
      %mul3A_618 = arith.muli %scan3A_613, %mul3A_617 : i32
      %add3A_619 = arith.addi %mul3A_616, %mul3A_618 : i32
      %get3A = arith.index_cast %add3A_619 : i32 to index
      %get3A_620 = tpu.vector_load %arg8[%get3A] {strides = array<i32>} : memref<528xf32, #tpu.memory_space<vmem>>, vector<16xf32>,
      %mul3A_621 = arith.constant 16 : i32
      %mul3A_622 = arith.muli %scan3A_613, %mul3A_621 : i32
      %swap3A = arith.constant 0 : i32
      %swap3A_623 = arith.index_cast %select_n3A_169 : i32 to index
      %swap3A_624 = arith.index_cast %swap3A : i32 to index
      %swap3A_625 = arith.index_cast %mul3A_622 : i32 to index
      %swap3A_626 = tpu.vector_load %arg12[%swap3A_623, %swap3A_624, %swap3A_625] {strides = array<i32>} : memref<4x4x128xf32, #tpu.memory_space<vmem>>, vector<16xf32>,
      tpu.vector_store %arg12[%swap3A_623, %swap3A_624, %swap3A_625], %get3A_620 {strides = array<i32>} : memref<4x4x128xf32, #tpu.memory_space<vmem>>, vector<16xf32>,
      %mul3A_627 = arith.constant 128 : i32
      %mul3A_628 = arith.muli %select_n3A_169, %mul3A_627 : i32
      %mul3A_629 = arith.constant 16 : i32
      %mul3A_630 = arith.muli %scan3A_613, %mul3A_629 : i32
      %add3A_631 = arith.addi %mul3A_628, %mul3A_630 : i32
      %get3A_632 = arith.index_cast %add3A_631 : i32 to index
      %get3A_633 = tpu.vector_load %arg9[%get3A_632] {strides = array<i32>} : memref<528xf32, #tpu.memory_space<vmem>>, vector<16xf32>,
      %mul3A_634 = arith.constant 16 : i32
      %mul3A_635 = arith.muli %scan3A_613, %mul3A_634 : i32
      %swap3A_636 = arith.constant 1 : i32
      %swap3A_637 = arith.index_cast %select_n3A_169 : i32 to index
      %swap3A_638 = arith.index_cast %swap3A_636 : i32 to index
      %swap3A_639 = arith.index_cast %mul3A_635 : i32 to index
      %swap3A_640 = tpu.vector_load %arg12[%swap3A_637, %swap3A_638, %swap3A_639] {strides = array<i32>} : memref<4x4x128xf32, #tpu.memory_space<vmem>>, vector<16xf32>,
      tpu.vector_store %arg12[%swap3A_637, %swap3A_638, %swap3A_639], %get3A_633 {strides = array<i32>} : memref<4x4x128xf32, #tpu.memory_space<vmem>>, vector<16xf32>,
      %mul3A_641 = arith.constant 128 : i32
      %mul3A_642 = arith.muli %select_n3A_169, %mul3A_641 : i32
      %mul3A_643 = arith.constant 16 : i32
      %mul3A_644 = arith.muli %scan3A_613, %mul3A_643 : i32
      %add3A_645 = arith.addi %mul3A_642, %mul3A_644 : i32
      %get3A_646 = arith.index_cast %add3A_645 : i32 to index
      %get3A_647 = tpu.vector_load %arg10[%get3A_646] {strides = array<i32>} : memref<528xf32, #tpu.memory_space<vmem>>, vector<16xf32>,
      %mul3A_648 = arith.constant 16 : i32
      %mul3A_649 = arith.muli %scan3A_613, %mul3A_648 : i32
      %swap3A_650 = arith.constant 2 : i32
      %swap3A_651 = arith.index_cast %select_n3A_169 : i32 to index
      %swap3A_652 = arith.index_cast %swap3A_650 : i32 to index
      %swap3A_653 = arith.index_cast %mul3A_649 : i32 to index
      %swap3A_654 = tpu.vector_load %arg12[%swap3A_651, %swap3A_652, %swap3A_653] {strides = array<i32>} : memref<4x4x128xf32, #tpu.memory_space<vmem>>, vector<16xf32>,
      tpu.vector_store %arg12[%swap3A_651, %swap3A_652, %swap3A_653], %get3A_647 {strides = array<i32>} : memref<4x4x128xf32, #tpu.memory_space<vmem>>, vector<16xf32>,
      %mul3A_655 = arith.constant 128 : i32
      %mul3A_656 = arith.muli %select_n3A_169, %mul3A_655 : i32
      %mul3A_657 = arith.constant 16 : i32
      %mul3A_658 = arith.muli %scan3A_613, %mul3A_657 : i32
      %add3A_659 = arith.addi %mul3A_656, %mul3A_658 : i32
      %get3A_660 = arith.index_cast %add3A_659 : i32 to index
      %get3A_661 = tpu.vector_load %arg11[%get3A_660] {strides = array<i32>} : memref<528xf32, #tpu.memory_space<vmem>>, vector<16xf32>,
      %mul3A_662 = arith.constant 16 : i32
      %mul3A_663 = arith.muli %scan3A_613, %mul3A_662 : i32
      %swap3A_664 = arith.constant 3 : i32
      %swap3A_665 = arith.index_cast %select_n3A_169 : i32 to index
      %swap3A_666 = arith.index_cast %swap3A_664 : i32 to index
      %swap3A_667 = arith.index_cast %mul3A_663 : i32 to index
      %swap3A_668 = tpu.vector_load %arg12[%swap3A_665, %swap3A_666, %swap3A_667] {strides = array<i32>} : memref<4x4x128xf32, #tpu.memory_space<vmem>>, vector<16xf32>,
      tpu.vector_store %arg12[%swap3A_665, %swap3A_666, %swap3A_667], %get3A_661 {strides = array<i32>} : memref<4x4x128xf32, #tpu.memory_space<vmem>>, vector<16xf32>,
      %scan3A_669 = arith.constant 0 : i32
      scf.yield %scan3A_669 : i32
    }
    %scan3A_434 = arith.constant 8 : i32
    %dma_wait3A_435 = arith.constant 0 : i32
    %dma_wait3A_436 = arith.constant 0 : i32
    %dma_wait3A_437 = arith.constant 0 : i32
    %dma_wait3A_438 = tpu.memref_slice %arg12[%select_n3A_187, %dma_wait3A_436, %dma_wait3A_437] : memref<4x4x128xf32, #tpu.memory_space<vmem>> -> memref<1x1x128xf32, #tpu.memory_space<vmem>>
    %dma_wait3A_439 = tpu.memref_squeeze %dma_wait3A_438 : memref<1x1x128xf32, #tpu.memory_space<vmem>> -> memref<128xf32, #tpu.memory_space<vmem>>
    %dma_wait3A_440 = tpu.memref_slice %arg14[%add3A_190, %dma_wait3A_435, %mul3A_192] : memref<16x4x528xf32, #tpu.memory_space<vmem_shared>> -> memref<1x1x128xf32, #tpu.memory_space<vmem_shared>>
    %dma_wait3A_441 = tpu.memref_squeeze %dma_wait3A_440 : memref<1x1x128xf32, #tpu.memory_space<vmem_shared>> -> memref<128xf32, #tpu.memory_space<vmem_shared>>
    %dma_wait3A_442 = arith.constant 0 : i32
    %dma_wait3A_443 = tpu.memref_slice %arg12[%select_n3A_187, %dma_wait3A_436, %dma_wait3A_442] : memref<4x4x128xf32, #tpu.memory_space<vmem>> -> memref<1x1x128xf32, #tpu.memory_space<vmem>>
    %dma_wait3A_444 = tpu.memref_squeeze %dma_wait3A_443 : memref<1x1x128xf32, #tpu.memory_space<vmem>> -> memref<128xf32, #tpu.memory_space<vmem>>
    %dma_wait3A_445 = tpu.memref_slice %arg14[%add3A_190, %dma_wait3A_435, %mul3A_192] : memref<16x4x528xf32, #tpu.memory_space<vmem_shared>> -> memref<1x1x128xf32, #tpu.memory_space<vmem_shared>>
    %dma_wait3A_446 = tpu.memref_squeeze %dma_wait3A_445 : memref<1x1x128xf32, #tpu.memory_space<vmem_shared>> -> memref<128xf32, #tpu.memory_space<vmem_shared>>
    tpu.wait_dma2 semaphore(%arg15 : memref<!tpu.dma_semaphore, #tpu.memory_space<semaphore_mem>>) src(%dma_wait3A_446 : memref<128xf32, #tpu.memory_space<vmem_shared>>) dst(%dma_wait3A_444 : memref<128xf32, #tpu.memory_space<vmem>>)
    %dma_wait3A_447 = arith.constant 1 : i32
    %dma_wait3A_448 = arith.constant 1 : i32
    %dma_wait3A_449 = arith.constant 0 : i32
    %dma_wait3A_450 = tpu.memref_slice %arg12[%select_n3A_187, %dma_wait3A_448, %dma_wait3A_449] : memref<4x4x128xf32, #tpu.memory_space<vmem>> -> memref<1x1x128xf32, #tpu.memory_space<vmem>>
    %dma_wait3A_451 = tpu.memref_squeeze %dma_wait3A_450 : memref<1x1x128xf32, #tpu.memory_space<vmem>> -> memref<128xf32, #tpu.memory_space<vmem>>
    %dma_wait3A_452 = tpu.memref_slice %arg14[%add3A_207, %dma_wait3A_447, %mul3A_209] : memref<16x4x528xf32, #tpu.memory_space<vmem_shared>> -> memref<1x1x128xf32, #tpu.memory_space<vmem_shared>>
    %dma_wait3A_453 = tpu.memref_squeeze %dma_wait3A_452 : memref<1x1x128xf32, #tpu.memory_space<vmem_shared>> -> memref<128xf32, #tpu.memory_space<vmem_shared>>
    %dma_wait3A_454 = arith.constant 0 : i32
    %dma_wait3A_455 = tpu.memref_slice %arg12[%select_n3A_187, %dma_wait3A_448, %dma_wait3A_454] : memref<4x4x128xf32, #tpu.memory_space<vmem>> -> memref<1x1x128xf32, #tpu.memory_space<vmem>>
    %dma_wait3A_456 = tpu.memref_squeeze %dma_wait3A_455 : memref<1x1x128xf32, #tpu.memory_space<vmem>> -> memref<128xf32, #tpu.memory_space<vmem>>
    %dma_wait3A_457 = tpu.memref_slice %arg14[%add3A_207, %dma_wait3A_447, %mul3A_209] : memref<16x4x528xf32, #tpu.memory_space<vmem_shared>> -> memref<1x1x128xf32, #tpu.memory_space<vmem_shared>>
    %dma_wait3A_458 = tpu.memref_squeeze %dma_wait3A_457 : memref<1x1x128xf32, #tpu.memory_space<vmem_shared>> -> memref<128xf32, #tpu.memory_space<vmem_shared>>
    tpu.wait_dma2 semaphore(%arg15 : memref<!tpu.dma_semaphore, #tpu.memory_space<semaphore_mem>>) src(%dma_wait3A_458 : memref<128xf32, #tpu.memory_space<vmem_shared>>) dst(%dma_wait3A_456 : memref<128xf32, #tpu.memory_space<vmem>>)
    %dma_wait3A_459 = arith.constant 2 : i32
    %dma_wait3A_460 = arith.constant 2 : i32
    %dma_wait3A_461 = arith.constant 0 : i32
    %dma_wait3A_462 = tpu.memref_slice %arg12[%select_n3A_187, %dma_wait3A_460, %dma_wait3A_461] : memref<4x4x128xf32, #tpu.memory_space<vmem>> -> memref<1x1x128xf32, #tpu.memory_space<vmem>>
    %dma_wait3A_463 = tpu.memref_squeeze %dma_wait3A_462 : memref<1x1x128xf32, #tpu.memory_space<vmem>> -> memref<128xf32, #tpu.memory_space<vmem>>
    %dma_wait3A_464 = tpu.memref_slice %arg14[%add3A_224, %dma_wait3A_459, %mul3A_226] : memref<16x4x528xf32, #tpu.memory_space<vmem_shared>> -> memref<1x1x128xf32, #tpu.memory_space<vmem_shared>>
    %dma_wait3A_465 = tpu.memref_squeeze %dma_wait3A_464 : memref<1x1x128xf32, #tpu.memory_space<vmem_shared>> -> memref<128xf32, #tpu.memory_space<vmem_shared>>
    %dma_wait3A_466 = arith.constant 0 : i32
    %dma_wait3A_467 = tpu.memref_slice %arg12[%select_n3A_187, %dma_wait3A_460, %dma_wait3A_466] : memref<4x4x128xf32, #tpu.memory_space<vmem>> -> memref<1x1x128xf32, #tpu.memory_space<vmem>>
    %dma_wait3A_468 = tpu.memref_squeeze %dma_wait3A_467 : memref<1x1x128xf32, #tpu.memory_space<vmem>> -> memref<128xf32, #tpu.memory_space<vmem>>
    %dma_wait3A_469 = tpu.memref_slice %arg14[%add3A_224, %dma_wait3A_459, %mul3A_226] : memref<16x4x528xf32, #tpu.memory_space<vmem_shared>> -> memref<1x1x128xf32, #tpu.memory_space<vmem_shared>>
    %dma_wait3A_470 = tpu.memref_squeeze %dma_wait3A_469 : memref<1x1x128xf32, #tpu.memory_space<vmem_shared>> -> memref<128xf32, #tpu.memory_space<vmem_shared>>
    tpu.wait_dma2 semaphore(%arg15 : memref<!tpu.dma_semaphore, #tpu.memory_space<semaphore_mem>>) src(%dma_wait3A_470 : memref<128xf32, #tpu.memory_space<vmem_shared>>) dst(%dma_wait3A_468 : memref<128xf32, #tpu.memory_space<vmem>>)
    %dma_wait3A_471 = arith.constant 3 : i32
    %dma_wait3A_472 = arith.constant 3 : i32
    %dma_wait3A_473 = arith.constant 0 : i32
    %dma_wait3A_474 = tpu.memref_slice %arg12[%select_n3A_187, %dma_wait3A_472, %dma_wait3A_473] : memref<4x4x128xf32, #tpu.memory_space<vmem>> -> memref<1x1x128xf32, #tpu.memory_space<vmem>>
    %dma_wait3A_475 = tpu.memref_squeeze %dma_wait3A_474 : memref<1x1x128xf32, #tpu.memory_space<vmem>> -> memref<128xf32, #tpu.memory_space<vmem>>
    %dma_wait3A_476 = tpu.memref_slice %arg14[%add3A_241, %dma_wait3A_471, %mul3A_243] : memref<16x4x528xf32, #tpu.memory_space<vmem_shared>> -> memref<1x1x128xf32, #tpu.memory_space<vmem_shared>>
    %dma_wait3A_477 = tpu.memref_squeeze %dma_wait3A_476 : memref<1x1x128xf32, #tpu.memory_space<vmem_shared>> -> memref<128xf32, #tpu.memory_space<vmem_shared>>
    %dma_wait3A_478 = arith.constant 0 : i32
    %dma_wait3A_479 = tpu.memref_slice %arg12[%select_n3A_187, %dma_wait3A_472, %dma_wait3A_478] : memref<4x4x128xf32, #tpu.memory_space<vmem>> -> memref<1x1x128xf32, #tpu.memory_space<vmem>>
    %dma_wait3A_480 = tpu.memref_squeeze %dma_wait3A_479 : memref<1x1x128xf32, #tpu.memory_space<vmem>> -> memref<128xf32, #tpu.memory_space<vmem>>
    %dma_wait3A_481 = tpu.memref_slice %arg14[%add3A_241, %dma_wait3A_471, %mul3A_243] : memref<16x4x528xf32, #tpu.memory_space<vmem_shared>> -> memref<1x1x128xf32, #tpu.memory_space<vmem_shared>>
    %dma_wait3A_482 = tpu.memref_squeeze %dma_wait3A_481 : memref<1x1x128xf32, #tpu.memory_space<vmem_shared>> -> memref<128xf32, #tpu.memory_space<vmem_shared>>
    tpu.wait_dma2 semaphore(%arg15 : memref<!tpu.dma_semaphore, #tpu.memory_space<semaphore_mem>>) src(%dma_wait3A_482 : memref<128xf32, #tpu.memory_space<vmem_shared>>) dst(%dma_wait3A_480 : memref<128xf32, #tpu.memory_space<vmem>>)
    %dma_wait3A_483 = arith.constant 0 : i32
    %dma_wait3A_484 = arith.constant 0 : i32
    %dma_wait3A_485 = arith.constant 0 : i32
    %dma_wait3A_486 = tpu.memref_slice %arg12[%select_n3A_273, %dma_wait3A_484, %dma_wait3A_485] : memref<4x4x128xf32, #tpu.memory_space<vmem>> -> memref<1x1x128xf32, #tpu.memory_space<vmem>>
    %dma_wait3A_487 = tpu.memref_squeeze %dma_wait3A_486 : memref<1x1x128xf32, #tpu.memory_space<vmem>> -> memref<128xf32, #tpu.memory_space<vmem>>
    %dma_wait3A_488 = tpu.memref_slice %arg14[%add3A_276, %dma_wait3A_483, %mul3A_278] : memref<16x4x528xf32, #tpu.memory_space<vmem_shared>> -> memref<1x1x128xf32, #tpu.memory_space<vmem_shared>>
    %dma_wait3A_489 = tpu.memref_squeeze %dma_wait3A_488 : memref<1x1x128xf32, #tpu.memory_space<vmem_shared>> -> memref<128xf32, #tpu.memory_space<vmem_shared>>
    %dma_wait3A_490 = arith.constant 0 : i32
    %dma_wait3A_491 = tpu.memref_slice %arg12[%select_n3A_273, %dma_wait3A_484, %dma_wait3A_490] : memref<4x4x128xf32, #tpu.memory_space<vmem>> -> memref<1x1x128xf32, #tpu.memory_space<vmem>>
    %dma_wait3A_492 = tpu.memref_squeeze %dma_wait3A_491 : memref<1x1x128xf32, #tpu.memory_space<vmem>> -> memref<128xf32, #tpu.memory_space<vmem>>
    %dma_wait3A_493 = tpu.memref_slice %arg14[%add3A_276, %dma_wait3A_483, %mul3A_278] : memref<16x4x528xf32, #tpu.memory_space<vmem_shared>> -> memref<1x1x128xf32, #tpu.memory_space<vmem_shared>>
    %dma_wait3A_494 = tpu.memref_squeeze %dma_wait3A_493 : memref<1x1x128xf32, #tpu.memory_space<vmem_shared>> -> memref<128xf32, #tpu.memory_space<vmem_shared>>
    tpu.wait_dma2 semaphore(%arg15 : memref<!tpu.dma_semaphore, #tpu.memory_space<semaphore_mem>>) src(%dma_wait3A_494 : memref<128xf32, #tpu.memory_space<vmem_shared>>) dst(%dma_wait3A_492 : memref<128xf32, #tpu.memory_space<vmem>>)
    %dma_wait3A_495 = arith.constant 1 : i32
    %dma_wait3A_496 = arith.constant 1 : i32
    %dma_wait3A_497 = arith.constant 0 : i32
    %dma_wait3A_498 = tpu.memref_slice %arg12[%select_n3A_273, %dma_wait3A_496, %dma_wait3A_497] : memref<4x4x128xf32, #tpu.memory_space<vmem>> -> memref<1x1x128xf32, #tpu.memory_space<vmem>>
    %dma_wait3A_499 = tpu.memref_squeeze %dma_wait3A_498 : memref<1x1x128xf32, #tpu.memory_space<vmem>> -> memref<128xf32, #tpu.memory_space<vmem>>
    %dma_wait3A_500 = tpu.memref_slice %arg14[%add3A_293, %dma_wait3A_495, %mul3A_295] : memref<16x4x528xf32, #tpu.memory_space<vmem_shared>> -> memref<1x1x128xf32, #tpu.memory_space<vmem_shared>>
    %dma_wait3A_501 = tpu.memref_squeeze %dma_wait3A_500 : memref<1x1x128xf32, #tpu.memory_space<vmem_shared>> -> memref<128xf32, #tpu.memory_space<vmem_shared>>
    %dma_wait3A_502 = arith.constant 0 : i32
    %dma_wait3A_503 = tpu.memref_slice %arg12[%select_n3A_273, %dma_wait3A_496, %dma_wait3A_502] : memref<4x4x128xf32, #tpu.memory_space<vmem>> -> memref<1x1x128xf32, #tpu.memory_space<vmem>>
    %dma_wait3A_504 = tpu.memref_squeeze %dma_wait3A_503 : memref<1x1x128xf32, #tpu.memory_space<vmem>> -> memref<128xf32, #tpu.memory_space<vmem>>
    %dma_wait3A_505 = tpu.memref_slice %arg14[%add3A_293, %dma_wait3A_495, %mul3A_295] : memref<16x4x528xf32, #tpu.memory_space<vmem_shared>> -> memref<1x1x128xf32, #tpu.memory_space<vmem_shared>>
    %dma_wait3A_506 = tpu.memref_squeeze %dma_wait3A_505 : memref<1x1x128xf32, #tpu.memory_space<vmem_shared>> -> memref<128xf32, #tpu.memory_space<vmem_shared>>
    tpu.wait_dma2 semaphore(%arg15 : memref<!tpu.dma_semaphore, #tpu.memory_space<semaphore_mem>>) src(%dma_wait3A_506 : memref<128xf32, #tpu.memory_space<vmem_shared>>) dst(%dma_wait3A_504 : memref<128xf32, #tpu.memory_space<vmem>>)
    %dma_wait3A_507 = arith.constant 2 : i32
    %dma_wait3A_508 = arith.constant 2 : i32
    %dma_wait3A_509 = arith.constant 0 : i32
    %dma_wait3A_510 = tpu.memref_slice %arg12[%select_n3A_273, %dma_wait3A_508, %dma_wait3A_509] : memref<4x4x128xf32, #tpu.memory_space<vmem>> -> memref<1x1x128xf32, #tpu.memory_space<vmem>>
    %dma_wait3A_511 = tpu.memref_squeeze %dma_wait3A_510 : memref<1x1x128xf32, #tpu.memory_space<vmem>> -> memref<128xf32, #tpu.memory_space<vmem>>
    %dma_wait3A_512 = tpu.memref_slice %arg14[%add3A_310, %dma_wait3A_507, %mul3A_312] : memref<16x4x528xf32, #tpu.memory_space<vmem_shared>> -> memref<1x1x128xf32, #tpu.memory_space<vmem_shared>>
    %dma_wait3A_513 = tpu.memref_squeeze %dma_wait3A_512 : memref<1x1x128xf32, #tpu.memory_space<vmem_shared>> -> memref<128xf32, #tpu.memory_space<vmem_shared>>
    %dma_wait3A_514 = arith.constant 0 : i32
    %dma_wait3A_515 = tpu.memref_slice %arg12[%select_n3A_273, %dma_wait3A_508, %dma_wait3A_514] : memref<4x4x128xf32, #tpu.memory_space<vmem>> -> memref<1x1x128xf32, #tpu.memory_space<vmem>>
    %dma_wait3A_516 = tpu.memref_squeeze %dma_wait3A_515 : memref<1x1x128xf32, #tpu.memory_space<vmem>> -> memref<128xf32, #tpu.memory_space<vmem>>
    %dma_wait3A_517 = tpu.memref_slice %arg14[%add3A_310, %dma_wait3A_507, %mul3A_312] : memref<16x4x528xf32, #tpu.memory_space<vmem_shared>> -> memref<1x1x128xf32, #tpu.memory_space<vmem_shared>>
    %dma_wait3A_518 = tpu.memref_squeeze %dma_wait3A_517 : memref<1x1x128xf32, #tpu.memory_space<vmem_shared>> -> memref<128xf32, #tpu.memory_space<vmem_shared>>
    tpu.wait_dma2 semaphore(%arg15 : memref<!tpu.dma_semaphore, #tpu.memory_space<semaphore_mem>>) src(%dma_wait3A_518 : memref<128xf32, #tpu.memory_space<vmem_shared>>) dst(%dma_wait3A_516 : memref<128xf32, #tpu.memory_space<vmem>>)
    %dma_wait3A_519 = arith.constant 3 : i32
    %dma_wait3A_520 = arith.constant 3 : i32
    %dma_wait3A_521 = arith.constant 0 : i32
    %dma_wait3A_522 = tpu.memref_slice %arg12[%select_n3A_273, %dma_wait3A_520, %dma_wait3A_521] : memref<4x4x128xf32, #tpu.memory_space<vmem>> -> memref<1x1x128xf32, #tpu.memory_space<vmem>>
    %dma_wait3A_523 = tpu.memref_squeeze %dma_wait3A_522 : memref<1x1x128xf32, #tpu.memory_space<vmem>> -> memref<128xf32, #tpu.memory_space<vmem>>
    %dma_wait3A_524 = tpu.memref_slice %arg14[%add3A_327, %dma_wait3A_519, %mul3A_329] : memref<16x4x528xf32, #tpu.memory_space<vmem_shared>> -> memref<1x1x128xf32, #tpu.memory_space<vmem_shared>>
    %dma_wait3A_525 = tpu.memref_squeeze %dma_wait3A_524 : memref<1x1x128xf32, #tpu.memory_space<vmem_shared>> -> memref<128xf32, #tpu.memory_space<vmem_shared>>
    %dma_wait3A_526 = arith.constant 0 : i32
    %dma_wait3A_527 = tpu.memref_slice %arg12[%select_n3A_273, %dma_wait3A_520, %dma_wait3A_526] : memref<4x4x128xf32, #tpu.memory_space<vmem>> -> memref<1x1x128xf32, #tpu.memory_space<vmem>>
    %dma_wait3A_528 = tpu.memref_squeeze %dma_wait3A_527 : memref<1x1x128xf32, #tpu.memory_space<vmem>> -> memref<128xf32, #tpu.memory_space<vmem>>
    %dma_wait3A_529 = tpu.memref_slice %arg14[%add3A_327, %dma_wait3A_519, %mul3A_329] : memref<16x4x528xf32, #tpu.memory_space<vmem_shared>> -> memref<1x1x128xf32, #tpu.memory_space<vmem_shared>>
    %dma_wait3A_530 = tpu.memref_squeeze %dma_wait3A_529 : memref<1x1x128xf32, #tpu.memory_space<vmem_shared>> -> memref<128xf32, #tpu.memory_space<vmem_shared>>
    tpu.wait_dma2 semaphore(%arg15 : memref<!tpu.dma_semaphore, #tpu.memory_space<semaphore_mem>>) src(%dma_wait3A_530 : memref<128xf32, #tpu.memory_space<vmem_shared>>) dst(%dma_wait3A_528 : memref<128xf32, #tpu.memory_space<vmem>>)
    %dma_wait3A_531 = arith.constant 0 : i32
    %dma_wait3A_532 = arith.constant 0 : i32
    %dma_wait3A_533 = arith.constant 0 : i32
    %dma_wait3A_534 = tpu.memref_slice %arg12[%select_n3A_359, %dma_wait3A_532, %dma_wait3A_533] : memref<4x4x128xf32, #tpu.memory_space<vmem>> -> memref<1x1x128xf32, #tpu.memory_space<vmem>>
    %dma_wait3A_535 = tpu.memref_squeeze %dma_wait3A_534 : memref<1x1x128xf32, #tpu.memory_space<vmem>> -> memref<128xf32, #tpu.memory_space<vmem>>
    %dma_wait3A_536 = tpu.memref_slice %arg14[%add3A_362, %dma_wait3A_531, %mul3A_364] : memref<16x4x528xf32, #tpu.memory_space<vmem_shared>> -> memref<1x1x128xf32, #tpu.memory_space<vmem_shared>>
    %dma_wait3A_537 = tpu.memref_squeeze %dma_wait3A_536 : memref<1x1x128xf32, #tpu.memory_space<vmem_shared>> -> memref<128xf32, #tpu.memory_space<vmem_shared>>
    %dma_wait3A_538 = arith.constant 0 : i32
    %dma_wait3A_539 = tpu.memref_slice %arg12[%select_n3A_359, %dma_wait3A_532, %dma_wait3A_538] : memref<4x4x128xf32, #tpu.memory_space<vmem>> -> memref<1x1x128xf32, #tpu.memory_space<vmem>>
    %dma_wait3A_540 = tpu.memref_squeeze %dma_wait3A_539 : memref<1x1x128xf32, #tpu.memory_space<vmem>> -> memref<128xf32, #tpu.memory_space<vmem>>
    %dma_wait3A_541 = tpu.memref_slice %arg14[%add3A_362, %dma_wait3A_531, %mul3A_364] : memref<16x4x528xf32, #tpu.memory_space<vmem_shared>> -> memref<1x1x128xf32, #tpu.memory_space<vmem_shared>>
    %dma_wait3A_542 = tpu.memref_squeeze %dma_wait3A_541 : memref<1x1x128xf32, #tpu.memory_space<vmem_shared>> -> memref<128xf32, #tpu.memory_space<vmem_shared>>
    tpu.wait_dma2 semaphore(%arg15 : memref<!tpu.dma_semaphore, #tpu.memory_space<semaphore_mem>>) src(%dma_wait3A_542 : memref<128xf32, #tpu.memory_space<vmem_shared>>) dst(%dma_wait3A_540 : memref<128xf32, #tpu.memory_space<vmem>>)
    %dma_wait3A_543 = arith.constant 1 : i32
    %dma_wait3A_544 = arith.constant 1 : i32
    %dma_wait3A_545 = arith.constant 0 : i32
    %dma_wait3A_546 = tpu.memref_slice %arg12[%select_n3A_359, %dma_wait3A_544, %dma_wait3A_545] : memref<4x4x128xf32, #tpu.memory_space<vmem>> -> memref<1x1x128xf32, #tpu.memory_space<vmem>>
    %dma_wait3A_547 = tpu.memref_squeeze %dma_wait3A_546 : memref<1x1x128xf32, #tpu.memory_space<vmem>> -> memref<128xf32, #tpu.memory_space<vmem>>
    %dma_wait3A_548 = tpu.memref_slice %arg14[%add3A_379, %dma_wait3A_543, %mul3A_381] : memref<16x4x528xf32, #tpu.memory_space<vmem_shared>> -> memref<1x1x128xf32, #tpu.memory_space<vmem_shared>>
    %dma_wait3A_549 = tpu.memref_squeeze %dma_wait3A_548 : memref<1x1x128xf32, #tpu.memory_space<vmem_shared>> -> memref<128xf32, #tpu.memory_space<vmem_shared>>
    %dma_wait3A_550 = arith.constant 0 : i32
    %dma_wait3A_551 = tpu.memref_slice %arg12[%select_n3A_359, %dma_wait3A_544, %dma_wait3A_550] : memref<4x4x128xf32, #tpu.memory_space<vmem>> -> memref<1x1x128xf32, #tpu.memory_space<vmem>>
    %dma_wait3A_552 = tpu.memref_squeeze %dma_wait3A_551 : memref<1x1x128xf32, #tpu.memory_space<vmem>> -> memref<128xf32, #tpu.memory_space<vmem>>
    %dma_wait3A_553 = tpu.memref_slice %arg14[%add3A_379, %dma_wait3A_543, %mul3A_381] : memref<16x4x528xf32, #tpu.memory_space<vmem_shared>> -> memref<1x1x128xf32, #tpu.memory_space<vmem_shared>>
    %dma_wait3A_554 = tpu.memref_squeeze %dma_wait3A_553 : memref<1x1x128xf32, #tpu.memory_space<vmem_shared>> -> memref<128xf32, #tpu.memory_space<vmem_shared>>
    tpu.wait_dma2 semaphore(%arg15 : memref<!tpu.dma_semaphore, #tpu.memory_space<semaphore_mem>>) src(%dma_wait3A_554 : memref<128xf32, #tpu.memory_space<vmem_shared>>) dst(%dma_wait3A_552 : memref<128xf32, #tpu.memory_space<vmem>>)
    %dma_wait3A_555 = arith.constant 2 : i32
    %dma_wait3A_556 = arith.constant 2 : i32
    %dma_wait3A_557 = arith.constant 0 : i32
    %dma_wait3A_558 = tpu.memref_slice %arg12[%select_n3A_359, %dma_wait3A_556, %dma_wait3A_557] : memref<4x4x128xf32, #tpu.memory_space<vmem>> -> memref<1x1x128xf32, #tpu.memory_space<vmem>>
    %dma_wait3A_559 = tpu.memref_squeeze %dma_wait3A_558 : memref<1x1x128xf32, #tpu.memory_space<vmem>> -> memref<128xf32, #tpu.memory_space<vmem>>
    %dma_wait3A_560 = tpu.memref_slice %arg14[%add3A_396, %dma_wait3A_555, %mul3A_398] : memref<16x4x528xf32, #tpu.memory_space<vmem_shared>> -> memref<1x1x128xf32, #tpu.memory_space<vmem_shared>>
    %dma_wait3A_561 = tpu.memref_squeeze %dma_wait3A_560 : memref<1x1x128xf32, #tpu.memory_space<vmem_shared>> -> memref<128xf32, #tpu.memory_space<vmem_shared>>
    %dma_wait3A_562 = arith.constant 0 : i32
    %dma_wait3A_563 = tpu.memref_slice %arg12[%select_n3A_359, %dma_wait3A_556, %dma_wait3A_562] : memref<4x4x128xf32, #tpu.memory_space<vmem>> -> memref<1x1x128xf32, #tpu.memory_space<vmem>>
    %dma_wait3A_564 = tpu.memref_squeeze %dma_wait3A_563 : memref<1x1x128xf32, #tpu.memory_space<vmem>> -> memref<128xf32, #tpu.memory_space<vmem>>
    %dma_wait3A_565 = tpu.memref_slice %arg14[%add3A_396, %dma_wait3A_555, %mul3A_398] : memref<16x4x528xf32, #tpu.memory_space<vmem_shared>> -> memref<1x1x128xf32, #tpu.memory_space<vmem_shared>>
    %dma_wait3A_566 = tpu.memref_squeeze %dma_wait3A_565 : memref<1x1x128xf32, #tpu.memory_space<vmem_shared>> -> memref<128xf32, #tpu.memory_space<vmem_shared>>
    tpu.wait_dma2 semaphore(%arg15 : memref<!tpu.dma_semaphore, #tpu.memory_space<semaphore_mem>>) src(%dma_wait3A_566 : memref<128xf32, #tpu.memory_space<vmem_shared>>) dst(%dma_wait3A_564 : memref<128xf32, #tpu.memory_space<vmem>>)
    %dma_wait3A_567 = arith.constant 3 : i32
    %dma_wait3A_568 = arith.constant 3 : i32
    %dma_wait3A_569 = arith.constant 0 : i32
    %dma_wait3A_570 = tpu.memref_slice %arg12[%select_n3A_359, %dma_wait3A_568, %dma_wait3A_569] : memref<4x4x128xf32, #tpu.memory_space<vmem>> -> memref<1x1x128xf32, #tpu.memory_space<vmem>>
    %dma_wait3A_571 = tpu.memref_squeeze %dma_wait3A_570 : memref<1x1x128xf32, #tpu.memory_space<vmem>> -> memref<128xf32, #tpu.memory_space<vmem>>
    %dma_wait3A_572 = tpu.memref_slice %arg14[%add3A_413, %dma_wait3A_567, %mul3A_415] : memref<16x4x528xf32, #tpu.memory_space<vmem_shared>> -> memref<1x1x128xf32, #tpu.memory_space<vmem_shared>>
    %dma_wait3A_573 = tpu.memref_squeeze %dma_wait3A_572 : memref<1x1x128xf32, #tpu.memory_space<vmem_shared>> -> memref<128xf32, #tpu.memory_space<vmem_shared>>
    %dma_wait3A_574 = arith.constant 0 : i32
    %dma_wait3A_575 = tpu.memref_slice %arg12[%select_n3A_359, %dma_wait3A_568, %dma_wait3A_574] : memref<4x4x128xf32, #tpu.memory_space<vmem>> -> memref<1x1x128xf32, #tpu.memory_space<vmem>>
    %dma_wait3A_576 = tpu.memref_squeeze %dma_wait3A_575 : memref<1x1x128xf32, #tpu.memory_space<vmem>> -> memref<128xf32, #tpu.memory_space<vmem>>
    %dma_wait3A_577 = tpu.memref_slice %arg14[%add3A_413, %dma_wait3A_567, %mul3A_415] : memref<16x4x528xf32, #tpu.memory_space<vmem_shared>> -> memref<1x1x128xf32, #tpu.memory_space<vmem_shared>>
    %dma_wait3A_578 = tpu.memref_squeeze %dma_wait3A_577 : memref<1x1x128xf32, #tpu.memory_space<vmem_shared>> -> memref<128xf32, #tpu.memory_space<vmem_shared>>
    tpu.wait_dma2 semaphore(%arg15 : memref<!tpu.dma_semaphore, #tpu.memory_space<semaphore_mem>>) src(%dma_wait3A_578 : memref<128xf32, #tpu.memory_space<vmem_shared>>) dst(%dma_wait3A_576 : memref<128xf32, #tpu.memory_space<vmem>>)
    %scan3A_579 = arith.constant 0 : i32
    %scan3A_580 = arith.constant 0 : i32
    %scan3A_581 = arith.constant 8 : i32
    %scan3A_582 = arith.addi %scan3A_580, %scan3A_581 : i32
    %scan3A_583 = arith.constant 1 : i32
    %scan3A_584 = scf.for %scan3A_613 = %scan3A_580 to %scan3A_582 step %scan3A_583 iter_args(%scan3A_614 = %scan3A_579) -> (i32)  : i32 {
      %mul3A_615 = arith.constant 16 : i32
      %mul3A_616 = arith.muli %scan3A_613, %mul3A_615 : i32
      %get3A = arith.constant 0 : i32
      %get3A_617 = arith.constant 0 : i32
      %get3A_618 = arith.index_cast %get3A : i32 to index
      %get3A_619 = arith.index_cast %get3A_617 : i32 to index
      %get3A_620 = arith.index_cast %mul3A_616 : i32 to index
      %get3A_621 = tpu.vector_load %arg12[%get3A_618, %get3A_619, %get3A_620] {strides = array<i32>} : memref<4x4x128xf32, #tpu.memory_space<vmem>>, vector<16xf32>,
      %get3A_622 = arith.constant 1 : i32
      %get3A_623 = arith.constant 0 : i32
      %get3A_624 = arith.index_cast %get3A_622 : i32 to index
      %get3A_625 = arith.index_cast %get3A_623 : i32 to index
      %get3A_626 = arith.index_cast %mul3A_616 : i32 to index
      %get3A_627 = tpu.vector_load %arg12[%get3A_624, %get3A_625, %get3A_626] {strides = array<i32>} : memref<4x4x128xf32, #tpu.memory_space<vmem>>, vector<16xf32>,
      %add3A_628 = arith.addf %get3A_621, %get3A_627 : vector<16xf32>
      %get3A_629 = arith.constant 2 : i32
      %get3A_630 = arith.constant 0 : i32
      %get3A_631 = arith.index_cast %get3A_629 : i32 to index
      %get3A_632 = arith.index_cast %get3A_630 : i32 to index
      %get3A_633 = arith.index_cast %mul3A_616 : i32 to index
      %get3A_634 = tpu.vector_load %arg12[%get3A_631, %get3A_632, %get3A_633] {strides = array<i32>} : memref<4x4x128xf32, #tpu.memory_space<vmem>>, vector<16xf32>,
      %add3A_635 = arith.addf %add3A_628, %get3A_634 : vector<16xf32>
      %get3A_636 = arith.constant 3 : i32
      %get3A_637 = arith.constant 0 : i32
      %get3A_638 = arith.index_cast %get3A_636 : i32 to index
      %get3A_639 = arith.index_cast %get3A_637 : i32 to index
      %get3A_640 = arith.index_cast %mul3A_616 : i32 to index
      %get3A_641 = tpu.vector_load %arg12[%get3A_638, %get3A_639, %get3A_640] {strides = array<i32>} : memref<4x4x128xf32, #tpu.memory_space<vmem>>, vector<16xf32>,
      %add3A_642 = arith.addf %add3A_635, %get3A_641 : vector<16xf32>
      %get3A_643 = arith.constant 0 : i32
      %get3A_644 = arith.constant 1 : i32
      %get3A_645 = arith.index_cast %get3A_643 : i32 to index
      %get3A_646 = arith.index_cast %get3A_644 : i32 to index
      %get3A_647 = arith.index_cast %mul3A_616 : i32 to index
      %get3A_648 = tpu.vector_load %arg12[%get3A_645, %get3A_646, %get3A_647] {strides = array<i32>} : memref<4x4x128xf32, #tpu.memory_space<vmem>>, vector<16xf32>,
      %get3A_649 = arith.constant 1 : i32
      %get3A_650 = arith.constant 1 : i32
      %get3A_651 = arith.index_cast %get3A_649 : i32 to index
      %get3A_652 = arith.index_cast %get3A_650 : i32 to index
      %get3A_653 = arith.index_cast %mul3A_616 : i32 to index
      %get3A_654 = tpu.vector_load %arg12[%get3A_651, %get3A_652, %get3A_653] {strides = array<i32>} : memref<4x4x128xf32, #tpu.memory_space<vmem>>, vector<16xf32>,
      %add3A_655 = arith.addf %get3A_648, %get3A_654 : vector<16xf32>
      %get3A_656 = arith.constant 2 : i32
      %get3A_657 = arith.constant 1 : i32
      %get3A_658 = arith.index_cast %get3A_656 : i32 to index
      %get3A_659 = arith.index_cast %get3A_657 : i32 to index
      %get3A_660 = arith.index_cast %mul3A_616 : i32 to index
      %get3A_661 = tpu.vector_load %arg12[%get3A_658, %get3A_659, %get3A_660] {strides = array<i32>} : memref<4x4x128xf32, #tpu.memory_space<vmem>>, vector<16xf32>,
      %add3A_662 = arith.addf %add3A_655, %get3A_661 : vector<16xf32>
      %get3A_663 = arith.constant 3 : i32
      %get3A_664 = arith.constant 1 : i32
      %get3A_665 = arith.index_cast %get3A_663 : i32 to index
      %get3A_666 = arith.index_cast %get3A_664 : i32 to index
      %get3A_667 = arith.index_cast %mul3A_616 : i32 to index
      %get3A_668 = tpu.vector_load %arg12[%get3A_665, %get3A_666, %get3A_667] {strides = array<i32>} : memref<4x4x128xf32, #tpu.memory_space<vmem>>, vector<16xf32>,
      %add3A_669 = arith.addf %add3A_662, %get3A_668 : vector<16xf32>
      %get3A_670 = arith.constant 0 : i32
      %get3A_671 = arith.constant 2 : i32
      %get3A_672 = arith.index_cast %get3A_670 : i32 to index
      %get3A_673 = arith.index_cast %get3A_671 : i32 to index
      %get3A_674 = arith.index_cast %mul3A_616 : i32 to index
      %get3A_675 = tpu.vector_load %arg12[%get3A_672, %get3A_673, %get3A_674] {strides = array<i32>} : memref<4x4x128xf32, #tpu.memory_space<vmem>>, vector<16xf32>,
      %get3A_676 = arith.constant 1 : i32
      %get3A_677 = arith.constant 2 : i32
      %get3A_678 = arith.index_cast %get3A_676 : i32 to index
      %get3A_679 = arith.index_cast %get3A_677 : i32 to index
      %get3A_680 = arith.index_cast %mul3A_616 : i32 to index
      %get3A_681 = tpu.vector_load %arg12[%get3A_678, %get3A_679, %get3A_680] {strides = array<i32>} : memref<4x4x128xf32, #tpu.memory_space<vmem>>, vector<16xf32>,
      %add3A_682 = arith.addf %get3A_675, %get3A_681 : vector<16xf32>
      %get3A_683 = arith.constant 2 : i32
      %get3A_684 = arith.constant 2 : i32
      %get3A_685 = arith.index_cast %get3A_683 : i32 to index
      %get3A_686 = arith.index_cast %get3A_684 : i32 to index
      %get3A_687 = arith.index_cast %mul3A_616 : i32 to index
      %get3A_688 = tpu.vector_load %arg12[%get3A_685, %get3A_686, %get3A_687] {strides = array<i32>} : memref<4x4x128xf32, #tpu.memory_space<vmem>>, vector<16xf32>,
      %add3A_689 = arith.addf %add3A_682, %get3A_688 : vector<16xf32>
      %get3A_690 = arith.constant 3 : i32
      %get3A_691 = arith.constant 2 : i32
      %get3A_692 = arith.index_cast %get3A_690 : i32 to index
      %get3A_693 = arith.index_cast %get3A_691 : i32 to index
      %get3A_694 = arith.index_cast %mul3A_616 : i32 to index
      %get3A_695 = tpu.vector_load %arg12[%get3A_692, %get3A_693, %get3A_694] {strides = array<i32>} : memref<4x4x128xf32, #tpu.memory_space<vmem>>, vector<16xf32>,
      %add3A_696 = arith.addf %add3A_689, %get3A_695 : vector<16xf32>
      %get3A_697 = arith.constant 0 : i32
      %get3A_698 = arith.constant 3 : i32
      %get3A_699 = arith.index_cast %get3A_697 : i32 to index
      %get3A_700 = arith.index_cast %get3A_698 : i32 to index
      %get3A_701 = arith.index_cast %mul3A_616 : i32 to index
      %get3A_702 = tpu.vector_load %arg12[%get3A_699, %get3A_700, %get3A_701] {strides = array<i32>} : memref<4x4x128xf32, #tpu.memory_space<vmem>>, vector<16xf32>,
      %get3A_703 = arith.constant 1 : i32
      %get3A_704 = arith.constant 3 : i32
      %get3A_705 = arith.index_cast %get3A_703 : i32 to index
      %get3A_706 = arith.index_cast %get3A_704 : i32 to index
      %get3A_707 = arith.index_cast %mul3A_616 : i32 to index
      %get3A_708 = tpu.vector_load %arg12[%get3A_705, %get3A_706, %get3A_707] {strides = array<i32>} : memref<4x4x128xf32, #tpu.memory_space<vmem>>, vector<16xf32>,
      %add3A_709 = arith.addf %get3A_702, %get3A_708 : vector<16xf32>
      %get3A_710 = arith.constant 2 : i32
      %get3A_711 = arith.constant 3 : i32
      %get3A_712 = arith.index_cast %get3A_710 : i32 to index
      %get3A_713 = arith.index_cast %get3A_711 : i32 to index
      %get3A_714 = arith.index_cast %mul3A_616 : i32 to index
      %get3A_715 = tpu.vector_load %arg12[%get3A_712, %get3A_713, %get3A_714] {strides = array<i32>} : memref<4x4x128xf32, #tpu.memory_space<vmem>>, vector<16xf32>,
      %add3A_716 = arith.addf %add3A_709, %get3A_715 : vector<16xf32>
      %get3A_717 = arith.constant 3 : i32
      %get3A_718 = arith.constant 3 : i32
      %get3A_719 = arith.index_cast %get3A_717 : i32 to index
      %get3A_720 = arith.index_cast %get3A_718 : i32 to index
      %get3A_721 = arith.index_cast %mul3A_616 : i32 to index
      %get3A_722 = tpu.vector_load %arg12[%get3A_719, %get3A_720, %get3A_721] {strides = array<i32>} : memref<4x4x128xf32, #tpu.memory_space<vmem>>, vector<16xf32>,
      %add3A_723 = arith.addf %add3A_716, %get3A_722 : vector<16xf32>
      %eq3A_724 = arith.constant 0.000000e+00 : f32
      %eq3A_725 = vector.broadcast %eq3A_724 : f32 to vector<16xf32>
      %eq3A_726 = arith.cmpf oeq, %add3A_723, %eq3A_725 : vector<16xf32>
      %jit3A_727 = arith.constant 1.000000e+00 : f32
      %broadcast_in_dim3A_728 = vector.broadcast %jit3A_727 : f32 to vector<16xf32>
      %select_n3A_729 = arith.select %eq3A_726, %broadcast_in_dim3A_728, %add3A_723 : vector<16xi1>, vector<16xf32>
      %div3A_730 = arith.divf %add3A_642, %select_n3A_729 : vector<16xf32>
      %swap3A = arith.constant 0 : i32
      %swap3A_731 = arith.index_cast %swap3A : i32 to index
      %swap3A_732 = arith.index_cast %mul3A_616 : i32 to index
      %swap3A_733 = tpu.vector_load %arg13[%swap3A_731, %swap3A_732] {strides = array<i32>} : memref<4x128xf32, #tpu.memory_space<vmem>>, vector<16xf32>,
      tpu.vector_store %arg13[%swap3A_731, %swap3A_732], %div3A_730 {strides = array<i32>} : memref<4x128xf32, #tpu.memory_space<vmem>>, vector<16xf32>,
      %div3A_734 = arith.divf %add3A_669, %select_n3A_729 : vector<16xf32>
      %swap3A_735 = arith.constant 1 : i32
      %swap3A_736 = arith.index_cast %swap3A_735 : i32 to index
      %swap3A_737 = arith.index_cast %mul3A_616 : i32 to index
      %swap3A_738 = tpu.vector_load %arg13[%swap3A_736, %swap3A_737] {strides = array<i32>} : memref<4x128xf32, #tpu.memory_space<vmem>>, vector<16xf32>,
      tpu.vector_store %arg13[%swap3A_736, %swap3A_737], %div3A_734 {strides = array<i32>} : memref<4x128xf32, #tpu.memory_space<vmem>>, vector<16xf32>,
      %div3A_739 = arith.divf %add3A_696, %select_n3A_729 : vector<16xf32>
      %swap3A_740 = arith.constant 2 : i32
      %swap3A_741 = arith.index_cast %swap3A_740 : i32 to index
      %swap3A_742 = arith.index_cast %mul3A_616 : i32 to index
      %swap3A_743 = tpu.vector_load %arg13[%swap3A_741, %swap3A_742] {strides = array<i32>} : memref<4x128xf32, #tpu.memory_space<vmem>>, vector<16xf32>,
      tpu.vector_store %arg13[%swap3A_741, %swap3A_742], %div3A_739 {strides = array<i32>} : memref<4x128xf32, #tpu.memory_space<vmem>>, vector<16xf32>,
      %div3A_744 = arith.divf %add3A_723, %select_n3A_729 : vector<16xf32>
      %swap3A_745 = arith.constant 3 : i32
      %swap3A_746 = arith.index_cast %swap3A_745 : i32 to index
      %swap3A_747 = arith.index_cast %mul3A_616 : i32 to index
      %swap3A_748 = tpu.vector_load %arg13[%swap3A_746, %swap3A_747] {strides = array<i32>} : memref<4x128xf32, #tpu.memory_space<vmem>>, vector<16xf32>,
      tpu.vector_store %arg13[%swap3A_746, %swap3A_747], %div3A_744 {strides = array<i32>} : memref<4x128xf32, #tpu.memory_space<vmem>>, vector<16xf32>,
      %scan3A_749 = arith.constant 0 : i32
      scf.yield %scan3A_749 : i32
    }
    %scan3A_585 = arith.constant 8 : i32
    %mul3A_586 = arith.constant 2048 : i32
    %mul3A_587 = arith.muli %arg0, %mul3A_586 : i32
    %mul3A_588 = arith.constant 128 : i32
    %mul3A_589 = arith.muli %arg1, %mul3A_588 : i32
    %add3A_590 = arith.addi %mul3A_587, %mul3A_589 : i32
    %run_scoped3A = arith.constant 0 : i32
    %run_scoped3A_591 = arith.constant 0 : i32
    "tpu.region"() ({
      %run_scoped3A_613 = tpu.sem_alloc : memref<!tpu.dma_semaphore, #tpu.memory_space<semaphore_mem>>
      %dma_start3A_614 = arith.constant 0 : i32
      %dma_start3A_615 = tpu.memref_slice %arg13[%run_scoped3A, %dma_start3A_614] : memref<4x128xf32, #tpu.memory_space<vmem>> -> memref<1x128xf32, #tpu.memory_space<vmem>>
      %dma_start3A_616 = tpu.memref_squeeze %dma_start3A_615 : memref<1x128xf32, #tpu.memory_space<vmem>> -> memref<128xf32, #tpu.memory_space<vmem>>
      %dma_start3A_617 = tpu.memref_slice %arg4[%run_scoped3A_591, %add3A_590] : memref<4x4096xf32, #tpu.memory_space<hbm>> -> memref<1x128xf32, #tpu.memory_space<hbm>>
      %dma_start3A_618 = tpu.memref_squeeze %dma_start3A_617 : memref<1x128xf32, #tpu.memory_space<hbm>> -> memref<128xf32, #tpu.memory_space<hbm>>
      %dma_start3A_619 = tpu.memref_slice %arg4[%run_scoped3A_591, %add3A_590] : memref<4x4096xf32, #tpu.memory_space<hbm>> -> memref<1x128xf32, #tpu.memory_space<hbm>>
      %dma_start3A_620 = tpu.memref_squeeze %dma_start3A_619 : memref<1x128xf32, #tpu.memory_space<hbm>> -> memref<128xf32, #tpu.memory_space<hbm>>
      %dma_start3A_621 = arith.constant 0 : i32
      %dma_start3A_622 = tpu.memref_slice %arg13[%run_scoped3A, %dma_start3A_621] : memref<4x128xf32, #tpu.memory_space<vmem>> -> memref<1x128xf32, #tpu.memory_space<vmem>>
      %dma_start3A_623 = tpu.memref_squeeze %dma_start3A_622 : memref<1x128xf32, #tpu.memory_space<vmem>> -> memref<128xf32, #tpu.memory_space<vmem>>
      tpu.enqueue_dma source(%dma_start3A_623 : memref<128xf32, #tpu.memory_space<vmem>>) target(%dma_start3A_620 : memref<128xf32, #tpu.memory_space<hbm>>) target_semaphore(%run_scoped3A_613 : memref<!tpu.dma_semaphore, #tpu.memory_space<semaphore_mem>>)
      %dma_wait3A_624 = arith.constant 0 : i32
      %dma_wait3A_625 = tpu.memref_slice %arg13[%run_scoped3A, %dma_wait3A_624] : memref<4x128xf32, #tpu.memory_space<vmem>> -> memref<1x128xf32, #tpu.memory_space<vmem>>
      %dma_wait3A_626 = tpu.memref_squeeze %dma_wait3A_625 : memref<1x128xf32, #tpu.memory_space<vmem>> -> memref<128xf32, #tpu.memory_space<vmem>>
      %dma_wait3A_627 = tpu.memref_slice %arg4[%run_scoped3A_591, %add3A_590] : memref<4x4096xf32, #tpu.memory_space<hbm>> -> memref<1x128xf32, #tpu.memory_space<hbm>>
      %dma_wait3A_628 = tpu.memref_squeeze %dma_wait3A_627 : memref<1x128xf32, #tpu.memory_space<hbm>> -> memref<128xf32, #tpu.memory_space<hbm>>
      %dma_wait3A_629 = tpu.memref_slice %arg4[%run_scoped3A_591, %add3A_590] : memref<4x4096xf32, #tpu.memory_space<hbm>> -> memref<1x128xf32, #tpu.memory_space<hbm>>
      %dma_wait3A_630 = tpu.memref_squeeze %dma_wait3A_629 : memref<1x128xf32, #tpu.memory_space<hbm>> -> memref<128xf32, #tpu.memory_space<hbm>>
      %dma_wait3A_631 = arith.constant 0 : i32
      %dma_wait3A_632 = tpu.memref_slice %arg13[%run_scoped3A, %dma_wait3A_631] : memref<4x128xf32, #tpu.memory_space<vmem>> -> memref<1x128xf32, #tpu.memory_space<vmem>>
      %dma_wait3A_633 = tpu.memref_squeeze %dma_wait3A_632 : memref<1x128xf32, #tpu.memory_space<vmem>> -> memref<128xf32, #tpu.memory_space<vmem>>
      tpu.wait_dma2 semaphore(%run_scoped3A_613 : memref<!tpu.dma_semaphore, #tpu.memory_space<semaphore_mem>>) src(%dma_wait3A_633 : memref<128xf32, #tpu.memory_space<vmem>>) dst(%dma_wait3A_630 : memref<128xf32, #tpu.memory_space<hbm>>)
      tpu.yield
    }) : () -> ()
    %mul3A_592 = arith.constant 2048 : i32
    %mul3A_593 = arith.muli %arg0, %mul3A_592 : i32
    %mul3A_594 = arith.constant 128 : i32
    %mul3A_595 = arith.muli %arg1, %mul3A_594 : i32
    %add3A_596 = arith.addi %mul3A_593, %mul3A_595 : i32
    %run_scoped3A_597 = arith.constant 1 : i32
    %run_scoped3A_598 = arith.constant 1 : i32
    "tpu.region"() ({
      %run_scoped3A_613 = tpu.sem_alloc : memref<!tpu.dma_semaphore, #tpu.memory_space<semaphore_mem>>
      %dma_start3A_614 = arith.constant 0 : i32
      %dma_start3A_615 = tpu.memref_slice %arg13[%run_scoped3A_597, %dma_start3A_614] : memref<4x128xf32, #tpu.memory_space<vmem>> -> memref<1x128xf32, #tpu.memory_space<vmem>>
      %dma_start3A_616 = tpu.memref_squeeze %dma_start3A_615 : memref<1x128xf32, #tpu.memory_space<vmem>> -> memref<128xf32, #tpu.memory_space<vmem>>
      %dma_start3A_617 = tpu.memref_slice %arg4[%run_scoped3A_598, %add3A_596] : memref<4x4096xf32, #tpu.memory_space<hbm>> -> memref<1x128xf32, #tpu.memory_space<hbm>>
      %dma_start3A_618 = tpu.memref_squeeze %dma_start3A_617 : memref<1x128xf32, #tpu.memory_space<hbm>> -> memref<128xf32, #tpu.memory_space<hbm>>
      %dma_start3A_619 = tpu.memref_slice %arg4[%run_scoped3A_598, %add3A_596] : memref<4x4096xf32, #tpu.memory_space<hbm>> -> memref<1x128xf32, #tpu.memory_space<hbm>>
      %dma_start3A_620 = tpu.memref_squeeze %dma_start3A_619 : memref<1x128xf32, #tpu.memory_space<hbm>> -> memref<128xf32, #tpu.memory_space<hbm>>
      %dma_start3A_621 = arith.constant 0 : i32
      %dma_start3A_622 = tpu.memref_slice %arg13[%run_scoped3A_597, %dma_start3A_621] : memref<4x128xf32, #tpu.memory_space<vmem>> -> memref<1x128xf32, #tpu.memory_space<vmem>>
      %dma_start3A_623 = tpu.memref_squeeze %dma_start3A_622 : memref<1x128xf32, #tpu.memory_space<vmem>> -> memref<128xf32, #tpu.memory_space<vmem>>
      tpu.enqueue_dma source(%dma_start3A_623 : memref<128xf32, #tpu.memory_space<vmem>>) target(%dma_start3A_620 : memref<128xf32, #tpu.memory_space<hbm>>) target_semaphore(%run_scoped3A_613 : memref<!tpu.dma_semaphore, #tpu.memory_space<semaphore_mem>>)
      %dma_wait3A_624 = arith.constant 0 : i32
      %dma_wait3A_625 = tpu.memref_slice %arg13[%run_scoped3A_597, %dma_wait3A_624] : memref<4x128xf32, #tpu.memory_space<vmem>> -> memref<1x128xf32, #tpu.memory_space<vmem>>
      %dma_wait3A_626 = tpu.memref_squeeze %dma_wait3A_625 : memref<1x128xf32, #tpu.memory_space<vmem>> -> memref<128xf32, #tpu.memory_space<vmem>>
      %dma_wait3A_627 = tpu.memref_slice %arg4[%run_scoped3A_598, %add3A_596] : memref<4x4096xf32, #tpu.memory_space<hbm>> -> memref<1x128xf32, #tpu.memory_space<hbm>>
      %dma_wait3A_628 = tpu.memref_squeeze %dma_wait3A_627 : memref<1x128xf32, #tpu.memory_space<hbm>> -> memref<128xf32, #tpu.memory_space<hbm>>
      %dma_wait3A_629 = tpu.memref_slice %arg4[%run_scoped3A_598, %add3A_596] : memref<4x4096xf32, #tpu.memory_space<hbm>> -> memref<1x128xf32, #tpu.memory_space<hbm>>
      %dma_wait3A_630 = tpu.memref_squeeze %dma_wait3A_629 : memref<1x128xf32, #tpu.memory_space<hbm>> -> memref<128xf32, #tpu.memory_space<hbm>>
      %dma_wait3A_631 = arith.constant 0 : i32
      %dma_wait3A_632 = tpu.memref_slice %arg13[%run_scoped3A_597, %dma_wait3A_631] : memref<4x128xf32, #tpu.memory_space<vmem>> -> memref<1x128xf32, #tpu.memory_space<vmem>>
      %dma_wait3A_633 = tpu.memref_squeeze %dma_wait3A_632 : memref<1x128xf32, #tpu.memory_space<vmem>> -> memref<128xf32, #tpu.memory_space<vmem>>
      tpu.wait_dma2 semaphore(%run_scoped3A_613 : memref<!tpu.dma_semaphore, #tpu.memory_space<semaphore_mem>>) src(%dma_wait3A_633 : memref<128xf32, #tpu.memory_space<vmem>>) dst(%dma_wait3A_630 : memref<128xf32, #tpu.memory_space<hbm>>)
      tpu.yield
    }) : () -> ()
    %mul3A_599 = arith.constant 2048 : i32
    %mul3A_600 = arith.muli %arg0, %mul3A_599 : i32
    %mul3A_601 = arith.constant 128 : i32
    %mul3A_602 = arith.muli %arg1, %mul3A_601 : i32
    %add3A_603 = arith.addi %mul3A_600, %mul3A_602 : i32
    %run_scoped3A_604 = arith.constant 2 : i32
    %run_scoped3A_605 = arith.constant 2 : i32
    "tpu.region"() ({
      %run_scoped3A_613 = tpu.sem_alloc : memref<!tpu.dma_semaphore, #tpu.memory_space<semaphore_mem>>
      %dma_start3A_614 = arith.constant 0 : i32
      %dma_start3A_615 = tpu.memref_slice %arg13[%run_scoped3A_604, %dma_start3A_614] : memref<4x128xf32, #tpu.memory_space<vmem>> -> memref<1x128xf32, #tpu.memory_space<vmem>>
      %dma_start3A_616 = tpu.memref_squeeze %dma_start3A_615 : memref<1x128xf32, #tpu.memory_space<vmem>> -> memref<128xf32, #tpu.memory_space<vmem>>
      %dma_start3A_617 = tpu.memref_slice %arg4[%run_scoped3A_605, %add3A_603] : memref<4x4096xf32, #tpu.memory_space<hbm>> -> memref<1x128xf32, #tpu.memory_space<hbm>>
      %dma_start3A_618 = tpu.memref_squeeze %dma_start3A_617 : memref<1x128xf32, #tpu.memory_space<hbm>> -> memref<128xf32, #tpu.memory_space<hbm>>
      %dma_start3A_619 = tpu.memref_slice %arg4[%run_scoped3A_605, %add3A_603] : memref<4x4096xf32, #tpu.memory_space<hbm>> -> memref<1x128xf32, #tpu.memory_space<hbm>>
      %dma_start3A_620 = tpu.memref_squeeze %dma_start3A_619 : memref<1x128xf32, #tpu.memory_space<hbm>> -> memref<128xf32, #tpu.memory_space<hbm>>
      %dma_start3A_621 = arith.constant 0 : i32
      %dma_start3A_622 = tpu.memref_slice %arg13[%run_scoped3A_604, %dma_start3A_621] : memref<4x128xf32, #tpu.memory_space<vmem>> -> memref<1x128xf32, #tpu.memory_space<vmem>>
      %dma_start3A_623 = tpu.memref_squeeze %dma_start3A_622 : memref<1x128xf32, #tpu.memory_space<vmem>> -> memref<128xf32, #tpu.memory_space<vmem>>
      tpu.enqueue_dma source(%dma_start3A_623 : memref<128xf32, #tpu.memory_space<vmem>>) target(%dma_start3A_620 : memref<128xf32, #tpu.memory_space<hbm>>) target_semaphore(%run_scoped3A_613 : memref<!tpu.dma_semaphore, #tpu.memory_space<semaphore_mem>>)
      %dma_wait3A_624 = arith.constant 0 : i32
      %dma_wait3A_625 = tpu.memref_slice %arg13[%run_scoped3A_604, %dma_wait3A_624] : memref<4x128xf32, #tpu.memory_space<vmem>> -> memref<1x128xf32, #tpu.memory_space<vmem>>
      %dma_wait3A_626 = tpu.memref_squeeze %dma_wait3A_625 : memref<1x128xf32, #tpu.memory_space<vmem>> -> memref<128xf32, #tpu.memory_space<vmem>>
      %dma_wait3A_627 = tpu.memref_slice %arg4[%run_scoped3A_605, %add3A_603] : memref<4x4096xf32, #tpu.memory_space<hbm>> -> memref<1x128xf32, #tpu.memory_space<hbm>>
      %dma_wait3A_628 = tpu.memref_squeeze %dma_wait3A_627 : memref<1x128xf32, #tpu.memory_space<hbm>> -> memref<128xf32, #tpu.memory_space<hbm>>
      %dma_wait3A_629 = tpu.memref_slice %arg4[%run_scoped3A_605, %add3A_603] : memref<4x4096xf32, #tpu.memory_space<hbm>> -> memref<1x128xf32, #tpu.memory_space<hbm>>
      %dma_wait3A_630 = tpu.memref_squeeze %dma_wait3A_629 : memref<1x128xf32, #tpu.memory_space<hbm>> -> memref<128xf32, #tpu.memory_space<hbm>>
      %dma_wait3A_631 = arith.constant 0 : i32
      %dma_wait3A_632 = tpu.memref_slice %arg13[%run_scoped3A_604, %dma_wait3A_631] : memref<4x128xf32, #tpu.memory_space<vmem>> -> memref<1x128xf32, #tpu.memory_space<vmem>>
      %dma_wait3A_633 = tpu.memref_squeeze %dma_wait3A_632 : memref<1x128xf32, #tpu.memory_space<vmem>> -> memref<128xf32, #tpu.memory_space<vmem>>
      tpu.wait_dma2 semaphore(%run_scoped3A_613 : memref<!tpu.dma_semaphore, #tpu.memory_space<semaphore_mem>>) src(%dma_wait3A_633 : memref<128xf32, #tpu.memory_space<vmem>>) dst(%dma_wait3A_630 : memref<128xf32, #tpu.memory_space<hbm>>)
      tpu.yield
    }) : () -> ()
    %mul3A_606 = arith.constant 2048 : i32
    %mul3A_607 = arith.muli %arg0, %mul3A_606 : i32
    %mul3A_608 = arith.constant 128 : i32
    %mul3A_609 = arith.muli %arg1, %mul3A_608 : i32
    %add3A_610 = arith.addi %mul3A_607, %mul3A_609 : i32
    %run_scoped3A_611 = arith.constant 3 : i32
    %run_scoped3A_612 = arith.constant 3 : i32
    "tpu.region"() ({
      %run_scoped3A_613 = tpu.sem_alloc : memref<!tpu.dma_semaphore, #tpu.memory_space<semaphore_mem>>
      %dma_start3A_614 = arith.constant 0 : i32
      %dma_start3A_615 = tpu.memref_slice %arg13[%run_scoped3A_611, %dma_start3A_614] : memref<4x128xf32, #tpu.memory_space<vmem>> -> memref<1x128xf32, #tpu.memory_space<vmem>>
      %dma_start3A_616 = tpu.memref_squeeze %dma_start3A_615 : memref<1x128xf32, #tpu.memory_space<vmem>> -> memref<128xf32, #tpu.memory_space<vmem>>
      %dma_start3A_617 = tpu.memref_slice %arg4[%run_scoped3A_612, %add3A_610] : memref<4x4096xf32, #tpu.memory_space<hbm>> -> memref<1x128xf32, #tpu.memory_space<hbm>>
      %dma_start3A_618 = tpu.memref_squeeze %dma_start3A_617 : memref<1x128xf32, #tpu.memory_space<hbm>> -> memref<128xf32, #tpu.memory_space<hbm>>
      %dma_start3A_619 = tpu.memref_slice %arg4[%run_scoped3A_612, %add3A_610] : memref<4x4096xf32, #tpu.memory_space<hbm>> -> memref<1x128xf32, #tpu.memory_space<hbm>>
      %dma_start3A_620 = tpu.memref_squeeze %dma_start3A_619 : memref<1x128xf32, #tpu.memory_space<hbm>> -> memref<128xf32, #tpu.memory_space<hbm>>
      %dma_start3A_621 = arith.constant 0 : i32
      %dma_start3A_622 = tpu.memref_slice %arg13[%run_scoped3A_611, %dma_start3A_621] : memref<4x128xf32, #tpu.memory_space<vmem>> -> memref<1x128xf32, #tpu.memory_space<vmem>>
      %dma_start3A_623 = tpu.memref_squeeze %dma_start3A_622 : memref<1x128xf32, #tpu.memory_space<vmem>> -> memref<128xf32, #tpu.memory_space<vmem>>
      tpu.enqueue_dma source(%dma_start3A_623 : memref<128xf32, #tpu.memory_space<vmem>>) target(%dma_start3A_620 : memref<128xf32, #tpu.memory_space<hbm>>) target_semaphore(%run_scoped3A_613 : memref<!tpu.dma_semaphore, #tpu.memory_space<semaphore_mem>>)
      %dma_wait3A_624 = arith.constant 0 : i32
      %dma_wait3A_625 = tpu.memref_slice %arg13[%run_scoped3A_611, %dma_wait3A_624] : memref<4x128xf32, #tpu.memory_space<vmem>> -> memref<1x128xf32, #tpu.memory_space<vmem>>
      %dma_wait3A_626 = tpu.memref_squeeze %dma_wait3A_625 : memref<1x128xf32, #tpu.memory_space<vmem>> -> memref<128xf32, #tpu.memory_space<vmem>>
      %dma_wait3A_627 = tpu.memref_slice %arg4[%run_scoped3A_612, %add3A_610] : memref<4x4096xf32, #tpu.memory_space<hbm>> -> memref<1x128xf32, #tpu.memory_space<hbm>>
      %dma_wait3A_628 = tpu.memref_squeeze %dma_wait3A_627 : memref<1x128xf32, #tpu.memory_space<hbm>> -> memref<128xf32, #tpu.memory_space<hbm>>
      %dma_wait3A_629 = tpu.memref_slice %arg4[%run_scoped3A_612, %add3A_610] : memref<4x4096xf32, #tpu.memory_space<hbm>> -> memref<1x128xf32, #tpu.memory_space<hbm>>
      %dma_wait3A_630 = tpu.memref_squeeze %dma_wait3A_629 : memref<1x128xf32, #tpu.memory_space<hbm>> -> memref<128xf32, #tpu.memory_space<hbm>>
      %dma_wait3A_631 = arith.constant 0 : i32
      %dma_wait3A_632 = tpu.memref_slice %arg13[%run_scoped3A_611, %dma_wait3A_631] : memref<4x128xf32, #tpu.memory_space<vmem>> -> memref<1x128xf32, #tpu.memory_space<vmem>>
      %dma_wait3A_633 = tpu.memref_squeeze %dma_wait3A_632 : memref<1x128xf32, #tpu.memory_space<vmem>> -> memref<128xf32, #tpu.memory_space<vmem>>
      tpu.wait_dma2 semaphore(%run_scoped3A_613 : memref<!tpu.dma_semaphore, #tpu.memory_space<semaphore_mem>>) src(%dma_wait3A_633 : memref<128xf32, #tpu.memory_space<vmem>>) dst(%dma_wait3A_630 : memref<128xf32, #tpu.memory_space<hbm>>)
      tpu.yield
    }) : () -> ()
    return
  }
}

module attributes {stable_mosaic.version = 14 : i64} {
  func.func @_lstm_body(%arg0: memref<16384x16xf32, #tpu.memory_space<vmem>>, %arg1: memref<2048x8xf32, #tpu.memory_space<vmem>>, %arg2: memref<16x512xf32, #tpu.memory_space<vmem>>, %arg3: memref<128x512xbf16, #tpu.memory_space<vmem>>, %arg4: memref<1x512xf32, #tpu.memory_space<vmem>>, %arg5: memref<1x512xf32, #tpu.memory_space<vmem>>, %arg6: memref<128x16xf32, #tpu.memory_space<vmem>>, %arg7: memref<1x16xf32, #tpu.memory_space<vmem>>, %arg8: memref<8x2048x16xf32, #tpu.memory_space<vmem>>, %arg9: memref<2048x512xf32, #tpu.memory_space<vmem>>, %arg10: memref<256x8x128xf32, #tpu.memory_space<vmem>>) attributes {dimension_semantics = [], scalar_prefetch = 0 : i64, scratch_operands = 2 : i64, tpu.core_type = #tpu.core_type<tc>} {
    %get3A = arith.constant 0 : index
    %get3A_0 = arith.constant 0 : index
    %get3A_1 = vector.load %arg4[%get3A, %get3A_0] : memref<1x512xf32, #tpu.memory_space<vmem>>, vector<1x512xf32>
    %get3A_2 = arith.constant 0 : index
    %get3A_3 = arith.constant 0 : index
    %get3A_4 = vector.load %arg5[%get3A_2, %get3A_3] : memref<1x512xf32, #tpu.memory_space<vmem>>, vector<1x512xf32>
    %add3A = arith.addf %get3A_1, %get3A_4 : vector<1x512xf32>
    %iota3A = tpu.iota {dimensions = array<i32: 1>} : vector<256x16xi32>
    %broadcast_in_dim3A = arith.constant 0.000000e+00 : f32
    %broadcast_in_dim3A_5 = vector.broadcast %broadcast_in_dim3A : f32 to vector<8x128xf32>
    %scan3A = arith.constant 0 : i32
    %scan3A_6 = arith.constant 8 : i32
    %scan3A_7 = arith.addi %scan3A, %scan3A_6 : i32
    %scan3A_8 = arith.constant 1 : i32
    %scan3A_9:2 = scf.for %scan3A_11 = %scan3A to %scan3A_7 step %scan3A_8 iter_args(%scan3A_12 = %broadcast_in_dim3A_5, %scan3A_13 = %broadcast_in_dim3A_5) -> (vector<8x128xf32>, vector<8x128xf32>)  : i32 {
      %mul3A = arith.constant 256 : i32
      %mul3A_14 = arith.muli %scan3A_11, %mul3A : i32
      %mul3A_15 = arith.constant 8 : i32
      %mul3A_16 = arith.muli %mul3A_14, %mul3A_15 : i32
      %get3A_17 = arith.index_cast %mul3A_16 : i32 to index
      %get3A_18 = arith.constant 0 : index
      %get3A_19 = vector.load %arg0[%get3A_17, %get3A_18] : memref<16384x16xf32, #tpu.memory_space<vmem>>, vector<2048x16xf32>
      %get3A_20 = arith.constant 0 : index
      %get3A_21 = arith.constant 0 : index
      %get3A_22 = vector.load %arg2[%get3A_20, %get3A_21] : memref<16x512xf32, #tpu.memory_space<vmem>>, vector<16x512xf32>
      %dot_general3A = arith.constant dense<0.000000e+00> : vector<2048x512xf32>
      %dot_general3A_23 = tpu.matmul %get3A_19, %get3A_22, %dot_general3A {dimension_numbers = #tpu.dot_dimension_numbers<[1], [0], [0], [1], [0, 0, 1, 1], [], []>, transpose_lhs_hint = false} : vector<2048x16xf32>, vector<16x512xf32>, vector<2048x512xf32> -> vector<2048x512xf32>
      %add3A_24 = vector.broadcast %add3A : vector<1x512xf32> to vector<2048x512xf32>
      %add3A_25 = arith.addf %dot_general3A_23, %add3A_24 : vector<2048x512xf32>
      %swap3A = arith.constant 0 : index
      %swap3A_26 = arith.constant 0 : index
      %swap3A_27 = vector.load %arg9[%swap3A, %swap3A_26] : memref<2048x512xf32, #tpu.memory_space<vmem>>, vector<2048x512xf32>
      tpu.vector_store %arg9[%swap3A, %swap3A_26], %add3A_25 {strides = array<i32>} : memref<2048x512xf32, #tpu.memory_space<vmem>>, vector<2048x512xf32>,
      %scan3A_28 = arith.constant 0 : i32
      %scan3A_29 = arith.constant 256 : i32
      %scan3A_30 = arith.addi %scan3A_28, %scan3A_29 : i32
      %scan3A_31 = arith.constant 8 : i32
      %scan3A_32:2 = scf.for %scan3A_523 = %scan3A_28 to %scan3A_30 step %scan3A_31 iter_args(%scan3A_524 = %scan3A_12, %scan3A_525 = %scan3A_13) -> (vector<8x128xf32>, vector<8x128xf32>)  : i32 {
        %mul3A_526 = arith.constant 8 : i32
        %mul3A_527 = arith.muli %scan3A_523, %mul3A_526 : i32
        %get3A_528 = arith.index_cast %mul3A_527 : i32 to index
        %get3A_529 = arith.constant 0 : index
        %get3A_530 = vector.load %arg9[%get3A_528, %get3A_529] : memref<2048x512xf32, #tpu.memory_space<vmem>>, vector<8x512xf32>
        %convert_element_type3A_531 = arith.truncf %scan3A_524 : vector<8x128xf32> to vector<8x128xbf16>
        %get3A_532 = arith.constant 0 : index
        %get3A_533 = arith.constant 0 : index
        %get3A_534 = vector.load %arg3[%get3A_532, %get3A_533] : memref<128x512xbf16, #tpu.memory_space<vmem>>, vector<128x512xbf16>
        %dot_general3A_535 = arith.constant dense<0.000000e+00> : vector<8x512xf32>
        %dot_general3A_536 = tpu.matmul %convert_element_type3A_531, %get3A_534, %dot_general3A_535 {dimension_numbers = #tpu.dot_dimension_numbers<[1], [0], [0], [1], [0, 0, 1, 1], [], []>, transpose_lhs_hint = false} : vector<8x128xbf16>, vector<128x512xbf16>, vector<8x512xf32> -> vector<8x512xf32>
        %add3A_537 = arith.addf %get3A_530, %dot_general3A_536 : vector<8x512xf32>
        %slice3A = vector.extract_strided_slice %add3A_537 {offsets = [0, 0], sizes = [8, 384], strides = [1, 1]} : vector<8x512xf32> to vector<8x384xf32>
        %mul3A_538 = arith.constant 5.000000e-01 : f32
        %mul3A_539 = vector.broadcast %mul3A_538 : f32 to vector<8x384xf32>
        %mul3A_540 = arith.mulf %mul3A_539, %slice3A : vector<8x384xf32>
        %tanh3A = math.tanh %mul3A_540 : vector<8x384xf32>
        %mul3A_541 = arith.constant 5.000000e-01 : f32
        %mul3A_542 = vector.broadcast %mul3A_541 : f32 to vector<8x384xf32>
        %mul3A_543 = arith.mulf %mul3A_542, %tanh3A : vector<8x384xf32>
        %add3A_544 = arith.constant 5.000000e-01 : f32
        %add3A_545 = vector.broadcast %add3A_544 : f32 to vector<8x384xf32>
        %add3A_546 = arith.addf %mul3A_543, %add3A_545 : vector<8x384xf32>
        %slice3A_547 = vector.extract_strided_slice %add3A_546 {offsets = [0, 0], sizes = [8, 128], strides = [1, 1]} : vector<8x384xf32> to vector<8x128xf32>
        %slice3A_548 = vector.extract_strided_slice %add3A_546 {offsets = [0, 128], sizes = [8, 128], strides = [1, 1]} : vector<8x384xf32> to vector<8x128xf32>
        %slice3A_549 = vector.extract_strided_slice %add3A_546 {offsets = [0, 256], sizes = [8, 128], strides = [1, 1]} : vector<8x384xf32> to vector<8x128xf32>
        %slice3A_550 = vector.extract_strided_slice %add3A_537 {offsets = [0, 384], sizes = [8, 128], strides = [1, 1]} : vector<8x512xf32> to vector<8x128xf32>
        %tanh3A_551 = math.tanh %slice3A_550 : vector<8x128xf32>
        %mul3A_552 = arith.mulf %slice3A_548, %scan3A_525 : vector<8x128xf32>
        %mul3A_553 = arith.mulf %slice3A_547, %tanh3A_551 : vector<8x128xf32>
        %add3A_554 = arith.addf %mul3A_552, %mul3A_553 : vector<8x128xf32>
        %tanh3A_555 = math.tanh %add3A_554 : vector<8x128xf32>
        %mul3A_556 = arith.mulf %slice3A_549, %tanh3A_555 : vector<8x128xf32>
        %broadcast_in_dim3A_557 = vector.shape_cast %mul3A_556 : vector<8x128xf32> to vector<1x8x128xf32>
        %swap3A_558 = arith.index_cast %scan3A_523 : i32 to index
        %swap3A_559 = arith.constant 0 : index
        %swap3A_560 = arith.constant 0 : index
        %swap3A_561 = vector.load %arg10[%swap3A_558, %swap3A_559, %swap3A_560] : memref<256x8x128xf32, #tpu.memory_space<vmem>>, vector<1x8x128xf32>
        tpu.vector_store %arg10[%swap3A_558, %swap3A_559, %swap3A_560], %broadcast_in_dim3A_557 {strides = array<i32>} : memref<256x8x128xf32, #tpu.memory_space<vmem>>, vector<1x8x128xf32>,
        %scan3A_562 = arith.constant 1 : i32
        %scan3A_563 = arith.addi %scan3A_523, %scan3A_562 : i32
        %mul3A_564 = arith.constant 8 : i32
        %mul3A_565 = arith.muli %scan3A_563, %mul3A_564 : i32
        %get3A_566 = arith.index_cast %mul3A_565 : i32 to index
        %get3A_567 = arith.constant 0 : index
        %get3A_568 = vector.load %arg9[%get3A_566, %get3A_567] : memref<2048x512xf32, #tpu.memory_space<vmem>>, vector<8x512xf32>
        %convert_element_type3A_569 = arith.truncf %mul3A_556 : vector<8x128xf32> to vector<8x128xbf16>
        %get3A_570 = arith.constant 0 : index
        %get3A_571 = arith.constant 0 : index
        %get3A_572 = vector.load %arg3[%get3A_570, %get3A_571] : memref<128x512xbf16, #tpu.memory_space<vmem>>, vector<128x512xbf16>
        %dot_general3A_573 = arith.constant dense<0.000000e+00> : vector<8x512xf32>
        %dot_general3A_574 = tpu.matmul %convert_element_type3A_569, %get3A_572, %dot_general3A_573 {dimension_numbers = #tpu.dot_dimension_numbers<[1], [0], [0], [1], [0, 0, 1, 1], [], []>, transpose_lhs_hint = false} : vector<8x128xbf16>, vector<128x512xbf16>, vector<8x512xf32> -> vector<8x512xf32>
        %add3A_575 = arith.addf %get3A_568, %dot_general3A_574 : vector<8x512xf32>
        %slice3A_576 = vector.extract_strided_slice %add3A_575 {offsets = [0, 0], sizes = [8, 384], strides = [1, 1]} : vector<8x512xf32> to vector<8x384xf32>
        %mul3A_577 = arith.constant 5.000000e-01 : f32
        %mul3A_578 = vector.broadcast %mul3A_577 : f32 to vector<8x384xf32>
        %mul3A_579 = arith.mulf %mul3A_578, %slice3A_576 : vector<8x384xf32>
        %tanh3A_580 = math.tanh %mul3A_579 : vector<8x384xf32>
        %mul3A_581 = arith.constant 5.000000e-01 : f32
        %mul3A_582 = vector.broadcast %mul3A_581 : f32 to vector<8x384xf32>
        %mul3A_583 = arith.mulf %mul3A_582, %tanh3A_580 : vector<8x384xf32>
        %add3A_584 = arith.constant 5.000000e-01 : f32
        %add3A_585 = vector.broadcast %add3A_584 : f32 to vector<8x384xf32>
        %add3A_586 = arith.addf %mul3A_583, %add3A_585 : vector<8x384xf32>
        %slice3A_587 = vector.extract_strided_slice %add3A_586 {offsets = [0, 0], sizes = [8, 128], strides = [1, 1]} : vector<8x384xf32> to vector<8x128xf32>
        %slice3A_588 = vector.extract_strided_slice %add3A_586 {offsets = [0, 128], sizes = [8, 128], strides = [1, 1]} : vector<8x384xf32> to vector<8x128xf32>
        %slice3A_589 = vector.extract_strided_slice %add3A_586 {offsets = [0, 256], sizes = [8, 128], strides = [1, 1]} : vector<8x384xf32> to vector<8x128xf32>
        %slice3A_590 = vector.extract_strided_slice %add3A_575 {offsets = [0, 384], sizes = [8, 128], strides = [1, 1]} : vector<8x512xf32> to vector<8x128xf32>
        %tanh3A_591 = math.tanh %slice3A_590 : vector<8x128xf32>
        %mul3A_592 = arith.mulf %slice3A_588, %add3A_554 : vector<8x128xf32>
        %mul3A_593 = arith.mulf %slice3A_587, %tanh3A_591 : vector<8x128xf32>
        %add3A_594 = arith.addf %mul3A_592, %mul3A_593 : vector<8x128xf32>
        %tanh3A_595 = math.tanh %add3A_594 : vector<8x128xf32>
        %mul3A_596 = arith.mulf %slice3A_589, %tanh3A_595 : vector<8x128xf32>
        %broadcast_in_dim3A_597 = vector.shape_cast %mul3A_596 : vector<8x128xf32> to vector<1x8x128xf32>
        %swap3A_598 = arith.index_cast %scan3A_563 : i32 to index
        %swap3A_599 = arith.constant 0 : index
        %swap3A_600 = arith.constant 0 : index
        %swap3A_601 = vector.load %arg10[%swap3A_598, %swap3A_599, %swap3A_600] : memref<256x8x128xf32, #tpu.memory_space<vmem>>, vector<1x8x128xf32>
        tpu.vector_store %arg10[%swap3A_598, %swap3A_599, %swap3A_600], %broadcast_in_dim3A_597 {strides = array<i32>} : memref<256x8x128xf32, #tpu.memory_space<vmem>>, vector<1x8x128xf32>,
        %scan3A_602 = arith.constant 2 : i32
        %scan3A_603 = arith.addi %scan3A_523, %scan3A_602 : i32
        %mul3A_604 = arith.constant 8 : i32
        %mul3A_605 = arith.muli %scan3A_603, %mul3A_604 : i32
        %get3A_606 = arith.index_cast %mul3A_605 : i32 to index
        %get3A_607 = arith.constant 0 : index
        %get3A_608 = vector.load %arg9[%get3A_606, %get3A_607] : memref<2048x512xf32, #tpu.memory_space<vmem>>, vector<8x512xf32>
        %convert_element_type3A_609 = arith.truncf %mul3A_596 : vector<8x128xf32> to vector<8x128xbf16>
        %get3A_610 = arith.constant 0 : index
        %get3A_611 = arith.constant 0 : index
        %get3A_612 = vector.load %arg3[%get3A_610, %get3A_611] : memref<128x512xbf16, #tpu.memory_space<vmem>>, vector<128x512xbf16>
        %dot_general3A_613 = arith.constant dense<0.000000e+00> : vector<8x512xf32>
        %dot_general3A_614 = tpu.matmul %convert_element_type3A_609, %get3A_612, %dot_general3A_613 {dimension_numbers = #tpu.dot_dimension_numbers<[1], [0], [0], [1], [0, 0, 1, 1], [], []>, transpose_lhs_hint = false} : vector<8x128xbf16>, vector<128x512xbf16>, vector<8x512xf32> -> vector<8x512xf32>
        %add3A_615 = arith.addf %get3A_608, %dot_general3A_614 : vector<8x512xf32>
        %slice3A_616 = vector.extract_strided_slice %add3A_615 {offsets = [0, 0], sizes = [8, 384], strides = [1, 1]} : vector<8x512xf32> to vector<8x384xf32>
        %mul3A_617 = arith.constant 5.000000e-01 : f32
        %mul3A_618 = vector.broadcast %mul3A_617 : f32 to vector<8x384xf32>
        %mul3A_619 = arith.mulf %mul3A_618, %slice3A_616 : vector<8x384xf32>
        %tanh3A_620 = math.tanh %mul3A_619 : vector<8x384xf32>
        %mul3A_621 = arith.constant 5.000000e-01 : f32
        %mul3A_622 = vector.broadcast %mul3A_621 : f32 to vector<8x384xf32>
        %mul3A_623 = arith.mulf %mul3A_622, %tanh3A_620 : vector<8x384xf32>
        %add3A_624 = arith.constant 5.000000e-01 : f32
        %add3A_625 = vector.broadcast %add3A_624 : f32 to vector<8x384xf32>
        %add3A_626 = arith.addf %mul3A_623, %add3A_625 : vector<8x384xf32>
        %slice3A_627 = vector.extract_strided_slice %add3A_626 {offsets = [0, 0], sizes = [8, 128], strides = [1, 1]} : vector<8x384xf32> to vector<8x128xf32>
        %slice3A_628 = vector.extract_strided_slice %add3A_626 {offsets = [0, 128], sizes = [8, 128], strides = [1, 1]} : vector<8x384xf32> to vector<8x128xf32>
        %slice3A_629 = vector.extract_strided_slice %add3A_626 {offsets = [0, 256], sizes = [8, 128], strides = [1, 1]} : vector<8x384xf32> to vector<8x128xf32>
        %slice3A_630 = vector.extract_strided_slice %add3A_615 {offsets = [0, 384], sizes = [8, 128], strides = [1, 1]} : vector<8x512xf32> to vector<8x128xf32>
        %tanh3A_631 = math.tanh %slice3A_630 : vector<8x128xf32>
        %mul3A_632 = arith.mulf %slice3A_628, %add3A_594 : vector<8x128xf32>
        %mul3A_633 = arith.mulf %slice3A_627, %tanh3A_631 : vector<8x128xf32>
        %add3A_634 = arith.addf %mul3A_632, %mul3A_633 : vector<8x128xf32>
        %tanh3A_635 = math.tanh %add3A_634 : vector<8x128xf32>
        %mul3A_636 = arith.mulf %slice3A_629, %tanh3A_635 : vector<8x128xf32>
        %broadcast_in_dim3A_637 = vector.shape_cast %mul3A_636 : vector<8x128xf32> to vector<1x8x128xf32>
        %swap3A_638 = arith.index_cast %scan3A_603 : i32 to index
        %swap3A_639 = arith.constant 0 : index
        %swap3A_640 = arith.constant 0 : index
        %swap3A_641 = vector.load %arg10[%swap3A_638, %swap3A_639, %swap3A_640] : memref<256x8x128xf32, #tpu.memory_space<vmem>>, vector<1x8x128xf32>
        tpu.vector_store %arg10[%swap3A_638, %swap3A_639, %swap3A_640], %broadcast_in_dim3A_637 {strides = array<i32>} : memref<256x8x128xf32, #tpu.memory_space<vmem>>, vector<1x8x128xf32>,
        %scan3A_642 = arith.constant 3 : i32
        %scan3A_643 = arith.addi %scan3A_523, %scan3A_642 : i32
        %mul3A_644 = arith.constant 8 : i32
        %mul3A_645 = arith.muli %scan3A_643, %mul3A_644 : i32
        %get3A_646 = arith.index_cast %mul3A_645 : i32 to index
        %get3A_647 = arith.constant 0 : index
        %get3A_648 = vector.load %arg9[%get3A_646, %get3A_647] : memref<2048x512xf32, #tpu.memory_space<vmem>>, vector<8x512xf32>
        %convert_element_type3A_649 = arith.truncf %mul3A_636 : vector<8x128xf32> to vector<8x128xbf16>
        %get3A_650 = arith.constant 0 : index
        %get3A_651 = arith.constant 0 : index
        %get3A_652 = vector.load %arg3[%get3A_650, %get3A_651] : memref<128x512xbf16, #tpu.memory_space<vmem>>, vector<128x512xbf16>
        %dot_general3A_653 = arith.constant dense<0.000000e+00> : vector<8x512xf32>
        %dot_general3A_654 = tpu.matmul %convert_element_type3A_649, %get3A_652, %dot_general3A_653 {dimension_numbers = #tpu.dot_dimension_numbers<[1], [0], [0], [1], [0, 0, 1, 1], [], []>, transpose_lhs_hint = false} : vector<8x128xbf16>, vector<128x512xbf16>, vector<8x512xf32> -> vector<8x512xf32>
        %add3A_655 = arith.addf %get3A_648, %dot_general3A_654 : vector<8x512xf32>
        %slice3A_656 = vector.extract_strided_slice %add3A_655 {offsets = [0, 0], sizes = [8, 384], strides = [1, 1]} : vector<8x512xf32> to vector<8x384xf32>
        %mul3A_657 = arith.constant 5.000000e-01 : f32
        %mul3A_658 = vector.broadcast %mul3A_657 : f32 to vector<8x384xf32>
        %mul3A_659 = arith.mulf %mul3A_658, %slice3A_656 : vector<8x384xf32>
        %tanh3A_660 = math.tanh %mul3A_659 : vector<8x384xf32>
        %mul3A_661 = arith.constant 5.000000e-01 : f32
        %mul3A_662 = vector.broadcast %mul3A_661 : f32 to vector<8x384xf32>
        %mul3A_663 = arith.mulf %mul3A_662, %tanh3A_660 : vector<8x384xf32>
        %add3A_664 = arith.constant 5.000000e-01 : f32
        %add3A_665 = vector.broadcast %add3A_664 : f32 to vector<8x384xf32>
        %add3A_666 = arith.addf %mul3A_663, %add3A_665 : vector<8x384xf32>
        %slice3A_667 = vector.extract_strided_slice %add3A_666 {offsets = [0, 0], sizes = [8, 128], strides = [1, 1]} : vector<8x384xf32> to vector<8x128xf32>
        %slice3A_668 = vector.extract_strided_slice %add3A_666 {offsets = [0, 128], sizes = [8, 128], strides = [1, 1]} : vector<8x384xf32> to vector<8x128xf32>
        %slice3A_669 = vector.extract_strided_slice %add3A_666 {offsets = [0, 256], sizes = [8, 128], strides = [1, 1]} : vector<8x384xf32> to vector<8x128xf32>
        %slice3A_670 = vector.extract_strided_slice %add3A_655 {offsets = [0, 384], sizes = [8, 128], strides = [1, 1]} : vector<8x512xf32> to vector<8x128xf32>
        %tanh3A_671 = math.tanh %slice3A_670 : vector<8x128xf32>
        %mul3A_672 = arith.mulf %slice3A_668, %add3A_634 : vector<8x128xf32>
        %mul3A_673 = arith.mulf %slice3A_667, %tanh3A_671 : vector<8x128xf32>
        %add3A_674 = arith.addf %mul3A_672, %mul3A_673 : vector<8x128xf32>
        %tanh3A_675 = math.tanh %add3A_674 : vector<8x128xf32>
        %mul3A_676 = arith.mulf %slice3A_669, %tanh3A_675 : vector<8x128xf32>
        %broadcast_in_dim3A_677 = vector.shape_cast %mul3A_676 : vector<8x128xf32> to vector<1x8x128xf32>
        %swap3A_678 = arith.index_cast %scan3A_643 : i32 to index
        %swap3A_679 = arith.constant 0 : index
        %swap3A_680 = arith.constant 0 : index
        %swap3A_681 = vector.load %arg10[%swap3A_678, %swap3A_679, %swap3A_680] : memref<256x8x128xf32, #tpu.memory_space<vmem>>, vector<1x8x128xf32>
        tpu.vector_store %arg10[%swap3A_678, %swap3A_679, %swap3A_680], %broadcast_in_dim3A_677 {strides = array<i32>} : memref<256x8x128xf32, #tpu.memory_space<vmem>>, vector<1x8x128xf32>,
        %scan3A_682 = arith.constant 4 : i32
        %scan3A_683 = arith.addi %scan3A_523, %scan3A_682 : i32
        %mul3A_684 = arith.constant 8 : i32
        %mul3A_685 = arith.muli %scan3A_683, %mul3A_684 : i32
        %get3A_686 = arith.index_cast %mul3A_685 : i32 to index
        %get3A_687 = arith.constant 0 : index
        %get3A_688 = vector.load %arg9[%get3A_686, %get3A_687] : memref<2048x512xf32, #tpu.memory_space<vmem>>, vector<8x512xf32>
        %convert_element_type3A_689 = arith.truncf %mul3A_676 : vector<8x128xf32> to vector<8x128xbf16>
        %get3A_690 = arith.constant 0 : index
        %get3A_691 = arith.constant 0 : index
        %get3A_692 = vector.load %arg3[%get3A_690, %get3A_691] : memref<128x512xbf16, #tpu.memory_space<vmem>>, vector<128x512xbf16>
        %dot_general3A_693 = arith.constant dense<0.000000e+00> : vector<8x512xf32>
        %dot_general3A_694 = tpu.matmul %convert_element_type3A_689, %get3A_692, %dot_general3A_693 {dimension_numbers = #tpu.dot_dimension_numbers<[1], [0], [0], [1], [0, 0, 1, 1], [], []>, transpose_lhs_hint = false} : vector<8x128xbf16>, vector<128x512xbf16>, vector<8x512xf32> -> vector<8x512xf32>
        %add3A_695 = arith.addf %get3A_688, %dot_general3A_694 : vector<8x512xf32>
        %slice3A_696 = vector.extract_strided_slice %add3A_695 {offsets = [0, 0], sizes = [8, 384], strides = [1, 1]} : vector<8x512xf32> to vector<8x384xf32>
        %mul3A_697 = arith.constant 5.000000e-01 : f32
        %mul3A_698 = vector.broadcast %mul3A_697 : f32 to vector<8x384xf32>
        %mul3A_699 = arith.mulf %mul3A_698, %slice3A_696 : vector<8x384xf32>
        %tanh3A_700 = math.tanh %mul3A_699 : vector<8x384xf32>
        %mul3A_701 = arith.constant 5.000000e-01 : f32
        %mul3A_702 = vector.broadcast %mul3A_701 : f32 to vector<8x384xf32>
        %mul3A_703 = arith.mulf %mul3A_702, %tanh3A_700 : vector<8x384xf32>
        %add3A_704 = arith.constant 5.000000e-01 : f32
        %add3A_705 = vector.broadcast %add3A_704 : f32 to vector<8x384xf32>
        %add3A_706 = arith.addf %mul3A_703, %add3A_705 : vector<8x384xf32>
        %slice3A_707 = vector.extract_strided_slice %add3A_706 {offsets = [0, 0], sizes = [8, 128], strides = [1, 1]} : vector<8x384xf32> to vector<8x128xf32>
        %slice3A_708 = vector.extract_strided_slice %add3A_706 {offsets = [0, 128], sizes = [8, 128], strides = [1, 1]} : vector<8x384xf32> to vector<8x128xf32>
        %slice3A_709 = vector.extract_strided_slice %add3A_706 {offsets = [0, 256], sizes = [8, 128], strides = [1, 1]} : vector<8x384xf32> to vector<8x128xf32>
        %slice3A_710 = vector.extract_strided_slice %add3A_695 {offsets = [0, 384], sizes = [8, 128], strides = [1, 1]} : vector<8x512xf32> to vector<8x128xf32>
        %tanh3A_711 = math.tanh %slice3A_710 : vector<8x128xf32>
        %mul3A_712 = arith.mulf %slice3A_708, %add3A_674 : vector<8x128xf32>
        %mul3A_713 = arith.mulf %slice3A_707, %tanh3A_711 : vector<8x128xf32>
        %add3A_714 = arith.addf %mul3A_712, %mul3A_713 : vector<8x128xf32>
        %tanh3A_715 = math.tanh %add3A_714 : vector<8x128xf32>
        %mul3A_716 = arith.mulf %slice3A_709, %tanh3A_715 : vector<8x128xf32>
        %broadcast_in_dim3A_717 = vector.shape_cast %mul3A_716 : vector<8x128xf32> to vector<1x8x128xf32>
        %swap3A_718 = arith.index_cast %scan3A_683 : i32 to index
        %swap3A_719 = arith.constant 0 : index
        %swap3A_720 = arith.constant 0 : index
        %swap3A_721 = vector.load %arg10[%swap3A_718, %swap3A_719, %swap3A_720] : memref<256x8x128xf32, #tpu.memory_space<vmem>>, vector<1x8x128xf32>
        tpu.vector_store %arg10[%swap3A_718, %swap3A_719, %swap3A_720], %broadcast_in_dim3A_717 {strides = array<i32>} : memref<256x8x128xf32, #tpu.memory_space<vmem>>, vector<1x8x128xf32>,
        %scan3A_722 = arith.constant 5 : i32
        %scan3A_723 = arith.addi %scan3A_523, %scan3A_722 : i32
        %mul3A_724 = arith.constant 8 : i32
        %mul3A_725 = arith.muli %scan3A_723, %mul3A_724 : i32
        %get3A_726 = arith.index_cast %mul3A_725 : i32 to index
        %get3A_727 = arith.constant 0 : index
        %get3A_728 = vector.load %arg9[%get3A_726, %get3A_727] : memref<2048x512xf32, #tpu.memory_space<vmem>>, vector<8x512xf32>
        %convert_element_type3A_729 = arith.truncf %mul3A_716 : vector<8x128xf32> to vector<8x128xbf16>
        %get3A_730 = arith.constant 0 : index
        %get3A_731 = arith.constant 0 : index
        %get3A_732 = vector.load %arg3[%get3A_730, %get3A_731] : memref<128x512xbf16, #tpu.memory_space<vmem>>, vector<128x512xbf16>
        %dot_general3A_733 = arith.constant dense<0.000000e+00> : vector<8x512xf32>
        %dot_general3A_734 = tpu.matmul %convert_element_type3A_729, %get3A_732, %dot_general3A_733 {dimension_numbers = #tpu.dot_dimension_numbers<[1], [0], [0], [1], [0, 0, 1, 1], [], []>, transpose_lhs_hint = false} : vector<8x128xbf16>, vector<128x512xbf16>, vector<8x512xf32> -> vector<8x512xf32>
        %add3A_735 = arith.addf %get3A_728, %dot_general3A_734 : vector<8x512xf32>
        %slice3A_736 = vector.extract_strided_slice %add3A_735 {offsets = [0, 0], sizes = [8, 384], strides = [1, 1]} : vector<8x512xf32> to vector<8x384xf32>
        %mul3A_737 = arith.constant 5.000000e-01 : f32
        %mul3A_738 = vector.broadcast %mul3A_737 : f32 to vector<8x384xf32>
        %mul3A_739 = arith.mulf %mul3A_738, %slice3A_736 : vector<8x384xf32>
        %tanh3A_740 = math.tanh %mul3A_739 : vector<8x384xf32>
        %mul3A_741 = arith.constant 5.000000e-01 : f32
        %mul3A_742 = vector.broadcast %mul3A_741 : f32 to vector<8x384xf32>
        %mul3A_743 = arith.mulf %mul3A_742, %tanh3A_740 : vector<8x384xf32>
        %add3A_744 = arith.constant 5.000000e-01 : f32
        %add3A_745 = vector.broadcast %add3A_744 : f32 to vector<8x384xf32>
        %add3A_746 = arith.addf %mul3A_743, %add3A_745 : vector<8x384xf32>
        %slice3A_747 = vector.extract_strided_slice %add3A_746 {offsets = [0, 0], sizes = [8, 128], strides = [1, 1]} : vector<8x384xf32> to vector<8x128xf32>
        %slice3A_748 = vector.extract_strided_slice %add3A_746 {offsets = [0, 128], sizes = [8, 128], strides = [1, 1]} : vector<8x384xf32> to vector<8x128xf32>
        %slice3A_749 = vector.extract_strided_slice %add3A_746 {offsets = [0, 256], sizes = [8, 128], strides = [1, 1]} : vector<8x384xf32> to vector<8x128xf32>
        %slice3A_750 = vector.extract_strided_slice %add3A_735 {offsets = [0, 384], sizes = [8, 128], strides = [1, 1]} : vector<8x512xf32> to vector<8x128xf32>
        %tanh3A_751 = math.tanh %slice3A_750 : vector<8x128xf32>
        %mul3A_752 = arith.mulf %slice3A_748, %add3A_714 : vector<8x128xf32>
        %mul3A_753 = arith.mulf %slice3A_747, %tanh3A_751 : vector<8x128xf32>
        %add3A_754 = arith.addf %mul3A_752, %mul3A_753 : vector<8x128xf32>
        %tanh3A_755 = math.tanh %add3A_754 : vector<8x128xf32>
        %mul3A_756 = arith.mulf %slice3A_749, %tanh3A_755 : vector<8x128xf32>
        %broadcast_in_dim3A_757 = vector.shape_cast %mul3A_756 : vector<8x128xf32> to vector<1x8x128xf32>
        %swap3A_758 = arith.index_cast %scan3A_723 : i32 to index
        %swap3A_759 = arith.constant 0 : index
        %swap3A_760 = arith.constant 0 : index
        %swap3A_761 = vector.load %arg10[%swap3A_758, %swap3A_759, %swap3A_760] : memref<256x8x128xf32, #tpu.memory_space<vmem>>, vector<1x8x128xf32>
        tpu.vector_store %arg10[%swap3A_758, %swap3A_759, %swap3A_760], %broadcast_in_dim3A_757 {strides = array<i32>} : memref<256x8x128xf32, #tpu.memory_space<vmem>>, vector<1x8x128xf32>,
        %scan3A_762 = arith.constant 6 : i32
        %scan3A_763 = arith.addi %scan3A_523, %scan3A_762 : i32
        %mul3A_764 = arith.constant 8 : i32
        %mul3A_765 = arith.muli %scan3A_763, %mul3A_764 : i32
        %get3A_766 = arith.index_cast %mul3A_765 : i32 to index
        %get3A_767 = arith.constant 0 : index
        %get3A_768 = vector.load %arg9[%get3A_766, %get3A_767] : memref<2048x512xf32, #tpu.memory_space<vmem>>, vector<8x512xf32>
        %convert_element_type3A_769 = arith.truncf %mul3A_756 : vector<8x128xf32> to vector<8x128xbf16>
        %get3A_770 = arith.constant 0 : index
        %get3A_771 = arith.constant 0 : index
        %get3A_772 = vector.load %arg3[%get3A_770, %get3A_771] : memref<128x512xbf16, #tpu.memory_space<vmem>>, vector<128x512xbf16>
        %dot_general3A_773 = arith.constant dense<0.000000e+00> : vector<8x512xf32>
        %dot_general3A_774 = tpu.matmul %convert_element_type3A_769, %get3A_772, %dot_general3A_773 {dimension_numbers = #tpu.dot_dimension_numbers<[1], [0], [0], [1], [0, 0, 1, 1], [], []>, transpose_lhs_hint = false} : vector<8x128xbf16>, vector<128x512xbf16>, vector<8x512xf32> -> vector<8x512xf32>
        %add3A_775 = arith.addf %get3A_768, %dot_general3A_774 : vector<8x512xf32>
        %slice3A_776 = vector.extract_strided_slice %add3A_775 {offsets = [0, 0], sizes = [8, 384], strides = [1, 1]} : vector<8x512xf32> to vector<8x384xf32>
        %mul3A_777 = arith.constant 5.000000e-01 : f32
        %mul3A_778 = vector.broadcast %mul3A_777 : f32 to vector<8x384xf32>
        %mul3A_779 = arith.mulf %mul3A_778, %slice3A_776 : vector<8x384xf32>
        %tanh3A_780 = math.tanh %mul3A_779 : vector<8x384xf32>
        %mul3A_781 = arith.constant 5.000000e-01 : f32
        %mul3A_782 = vector.broadcast %mul3A_781 : f32 to vector<8x384xf32>
        %mul3A_783 = arith.mulf %mul3A_782, %tanh3A_780 : vector<8x384xf32>
        %add3A_784 = arith.constant 5.000000e-01 : f32
        %add3A_785 = vector.broadcast %add3A_784 : f32 to vector<8x384xf32>
        %add3A_786 = arith.addf %mul3A_783, %add3A_785 : vector<8x384xf32>
        %slice3A_787 = vector.extract_strided_slice %add3A_786 {offsets = [0, 0], sizes = [8, 128], strides = [1, 1]} : vector<8x384xf32> to vector<8x128xf32>
        %slice3A_788 = vector.extract_strided_slice %add3A_786 {offsets = [0, 128], sizes = [8, 128], strides = [1, 1]} : vector<8x384xf32> to vector<8x128xf32>
        %slice3A_789 = vector.extract_strided_slice %add3A_786 {offsets = [0, 256], sizes = [8, 128], strides = [1, 1]} : vector<8x384xf32> to vector<8x128xf32>
        %slice3A_790 = vector.extract_strided_slice %add3A_775 {offsets = [0, 384], sizes = [8, 128], strides = [1, 1]} : vector<8x512xf32> to vector<8x128xf32>
        %tanh3A_791 = math.tanh %slice3A_790 : vector<8x128xf32>
        %mul3A_792 = arith.mulf %slice3A_788, %add3A_754 : vector<8x128xf32>
        %mul3A_793 = arith.mulf %slice3A_787, %tanh3A_791 : vector<8x128xf32>
        %add3A_794 = arith.addf %mul3A_792, %mul3A_793 : vector<8x128xf32>
        %tanh3A_795 = math.tanh %add3A_794 : vector<8x128xf32>
        %mul3A_796 = arith.mulf %slice3A_789, %tanh3A_795 : vector<8x128xf32>
        %broadcast_in_dim3A_797 = vector.shape_cast %mul3A_796 : vector<8x128xf32> to vector<1x8x128xf32>
        %swap3A_798 = arith.index_cast %scan3A_763 : i32 to index
        %swap3A_799 = arith.constant 0 : index
        %swap3A_800 = arith.constant 0 : index
        %swap3A_801 = vector.load %arg10[%swap3A_798, %swap3A_799, %swap3A_800] : memref<256x8x128xf32, #tpu.memory_space<vmem>>, vector<1x8x128xf32>
        tpu.vector_store %arg10[%swap3A_798, %swap3A_799, %swap3A_800], %broadcast_in_dim3A_797 {strides = array<i32>} : memref<256x8x128xf32, #tpu.memory_space<vmem>>, vector<1x8x128xf32>,
        %scan3A_802 = arith.constant 7 : i32
        %scan3A_803 = arith.addi %scan3A_523, %scan3A_802 : i32
        %mul3A_804 = arith.constant 8 : i32
        %mul3A_805 = arith.muli %scan3A_803, %mul3A_804 : i32
        %get3A_806 = arith.index_cast %mul3A_805 : i32 to index
        %get3A_807 = arith.constant 0 : index
        %get3A_808 = vector.load %arg9[%get3A_806, %get3A_807] : memref<2048x512xf32, #tpu.memory_space<vmem>>, vector<8x512xf32>
        %convert_element_type3A_809 = arith.truncf %mul3A_796 : vector<8x128xf32> to vector<8x128xbf16>
        %get3A_810 = arith.constant 0 : index
        %get3A_811 = arith.constant 0 : index
        %get3A_812 = vector.load %arg3[%get3A_810, %get3A_811] : memref<128x512xbf16, #tpu.memory_space<vmem>>, vector<128x512xbf16>
        %dot_general3A_813 = arith.constant dense<0.000000e+00> : vector<8x512xf32>
        %dot_general3A_814 = tpu.matmul %convert_element_type3A_809, %get3A_812, %dot_general3A_813 {dimension_numbers = #tpu.dot_dimension_numbers<[1], [0], [0], [1], [0, 0, 1, 1], [], []>, transpose_lhs_hint = false} : vector<8x128xbf16>, vector<128x512xbf16>, vector<8x512xf32> -> vector<8x512xf32>
        %add3A_815 = arith.addf %get3A_808, %dot_general3A_814 : vector<8x512xf32>
        %slice3A_816 = vector.extract_strided_slice %add3A_815 {offsets = [0, 0], sizes = [8, 384], strides = [1, 1]} : vector<8x512xf32> to vector<8x384xf32>
        %mul3A_817 = arith.constant 5.000000e-01 : f32
        %mul3A_818 = vector.broadcast %mul3A_817 : f32 to vector<8x384xf32>
        %mul3A_819 = arith.mulf %mul3A_818, %slice3A_816 : vector<8x384xf32>
        %tanh3A_820 = math.tanh %mul3A_819 : vector<8x384xf32>
        %mul3A_821 = arith.constant 5.000000e-01 : f32
        %mul3A_822 = vector.broadcast %mul3A_821 : f32 to vector<8x384xf32>
        %mul3A_823 = arith.mulf %mul3A_822, %tanh3A_820 : vector<8x384xf32>
        %add3A_824 = arith.constant 5.000000e-01 : f32
        %add3A_825 = vector.broadcast %add3A_824 : f32 to vector<8x384xf32>
        %add3A_826 = arith.addf %mul3A_823, %add3A_825 : vector<8x384xf32>
        %slice3A_827 = vector.extract_strided_slice %add3A_826 {offsets = [0, 0], sizes = [8, 128], strides = [1, 1]} : vector<8x384xf32> to vector<8x128xf32>
        %slice3A_828 = vector.extract_strided_slice %add3A_826 {offsets = [0, 128], sizes = [8, 128], strides = [1, 1]} : vector<8x384xf32> to vector<8x128xf32>
        %slice3A_829 = vector.extract_strided_slice %add3A_826 {offsets = [0, 256], sizes = [8, 128], strides = [1, 1]} : vector<8x384xf32> to vector<8x128xf32>
        %slice3A_830 = vector.extract_strided_slice %add3A_815 {offsets = [0, 384], sizes = [8, 128], strides = [1, 1]} : vector<8x512xf32> to vector<8x128xf32>
        %tanh3A_831 = math.tanh %slice3A_830 : vector<8x128xf32>
        %mul3A_832 = arith.mulf %slice3A_828, %add3A_794 : vector<8x128xf32>
        %mul3A_833 = arith.mulf %slice3A_827, %tanh3A_831 : vector<8x128xf32>
        %add3A_834 = arith.addf %mul3A_832, %mul3A_833 : vector<8x128xf32>
        %tanh3A_835 = math.tanh %add3A_834 : vector<8x128xf32>
        %mul3A_836 = arith.mulf %slice3A_829, %tanh3A_835 : vector<8x128xf32>
        %broadcast_in_dim3A_837 = vector.shape_cast %mul3A_836 : vector<8x128xf32> to vector<1x8x128xf32>
        %swap3A_838 = arith.index_cast %scan3A_803 : i32 to index
        %swap3A_839 = arith.constant 0 : index
        %swap3A_840 = arith.constant 0 : index
        %swap3A_841 = vector.load %arg10[%swap3A_838, %swap3A_839, %swap3A_840] : memref<256x8x128xf32, #tpu.memory_space<vmem>>, vector<1x8x128xf32>
        tpu.vector_store %arg10[%swap3A_838, %swap3A_839, %swap3A_840], %broadcast_in_dim3A_837 {strides = array<i32>} : memref<256x8x128xf32, #tpu.memory_space<vmem>>, vector<1x8x128xf32>,
        scf.yield %mul3A_836, %add3A_834 : vector<8x128xf32>, vector<8x128xf32>
      }
      %scan3A_33 = arith.constant 256 : i32
      %get3A_34 = arith.constant 0 : index
      %get3A_35 = arith.constant 0 : index
      %get3A_36 = arith.constant 0 : index
      %get3A_37 = vector.load %arg10[%get3A_34, %get3A_35, %get3A_36] : memref<256x8x128xf32, #tpu.memory_space<vmem>>, vector<256x1x128xf32>
      %reshape3A = vector.shape_cast %get3A_37 : vector<256x1x128xf32> to vector<256x128xf32>
      %get3A_38 = arith.constant 0 : index
      %get3A_39 = arith.constant 0 : index
      %get3A_40 = vector.load %arg6[%get3A_38, %get3A_39] : memref<128x16xf32, #tpu.memory_space<vmem>>, vector<128x16xf32>
      %dot_general3A_41 = arith.constant dense<0.000000e+00> : vector<256x16xf32>
      %dot_general3A_42 = tpu.matmul %reshape3A, %get3A_40, %dot_general3A_41 {dimension_numbers = #tpu.dot_dimension_numbers<[1], [0], [0], [1], [0, 0, 1, 1], [], []>, transpose_lhs_hint = false} : vector<256x128xf32>, vector<128x16xf32>, vector<256x16xf32> -> vector<256x16xf32>
      %get3A_43 = arith.constant 0 : index
      %get3A_44 = arith.constant 0 : index
      %get3A_45 = vector.load %arg7[%get3A_43, %get3A_44] : memref<1x16xf32, #tpu.memory_space<vmem>>, vector<1x16xf32>
      %add3A_46 = vector.broadcast %get3A_45 : vector<1x16xf32> to vector<256x16xf32>
      %add3A_47 = arith.addf %dot_general3A_42, %add3A_46 : vector<256x16xf32>
      %mul3A_48 = arith.constant 256 : i32
      %mul3A_49 = arith.muli %scan3A_11, %mul3A_48 : i32
      %get3A_50 = arith.index_cast %mul3A_49 : i32 to index
      %get3A_51 = arith.constant 0 : index
      %get3A_52 = vector.load %arg1[%get3A_50, %get3A_51] : memref<2048x8xf32, #tpu.memory_space<vmem>>, vector<256x1xf32>
      %convert_element_type3A = arith.fptosi %get3A_52 : vector<256x1xf32> to vector<256x1xi32>
      %lt3A = arith.constant 512 : i32
      %lt3A_53 = vector.broadcast %lt3A : i32 to vector<256x1xi32>
      %lt3A_54 = arith.cmpi slt, %convert_element_type3A, %lt3A_53 : vector<256x1xi32>
      %lt3A_55 = arith.constant 0 : i32
      %lt3A_56 = vector.broadcast %lt3A_55 : i32 to vector<256x1xi32>
      %lt3A_57 = arith.cmpi slt, %convert_element_type3A, %lt3A_56 : vector<256x1xi32>
      %add3A_58 = arith.constant 512 : i32
      %add3A_59 = vector.broadcast %add3A_58 : i32 to vector<256x1xi32>
      %add3A_60 = arith.addi %convert_element_type3A, %add3A_59 : vector<256x1xi32>
      %select_n3A = arith.select %lt3A_57, %add3A_60, %convert_element_type3A : vector<256x1xi1>, vector<256x1xi32>
      %lt3A_61 = arith.constant 0 : i32
      %lt3A_62 = vector.broadcast %lt3A_61 : i32 to vector<256x1xi32>
      %lt3A_63 = arith.cmpi slt, %select_n3A, %lt3A_62 : vector<256x1xi32>
      %add3A_64 = arith.constant 512 : i32
      %add3A_65 = vector.broadcast %add3A_64 : i32 to vector<256x1xi32>
      %add3A_66 = arith.addi %select_n3A, %add3A_65 : vector<256x1xi32>
      %select_n3A_67 = arith.select %lt3A_63, %add3A_66, %select_n3A : vector<256x1xi1>, vector<256x1xi32>
      %ge3A = arith.constant 0 : i32
      %ge3A_68 = vector.broadcast %ge3A : i32 to vector<256x1xi32>
      %ge3A_69 = arith.cmpi sge, %select_n3A_67, %ge3A_68 : vector<256x1xi32>
      %and3A = arith.andi %lt3A_54, %ge3A_69 : vector<256x1xi1>
      %lt3A_70 = arith.constant 512 : i32
      %lt3A_71 = vector.broadcast %lt3A_70 : i32 to vector<256x1xi32>
      %lt3A_72 = arith.cmpi slt, %select_n3A_67, %lt3A_71 : vector<256x1xi32>
      %and3A_73 = arith.andi %and3A, %lt3A_72 : vector<256x1xi1>
      %eq3A = arith.constant 3 : i32
      %eq3A_74 = vector.broadcast %eq3A : i32 to vector<256x16xi32>
      %eq3A_75 = arith.cmpi eq, %iota3A, %eq3A_74 : vector<256x16xi32>
      %convert_element_type3A_76 = arith.extui %and3A_73 : vector<256x1xi1> to vector<256x1xi32>
      %convert_element_type3A_77 = arith.sitofp %convert_element_type3A_76 : vector<256x1xi32> to vector<256x1xf32>
      %broadcast_in_dim3A_78 = vector.shape_cast %convert_element_type3A_77 : vector<256x1xf32> to vector<256x1xf32>
      %broadcast_in_dim3A_79 = vector.broadcast %broadcast_in_dim3A_78 : vector<256x1xf32> to vector<256x16xf32>
      %select_n3A_80 = arith.select %eq3A_75, %broadcast_in_dim3A_79, %add3A_47 : vector<256x16xi1>, vector<256x16xf32>
      %mul3A_81 = arith.constant 256 : i32
      %mul3A_82 = arith.muli %scan3A_11, %mul3A_81 : i32
      %swap3A_83 = arith.constant 0 : index
      %swap3A_84 = arith.index_cast %mul3A_82 : i32 to index
      %swap3A_85 = arith.constant 0 : index
      %swap3A_86 = vector.load %arg8[%swap3A_83, %swap3A_84, %swap3A_85] : memref<8x2048x16xf32, #tpu.memory_space<vmem>>, vector<1x256x16xf32>
      %swap3A_87 = vector.shape_cast %swap3A_86 : vector<1x256x16xf32> to vector<256x16xf32>
      %swap3A_88 = vector.shape_cast %select_n3A_80 : vector<256x16xf32> to vector<1x256x16xf32>
      tpu.vector_store %arg8[%swap3A_83, %swap3A_84, %swap3A_85], %swap3A_88 {strides = array<i32>} : memref<8x2048x16xf32, #tpu.memory_space<vmem>>, vector<1x256x16xf32>,
      %get3A_89 = arith.constant 0 : index
      %get3A_90 = arith.constant 1 : index
      %get3A_91 = arith.constant 0 : index
      %get3A_92 = vector.load %arg10[%get3A_89, %get3A_90, %get3A_91] : memref<256x8x128xf32, #tpu.memory_space<vmem>>, vector<256x1x128xf32>
      %reshape3A_93 = vector.shape_cast %get3A_92 : vector<256x1x128xf32> to vector<256x128xf32>
      %get3A_94 = arith.constant 0 : index
      %get3A_95 = arith.constant 0 : index
      %get3A_96 = vector.load %arg6[%get3A_94, %get3A_95] : memref<128x16xf32, #tpu.memory_space<vmem>>, vector<128x16xf32>
      %dot_general3A_97 = arith.constant dense<0.000000e+00> : vector<256x16xf32>
      %dot_general3A_98 = tpu.matmul %reshape3A_93, %get3A_96, %dot_general3A_97 {dimension_numbers = #tpu.dot_dimension_numbers<[1], [0], [0], [1], [0, 0, 1, 1], [], []>, transpose_lhs_hint = false} : vector<256x128xf32>, vector<128x16xf32>, vector<256x16xf32> -> vector<256x16xf32>
      %get3A_99 = arith.constant 0 : index
      %get3A_100 = arith.constant 0 : index
      %get3A_101 = vector.load %arg7[%get3A_99, %get3A_100] : memref<1x16xf32, #tpu.memory_space<vmem>>, vector<1x16xf32>
      %add3A_102 = vector.broadcast %get3A_101 : vector<1x16xf32> to vector<256x16xf32>
      %add3A_103 = arith.addf %dot_general3A_98, %add3A_102 : vector<256x16xf32>
      %mul3A_104 = arith.constant 256 : i32
      %mul3A_105 = arith.muli %scan3A_11, %mul3A_104 : i32
      %get3A_106 = arith.index_cast %mul3A_105 : i32 to index
      %get3A_107 = arith.constant 1 : index
      %get3A_108 = vector.load %arg1[%get3A_106, %get3A_107] : memref<2048x8xf32, #tpu.memory_space<vmem>>, vector<256x1xf32>
      %convert_element_type3A_109 = arith.fptosi %get3A_108 : vector<256x1xf32> to vector<256x1xi32>
      %lt3A_110 = arith.constant 512 : i32
      %lt3A_111 = vector.broadcast %lt3A_110 : i32 to vector<256x1xi32>
      %lt3A_112 = arith.cmpi slt, %convert_element_type3A_109, %lt3A_111 : vector<256x1xi32>
      %lt3A_113 = arith.constant 0 : i32
      %lt3A_114 = vector.broadcast %lt3A_113 : i32 to vector<256x1xi32>
      %lt3A_115 = arith.cmpi slt, %convert_element_type3A_109, %lt3A_114 : vector<256x1xi32>
      %add3A_116 = arith.constant 512 : i32
      %add3A_117 = vector.broadcast %add3A_116 : i32 to vector<256x1xi32>
      %add3A_118 = arith.addi %convert_element_type3A_109, %add3A_117 : vector<256x1xi32>
      %select_n3A_119 = arith.select %lt3A_115, %add3A_118, %convert_element_type3A_109 : vector<256x1xi1>, vector<256x1xi32>
      %lt3A_120 = arith.constant 0 : i32
      %lt3A_121 = vector.broadcast %lt3A_120 : i32 to vector<256x1xi32>
      %lt3A_122 = arith.cmpi slt, %select_n3A_119, %lt3A_121 : vector<256x1xi32>
      %add3A_123 = arith.constant 512 : i32
      %add3A_124 = vector.broadcast %add3A_123 : i32 to vector<256x1xi32>
      %add3A_125 = arith.addi %select_n3A_119, %add3A_124 : vector<256x1xi32>
      %select_n3A_126 = arith.select %lt3A_122, %add3A_125, %select_n3A_119 : vector<256x1xi1>, vector<256x1xi32>
      %ge3A_127 = arith.constant 0 : i32
      %ge3A_128 = vector.broadcast %ge3A_127 : i32 to vector<256x1xi32>
      %ge3A_129 = arith.cmpi sge, %select_n3A_126, %ge3A_128 : vector<256x1xi32>
      %and3A_130 = arith.andi %lt3A_112, %ge3A_129 : vector<256x1xi1>
      %lt3A_131 = arith.constant 512 : i32
      %lt3A_132 = vector.broadcast %lt3A_131 : i32 to vector<256x1xi32>
      %lt3A_133 = arith.cmpi slt, %select_n3A_126, %lt3A_132 : vector<256x1xi32>
      %and3A_134 = arith.andi %and3A_130, %lt3A_133 : vector<256x1xi1>
      %eq3A_135 = arith.constant 3 : i32
      %eq3A_136 = vector.broadcast %eq3A_135 : i32 to vector<256x16xi32>
      %eq3A_137 = arith.cmpi eq, %iota3A, %eq3A_136 : vector<256x16xi32>
      %convert_element_type3A_138 = arith.extui %and3A_134 : vector<256x1xi1> to vector<256x1xi32>
      %convert_element_type3A_139 = arith.sitofp %convert_element_type3A_138 : vector<256x1xi32> to vector<256x1xf32>
      %broadcast_in_dim3A_140 = vector.shape_cast %convert_element_type3A_139 : vector<256x1xf32> to vector<256x1xf32>
      %broadcast_in_dim3A_141 = vector.broadcast %broadcast_in_dim3A_140 : vector<256x1xf32> to vector<256x16xf32>
      %select_n3A_142 = arith.select %eq3A_137, %broadcast_in_dim3A_141, %add3A_103 : vector<256x16xi1>, vector<256x16xf32>
      %mul3A_143 = arith.constant 256 : i32
      %mul3A_144 = arith.muli %scan3A_11, %mul3A_143 : i32
      %swap3A_145 = arith.constant 1 : index
      %swap3A_146 = arith.index_cast %mul3A_144 : i32 to index
      %swap3A_147 = arith.constant 0 : index
      %swap3A_148 = vector.load %arg8[%swap3A_145, %swap3A_146, %swap3A_147] : memref<8x2048x16xf32, #tpu.memory_space<vmem>>, vector<1x256x16xf32>
      %swap3A_149 = vector.shape_cast %swap3A_148 : vector<1x256x16xf32> to vector<256x16xf32>
      %swap3A_150 = vector.shape_cast %select_n3A_142 : vector<256x16xf32> to vector<1x256x16xf32>
      tpu.vector_store %arg8[%swap3A_145, %swap3A_146, %swap3A_147], %swap3A_150 {strides = array<i32>} : memref<8x2048x16xf32, #tpu.memory_space<vmem>>, vector<1x256x16xf32>,
      %get3A_151 = arith.constant 0 : index
      %get3A_152 = arith.constant 2 : index
      %get3A_153 = arith.constant 0 : index
      %get3A_154 = vector.load %arg10[%get3A_151, %get3A_152, %get3A_153] : memref<256x8x128xf32, #tpu.memory_space<vmem>>, vector<256x1x128xf32>
      %reshape3A_155 = vector.shape_cast %get3A_154 : vector<256x1x128xf32> to vector<256x128xf32>
      %get3A_156 = arith.constant 0 : index
      %get3A_157 = arith.constant 0 : index
      %get3A_158 = vector.load %arg6[%get3A_156, %get3A_157] : memref<128x16xf32, #tpu.memory_space<vmem>>, vector<128x16xf32>
      %dot_general3A_159 = arith.constant dense<0.000000e+00> : vector<256x16xf32>
      %dot_general3A_160 = tpu.matmul %reshape3A_155, %get3A_158, %dot_general3A_159 {dimension_numbers = #tpu.dot_dimension_numbers<[1], [0], [0], [1], [0, 0, 1, 1], [], []>, transpose_lhs_hint = false} : vector<256x128xf32>, vector<128x16xf32>, vector<256x16xf32> -> vector<256x16xf32>
      %get3A_161 = arith.constant 0 : index
      %get3A_162 = arith.constant 0 : index
      %get3A_163 = vector.load %arg7[%get3A_161, %get3A_162] : memref<1x16xf32, #tpu.memory_space<vmem>>, vector<1x16xf32>
      %add3A_164 = vector.broadcast %get3A_163 : vector<1x16xf32> to vector<256x16xf32>
      %add3A_165 = arith.addf %dot_general3A_160, %add3A_164 : vector<256x16xf32>
      %mul3A_166 = arith.constant 256 : i32
      %mul3A_167 = arith.muli %scan3A_11, %mul3A_166 : i32
      %get3A_168 = arith.index_cast %mul3A_167 : i32 to index
      %get3A_169 = arith.constant 2 : index
      %get3A_170 = vector.load %arg1[%get3A_168, %get3A_169] : memref<2048x8xf32, #tpu.memory_space<vmem>>, vector<256x1xf32>
      %convert_element_type3A_171 = arith.fptosi %get3A_170 : vector<256x1xf32> to vector<256x1xi32>
      %lt3A_172 = arith.constant 512 : i32
      %lt3A_173 = vector.broadcast %lt3A_172 : i32 to vector<256x1xi32>
      %lt3A_174 = arith.cmpi slt, %convert_element_type3A_171, %lt3A_173 : vector<256x1xi32>
      %lt3A_175 = arith.constant 0 : i32
      %lt3A_176 = vector.broadcast %lt3A_175 : i32 to vector<256x1xi32>
      %lt3A_177 = arith.cmpi slt, %convert_element_type3A_171, %lt3A_176 : vector<256x1xi32>
      %add3A_178 = arith.constant 512 : i32
      %add3A_179 = vector.broadcast %add3A_178 : i32 to vector<256x1xi32>
      %add3A_180 = arith.addi %convert_element_type3A_171, %add3A_179 : vector<256x1xi32>
      %select_n3A_181 = arith.select %lt3A_177, %add3A_180, %convert_element_type3A_171 : vector<256x1xi1>, vector<256x1xi32>
      %lt3A_182 = arith.constant 0 : i32
      %lt3A_183 = vector.broadcast %lt3A_182 : i32 to vector<256x1xi32>
      %lt3A_184 = arith.cmpi slt, %select_n3A_181, %lt3A_183 : vector<256x1xi32>
      %add3A_185 = arith.constant 512 : i32
      %add3A_186 = vector.broadcast %add3A_185 : i32 to vector<256x1xi32>
      %add3A_187 = arith.addi %select_n3A_181, %add3A_186 : vector<256x1xi32>
      %select_n3A_188 = arith.select %lt3A_184, %add3A_187, %select_n3A_181 : vector<256x1xi1>, vector<256x1xi32>
      %ge3A_189 = arith.constant 0 : i32
      %ge3A_190 = vector.broadcast %ge3A_189 : i32 to vector<256x1xi32>
      %ge3A_191 = arith.cmpi sge, %select_n3A_188, %ge3A_190 : vector<256x1xi32>
      %and3A_192 = arith.andi %lt3A_174, %ge3A_191 : vector<256x1xi1>
      %lt3A_193 = arith.constant 512 : i32
      %lt3A_194 = vector.broadcast %lt3A_193 : i32 to vector<256x1xi32>
      %lt3A_195 = arith.cmpi slt, %select_n3A_188, %lt3A_194 : vector<256x1xi32>
      %and3A_196 = arith.andi %and3A_192, %lt3A_195 : vector<256x1xi1>
      %eq3A_197 = arith.constant 3 : i32
      %eq3A_198 = vector.broadcast %eq3A_197 : i32 to vector<256x16xi32>
      %eq3A_199 = arith.cmpi eq, %iota3A, %eq3A_198 : vector<256x16xi32>
      %convert_element_type3A_200 = arith.extui %and3A_196 : vector<256x1xi1> to vector<256x1xi32>
      %convert_element_type3A_201 = arith.sitofp %convert_element_type3A_200 : vector<256x1xi32> to vector<256x1xf32>
      %broadcast_in_dim3A_202 = vector.shape_cast %convert_element_type3A_201 : vector<256x1xf32> to vector<256x1xf32>
      %broadcast_in_dim3A_203 = vector.broadcast %broadcast_in_dim3A_202 : vector<256x1xf32> to vector<256x16xf32>
      %select_n3A_204 = arith.select %eq3A_199, %broadcast_in_dim3A_203, %add3A_165 : vector<256x16xi1>, vector<256x16xf32>
      %mul3A_205 = arith.constant 256 : i32
      %mul3A_206 = arith.muli %scan3A_11, %mul3A_205 : i32
      %swap3A_207 = arith.constant 2 : index
      %swap3A_208 = arith.index_cast %mul3A_206 : i32 to index
      %swap3A_209 = arith.constant 0 : index
      %swap3A_210 = vector.load %arg8[%swap3A_207, %swap3A_208, %swap3A_209] : memref<8x2048x16xf32, #tpu.memory_space<vmem>>, vector<1x256x16xf32>
      %swap3A_211 = vector.shape_cast %swap3A_210 : vector<1x256x16xf32> to vector<256x16xf32>
      %swap3A_212 = vector.shape_cast %select_n3A_204 : vector<256x16xf32> to vector<1x256x16xf32>
      tpu.vector_store %arg8[%swap3A_207, %swap3A_208, %swap3A_209], %swap3A_212 {strides = array<i32>} : memref<8x2048x16xf32, #tpu.memory_space<vmem>>, vector<1x256x16xf32>,
      %get3A_213 = arith.constant 0 : index
      %get3A_214 = arith.constant 3 : index
      %get3A_215 = arith.constant 0 : index
      %get3A_216 = vector.load %arg10[%get3A_213, %get3A_214, %get3A_215] : memref<256x8x128xf32, #tpu.memory_space<vmem>>, vector<256x1x128xf32>
      %reshape3A_217 = vector.shape_cast %get3A_216 : vector<256x1x128xf32> to vector<256x128xf32>
      %get3A_218 = arith.constant 0 : index
      %get3A_219 = arith.constant 0 : index
      %get3A_220 = vector.load %arg6[%get3A_218, %get3A_219] : memref<128x16xf32, #tpu.memory_space<vmem>>, vector<128x16xf32>
      %dot_general3A_221 = arith.constant dense<0.000000e+00> : vector<256x16xf32>
      %dot_general3A_222 = tpu.matmul %reshape3A_217, %get3A_220, %dot_general3A_221 {dimension_numbers = #tpu.dot_dimension_numbers<[1], [0], [0], [1], [0, 0, 1, 1], [], []>, transpose_lhs_hint = false} : vector<256x128xf32>, vector<128x16xf32>, vector<256x16xf32> -> vector<256x16xf32>
      %get3A_223 = arith.constant 0 : index
      %get3A_224 = arith.constant 0 : index
      %get3A_225 = vector.load %arg7[%get3A_223, %get3A_224] : memref<1x16xf32, #tpu.memory_space<vmem>>, vector<1x16xf32>
      %add3A_226 = vector.broadcast %get3A_225 : vector<1x16xf32> to vector<256x16xf32>
      %add3A_227 = arith.addf %dot_general3A_222, %add3A_226 : vector<256x16xf32>
      %mul3A_228 = arith.constant 256 : i32
      %mul3A_229 = arith.muli %scan3A_11, %mul3A_228 : i32
      %get3A_230 = arith.index_cast %mul3A_229 : i32 to index
      %get3A_231 = arith.constant 3 : index
      %get3A_232 = vector.load %arg1[%get3A_230, %get3A_231] : memref<2048x8xf32, #tpu.memory_space<vmem>>, vector<256x1xf32>
      %convert_element_type3A_233 = arith.fptosi %get3A_232 : vector<256x1xf32> to vector<256x1xi32>
      %lt3A_234 = arith.constant 512 : i32
      %lt3A_235 = vector.broadcast %lt3A_234 : i32 to vector<256x1xi32>
      %lt3A_236 = arith.cmpi slt, %convert_element_type3A_233, %lt3A_235 : vector<256x1xi32>
      %lt3A_237 = arith.constant 0 : i32
      %lt3A_238 = vector.broadcast %lt3A_237 : i32 to vector<256x1xi32>
      %lt3A_239 = arith.cmpi slt, %convert_element_type3A_233, %lt3A_238 : vector<256x1xi32>
      %add3A_240 = arith.constant 512 : i32
      %add3A_241 = vector.broadcast %add3A_240 : i32 to vector<256x1xi32>
      %add3A_242 = arith.addi %convert_element_type3A_233, %add3A_241 : vector<256x1xi32>
      %select_n3A_243 = arith.select %lt3A_239, %add3A_242, %convert_element_type3A_233 : vector<256x1xi1>, vector<256x1xi32>
      %lt3A_244 = arith.constant 0 : i32
      %lt3A_245 = vector.broadcast %lt3A_244 : i32 to vector<256x1xi32>
      %lt3A_246 = arith.cmpi slt, %select_n3A_243, %lt3A_245 : vector<256x1xi32>
      %add3A_247 = arith.constant 512 : i32
      %add3A_248 = vector.broadcast %add3A_247 : i32 to vector<256x1xi32>
      %add3A_249 = arith.addi %select_n3A_243, %add3A_248 : vector<256x1xi32>
      %select_n3A_250 = arith.select %lt3A_246, %add3A_249, %select_n3A_243 : vector<256x1xi1>, vector<256x1xi32>
      %ge3A_251 = arith.constant 0 : i32
      %ge3A_252 = vector.broadcast %ge3A_251 : i32 to vector<256x1xi32>
      %ge3A_253 = arith.cmpi sge, %select_n3A_250, %ge3A_252 : vector<256x1xi32>
      %and3A_254 = arith.andi %lt3A_236, %ge3A_253 : vector<256x1xi1>
      %lt3A_255 = arith.constant 512 : i32
      %lt3A_256 = vector.broadcast %lt3A_255 : i32 to vector<256x1xi32>
      %lt3A_257 = arith.cmpi slt, %select_n3A_250, %lt3A_256 : vector<256x1xi32>
      %and3A_258 = arith.andi %and3A_254, %lt3A_257 : vector<256x1xi1>
      %eq3A_259 = arith.constant 3 : i32
      %eq3A_260 = vector.broadcast %eq3A_259 : i32 to vector<256x16xi32>
      %eq3A_261 = arith.cmpi eq, %iota3A, %eq3A_260 : vector<256x16xi32>
      %convert_element_type3A_262 = arith.extui %and3A_258 : vector<256x1xi1> to vector<256x1xi32>
      %convert_element_type3A_263 = arith.sitofp %convert_element_type3A_262 : vector<256x1xi32> to vector<256x1xf32>
      %broadcast_in_dim3A_264 = vector.shape_cast %convert_element_type3A_263 : vector<256x1xf32> to vector<256x1xf32>
      %broadcast_in_dim3A_265 = vector.broadcast %broadcast_in_dim3A_264 : vector<256x1xf32> to vector<256x16xf32>
      %select_n3A_266 = arith.select %eq3A_261, %broadcast_in_dim3A_265, %add3A_227 : vector<256x16xi1>, vector<256x16xf32>
      %mul3A_267 = arith.constant 256 : i32
      %mul3A_268 = arith.muli %scan3A_11, %mul3A_267 : i32
      %swap3A_269 = arith.constant 3 : index
      %swap3A_270 = arith.index_cast %mul3A_268 : i32 to index
      %swap3A_271 = arith.constant 0 : index
      %swap3A_272 = vector.load %arg8[%swap3A_269, %swap3A_270, %swap3A_271] : memref<8x2048x16xf32, #tpu.memory_space<vmem>>, vector<1x256x16xf32>
      %swap3A_273 = vector.shape_cast %swap3A_272 : vector<1x256x16xf32> to vector<256x16xf32>
      %swap3A_274 = vector.shape_cast %select_n3A_266 : vector<256x16xf32> to vector<1x256x16xf32>
      tpu.vector_store %arg8[%swap3A_269, %swap3A_270, %swap3A_271], %swap3A_274 {strides = array<i32>} : memref<8x2048x16xf32, #tpu.memory_space<vmem>>, vector<1x256x16xf32>,
      %get3A_275 = arith.constant 0 : index
      %get3A_276 = arith.constant 4 : index
      %get3A_277 = arith.constant 0 : index
      %get3A_278 = vector.load %arg10[%get3A_275, %get3A_276, %get3A_277] : memref<256x8x128xf32, #tpu.memory_space<vmem>>, vector<256x1x128xf32>
      %reshape3A_279 = vector.shape_cast %get3A_278 : vector<256x1x128xf32> to vector<256x128xf32>
      %get3A_280 = arith.constant 0 : index
      %get3A_281 = arith.constant 0 : index
      %get3A_282 = vector.load %arg6[%get3A_280, %get3A_281] : memref<128x16xf32, #tpu.memory_space<vmem>>, vector<128x16xf32>
      %dot_general3A_283 = arith.constant dense<0.000000e+00> : vector<256x16xf32>
      %dot_general3A_284 = tpu.matmul %reshape3A_279, %get3A_282, %dot_general3A_283 {dimension_numbers = #tpu.dot_dimension_numbers<[1], [0], [0], [1], [0, 0, 1, 1], [], []>, transpose_lhs_hint = false} : vector<256x128xf32>, vector<128x16xf32>, vector<256x16xf32> -> vector<256x16xf32>
      %get3A_285 = arith.constant 0 : index
      %get3A_286 = arith.constant 0 : index
      %get3A_287 = vector.load %arg7[%get3A_285, %get3A_286] : memref<1x16xf32, #tpu.memory_space<vmem>>, vector<1x16xf32>
      %add3A_288 = vector.broadcast %get3A_287 : vector<1x16xf32> to vector<256x16xf32>
      %add3A_289 = arith.addf %dot_general3A_284, %add3A_288 : vector<256x16xf32>
      %mul3A_290 = arith.constant 256 : i32
      %mul3A_291 = arith.muli %scan3A_11, %mul3A_290 : i32
      %get3A_292 = arith.index_cast %mul3A_291 : i32 to index
      %get3A_293 = arith.constant 4 : index
      %get3A_294 = vector.load %arg1[%get3A_292, %get3A_293] : memref<2048x8xf32, #tpu.memory_space<vmem>>, vector<256x1xf32>
      %convert_element_type3A_295 = arith.fptosi %get3A_294 : vector<256x1xf32> to vector<256x1xi32>
      %lt3A_296 = arith.constant 512 : i32
      %lt3A_297 = vector.broadcast %lt3A_296 : i32 to vector<256x1xi32>
      %lt3A_298 = arith.cmpi slt, %convert_element_type3A_295, %lt3A_297 : vector<256x1xi32>
      %lt3A_299 = arith.constant 0 : i32
      %lt3A_300 = vector.broadcast %lt3A_299 : i32 to vector<256x1xi32>
      %lt3A_301 = arith.cmpi slt, %convert_element_type3A_295, %lt3A_300 : vector<256x1xi32>
      %add3A_302 = arith.constant 512 : i32
      %add3A_303 = vector.broadcast %add3A_302 : i32 to vector<256x1xi32>
      %add3A_304 = arith.addi %convert_element_type3A_295, %add3A_303 : vector<256x1xi32>
      %select_n3A_305 = arith.select %lt3A_301, %add3A_304, %convert_element_type3A_295 : vector<256x1xi1>, vector<256x1xi32>
      %lt3A_306 = arith.constant 0 : i32
      %lt3A_307 = vector.broadcast %lt3A_306 : i32 to vector<256x1xi32>
      %lt3A_308 = arith.cmpi slt, %select_n3A_305, %lt3A_307 : vector<256x1xi32>
      %add3A_309 = arith.constant 512 : i32
      %add3A_310 = vector.broadcast %add3A_309 : i32 to vector<256x1xi32>
      %add3A_311 = arith.addi %select_n3A_305, %add3A_310 : vector<256x1xi32>
      %select_n3A_312 = arith.select %lt3A_308, %add3A_311, %select_n3A_305 : vector<256x1xi1>, vector<256x1xi32>
      %ge3A_313 = arith.constant 0 : i32
      %ge3A_314 = vector.broadcast %ge3A_313 : i32 to vector<256x1xi32>
      %ge3A_315 = arith.cmpi sge, %select_n3A_312, %ge3A_314 : vector<256x1xi32>
      %and3A_316 = arith.andi %lt3A_298, %ge3A_315 : vector<256x1xi1>
      %lt3A_317 = arith.constant 512 : i32
      %lt3A_318 = vector.broadcast %lt3A_317 : i32 to vector<256x1xi32>
      %lt3A_319 = arith.cmpi slt, %select_n3A_312, %lt3A_318 : vector<256x1xi32>
      %and3A_320 = arith.andi %and3A_316, %lt3A_319 : vector<256x1xi1>
      %eq3A_321 = arith.constant 3 : i32
      %eq3A_322 = vector.broadcast %eq3A_321 : i32 to vector<256x16xi32>
      %eq3A_323 = arith.cmpi eq, %iota3A, %eq3A_322 : vector<256x16xi32>
      %convert_element_type3A_324 = arith.extui %and3A_320 : vector<256x1xi1> to vector<256x1xi32>
      %convert_element_type3A_325 = arith.sitofp %convert_element_type3A_324 : vector<256x1xi32> to vector<256x1xf32>
      %broadcast_in_dim3A_326 = vector.shape_cast %convert_element_type3A_325 : vector<256x1xf32> to vector<256x1xf32>
      %broadcast_in_dim3A_327 = vector.broadcast %broadcast_in_dim3A_326 : vector<256x1xf32> to vector<256x16xf32>
      %select_n3A_328 = arith.select %eq3A_323, %broadcast_in_dim3A_327, %add3A_289 : vector<256x16xi1>, vector<256x16xf32>
      %mul3A_329 = arith.constant 256 : i32
      %mul3A_330 = arith.muli %scan3A_11, %mul3A_329 : i32
      %swap3A_331 = arith.constant 4 : index
      %swap3A_332 = arith.index_cast %mul3A_330 : i32 to index
      %swap3A_333 = arith.constant 0 : index
      %swap3A_334 = vector.load %arg8[%swap3A_331, %swap3A_332, %swap3A_333] : memref<8x2048x16xf32, #tpu.memory_space<vmem>>, vector<1x256x16xf32>
      %swap3A_335 = vector.shape_cast %swap3A_334 : vector<1x256x16xf32> to vector<256x16xf32>
      %swap3A_336 = vector.shape_cast %select_n3A_328 : vector<256x16xf32> to vector<1x256x16xf32>
      tpu.vector_store %arg8[%swap3A_331, %swap3A_332, %swap3A_333], %swap3A_336 {strides = array<i32>} : memref<8x2048x16xf32, #tpu.memory_space<vmem>>, vector<1x256x16xf32>,
      %get3A_337 = arith.constant 0 : index
      %get3A_338 = arith.constant 5 : index
      %get3A_339 = arith.constant 0 : index
      %get3A_340 = vector.load %arg10[%get3A_337, %get3A_338, %get3A_339] : memref<256x8x128xf32, #tpu.memory_space<vmem>>, vector<256x1x128xf32>
      %reshape3A_341 = vector.shape_cast %get3A_340 : vector<256x1x128xf32> to vector<256x128xf32>
      %get3A_342 = arith.constant 0 : index
      %get3A_343 = arith.constant 0 : index
      %get3A_344 = vector.load %arg6[%get3A_342, %get3A_343] : memref<128x16xf32, #tpu.memory_space<vmem>>, vector<128x16xf32>
      %dot_general3A_345 = arith.constant dense<0.000000e+00> : vector<256x16xf32>
      %dot_general3A_346 = tpu.matmul %reshape3A_341, %get3A_344, %dot_general3A_345 {dimension_numbers = #tpu.dot_dimension_numbers<[1], [0], [0], [1], [0, 0, 1, 1], [], []>, transpose_lhs_hint = false} : vector<256x128xf32>, vector<128x16xf32>, vector<256x16xf32> -> vector<256x16xf32>
      %get3A_347 = arith.constant 0 : index
      %get3A_348 = arith.constant 0 : index
      %get3A_349 = vector.load %arg7[%get3A_347, %get3A_348] : memref<1x16xf32, #tpu.memory_space<vmem>>, vector<1x16xf32>
      %add3A_350 = vector.broadcast %get3A_349 : vector<1x16xf32> to vector<256x16xf32>
      %add3A_351 = arith.addf %dot_general3A_346, %add3A_350 : vector<256x16xf32>
      %mul3A_352 = arith.constant 256 : i32
      %mul3A_353 = arith.muli %scan3A_11, %mul3A_352 : i32
      %get3A_354 = arith.index_cast %mul3A_353 : i32 to index
      %get3A_355 = arith.constant 5 : index
      %get3A_356 = vector.load %arg1[%get3A_354, %get3A_355] : memref<2048x8xf32, #tpu.memory_space<vmem>>, vector<256x1xf32>
      %convert_element_type3A_357 = arith.fptosi %get3A_356 : vector<256x1xf32> to vector<256x1xi32>
      %lt3A_358 = arith.constant 512 : i32
      %lt3A_359 = vector.broadcast %lt3A_358 : i32 to vector<256x1xi32>
      %lt3A_360 = arith.cmpi slt, %convert_element_type3A_357, %lt3A_359 : vector<256x1xi32>
      %lt3A_361 = arith.constant 0 : i32
      %lt3A_362 = vector.broadcast %lt3A_361 : i32 to vector<256x1xi32>
      %lt3A_363 = arith.cmpi slt, %convert_element_type3A_357, %lt3A_362 : vector<256x1xi32>
      %add3A_364 = arith.constant 512 : i32
      %add3A_365 = vector.broadcast %add3A_364 : i32 to vector<256x1xi32>
      %add3A_366 = arith.addi %convert_element_type3A_357, %add3A_365 : vector<256x1xi32>
      %select_n3A_367 = arith.select %lt3A_363, %add3A_366, %convert_element_type3A_357 : vector<256x1xi1>, vector<256x1xi32>
      %lt3A_368 = arith.constant 0 : i32
      %lt3A_369 = vector.broadcast %lt3A_368 : i32 to vector<256x1xi32>
      %lt3A_370 = arith.cmpi slt, %select_n3A_367, %lt3A_369 : vector<256x1xi32>
      %add3A_371 = arith.constant 512 : i32
      %add3A_372 = vector.broadcast %add3A_371 : i32 to vector<256x1xi32>
      %add3A_373 = arith.addi %select_n3A_367, %add3A_372 : vector<256x1xi32>
      %select_n3A_374 = arith.select %lt3A_370, %add3A_373, %select_n3A_367 : vector<256x1xi1>, vector<256x1xi32>
      %ge3A_375 = arith.constant 0 : i32
      %ge3A_376 = vector.broadcast %ge3A_375 : i32 to vector<256x1xi32>
      %ge3A_377 = arith.cmpi sge, %select_n3A_374, %ge3A_376 : vector<256x1xi32>
      %and3A_378 = arith.andi %lt3A_360, %ge3A_377 : vector<256x1xi1>
      %lt3A_379 = arith.constant 512 : i32
      %lt3A_380 = vector.broadcast %lt3A_379 : i32 to vector<256x1xi32>
      %lt3A_381 = arith.cmpi slt, %select_n3A_374, %lt3A_380 : vector<256x1xi32>
      %and3A_382 = arith.andi %and3A_378, %lt3A_381 : vector<256x1xi1>
      %eq3A_383 = arith.constant 3 : i32
      %eq3A_384 = vector.broadcast %eq3A_383 : i32 to vector<256x16xi32>
      %eq3A_385 = arith.cmpi eq, %iota3A, %eq3A_384 : vector<256x16xi32>
      %convert_element_type3A_386 = arith.extui %and3A_382 : vector<256x1xi1> to vector<256x1xi32>
      %convert_element_type3A_387 = arith.sitofp %convert_element_type3A_386 : vector<256x1xi32> to vector<256x1xf32>
      %broadcast_in_dim3A_388 = vector.shape_cast %convert_element_type3A_387 : vector<256x1xf32> to vector<256x1xf32>
      %broadcast_in_dim3A_389 = vector.broadcast %broadcast_in_dim3A_388 : vector<256x1xf32> to vector<256x16xf32>
      %select_n3A_390 = arith.select %eq3A_385, %broadcast_in_dim3A_389, %add3A_351 : vector<256x16xi1>, vector<256x16xf32>
      %mul3A_391 = arith.constant 256 : i32
      %mul3A_392 = arith.muli %scan3A_11, %mul3A_391 : i32
      %swap3A_393 = arith.constant 5 : index
      %swap3A_394 = arith.index_cast %mul3A_392 : i32 to index
      %swap3A_395 = arith.constant 0 : index
      %swap3A_396 = vector.load %arg8[%swap3A_393, %swap3A_394, %swap3A_395] : memref<8x2048x16xf32, #tpu.memory_space<vmem>>, vector<1x256x16xf32>
      %swap3A_397 = vector.shape_cast %swap3A_396 : vector<1x256x16xf32> to vector<256x16xf32>
      %swap3A_398 = vector.shape_cast %select_n3A_390 : vector<256x16xf32> to vector<1x256x16xf32>
      tpu.vector_store %arg8[%swap3A_393, %swap3A_394, %swap3A_395], %swap3A_398 {strides = array<i32>} : memref<8x2048x16xf32, #tpu.memory_space<vmem>>, vector<1x256x16xf32>,
      %get3A_399 = arith.constant 0 : index
      %get3A_400 = arith.constant 6 : index
      %get3A_401 = arith.constant 0 : index
      %get3A_402 = vector.load %arg10[%get3A_399, %get3A_400, %get3A_401] : memref<256x8x128xf32, #tpu.memory_space<vmem>>, vector<256x1x128xf32>
      %reshape3A_403 = vector.shape_cast %get3A_402 : vector<256x1x128xf32> to vector<256x128xf32>
      %get3A_404 = arith.constant 0 : index
      %get3A_405 = arith.constant 0 : index
      %get3A_406 = vector.load %arg6[%get3A_404, %get3A_405] : memref<128x16xf32, #tpu.memory_space<vmem>>, vector<128x16xf32>
      %dot_general3A_407 = arith.constant dense<0.000000e+00> : vector<256x16xf32>
      %dot_general3A_408 = tpu.matmul %reshape3A_403, %get3A_406, %dot_general3A_407 {dimension_numbers = #tpu.dot_dimension_numbers<[1], [0], [0], [1], [0, 0, 1, 1], [], []>, transpose_lhs_hint = false} : vector<256x128xf32>, vector<128x16xf32>, vector<256x16xf32> -> vector<256x16xf32>
      %get3A_409 = arith.constant 0 : index
      %get3A_410 = arith.constant 0 : index
      %get3A_411 = vector.load %arg7[%get3A_409, %get3A_410] : memref<1x16xf32, #tpu.memory_space<vmem>>, vector<1x16xf32>
      %add3A_412 = vector.broadcast %get3A_411 : vector<1x16xf32> to vector<256x16xf32>
      %add3A_413 = arith.addf %dot_general3A_408, %add3A_412 : vector<256x16xf32>
      %mul3A_414 = arith.constant 256 : i32
      %mul3A_415 = arith.muli %scan3A_11, %mul3A_414 : i32
      %get3A_416 = arith.index_cast %mul3A_415 : i32 to index
      %get3A_417 = arith.constant 6 : index
      %get3A_418 = vector.load %arg1[%get3A_416, %get3A_417] : memref<2048x8xf32, #tpu.memory_space<vmem>>, vector<256x1xf32>
      %convert_element_type3A_419 = arith.fptosi %get3A_418 : vector<256x1xf32> to vector<256x1xi32>
      %lt3A_420 = arith.constant 512 : i32
      %lt3A_421 = vector.broadcast %lt3A_420 : i32 to vector<256x1xi32>
      %lt3A_422 = arith.cmpi slt, %convert_element_type3A_419, %lt3A_421 : vector<256x1xi32>
      %lt3A_423 = arith.constant 0 : i32
      %lt3A_424 = vector.broadcast %lt3A_423 : i32 to vector<256x1xi32>
      %lt3A_425 = arith.cmpi slt, %convert_element_type3A_419, %lt3A_424 : vector<256x1xi32>
      %add3A_426 = arith.constant 512 : i32
      %add3A_427 = vector.broadcast %add3A_426 : i32 to vector<256x1xi32>
      %add3A_428 = arith.addi %convert_element_type3A_419, %add3A_427 : vector<256x1xi32>
      %select_n3A_429 = arith.select %lt3A_425, %add3A_428, %convert_element_type3A_419 : vector<256x1xi1>, vector<256x1xi32>
      %lt3A_430 = arith.constant 0 : i32
      %lt3A_431 = vector.broadcast %lt3A_430 : i32 to vector<256x1xi32>
      %lt3A_432 = arith.cmpi slt, %select_n3A_429, %lt3A_431 : vector<256x1xi32>
      %add3A_433 = arith.constant 512 : i32
      %add3A_434 = vector.broadcast %add3A_433 : i32 to vector<256x1xi32>
      %add3A_435 = arith.addi %select_n3A_429, %add3A_434 : vector<256x1xi32>
      %select_n3A_436 = arith.select %lt3A_432, %add3A_435, %select_n3A_429 : vector<256x1xi1>, vector<256x1xi32>
      %ge3A_437 = arith.constant 0 : i32
      %ge3A_438 = vector.broadcast %ge3A_437 : i32 to vector<256x1xi32>
      %ge3A_439 = arith.cmpi sge, %select_n3A_436, %ge3A_438 : vector<256x1xi32>
      %and3A_440 = arith.andi %lt3A_422, %ge3A_439 : vector<256x1xi1>
      %lt3A_441 = arith.constant 512 : i32
      %lt3A_442 = vector.broadcast %lt3A_441 : i32 to vector<256x1xi32>
      %lt3A_443 = arith.cmpi slt, %select_n3A_436, %lt3A_442 : vector<256x1xi32>
      %and3A_444 = arith.andi %and3A_440, %lt3A_443 : vector<256x1xi1>
      %eq3A_445 = arith.constant 3 : i32
      %eq3A_446 = vector.broadcast %eq3A_445 : i32 to vector<256x16xi32>
      %eq3A_447 = arith.cmpi eq, %iota3A, %eq3A_446 : vector<256x16xi32>
      %convert_element_type3A_448 = arith.extui %and3A_444 : vector<256x1xi1> to vector<256x1xi32>
      %convert_element_type3A_449 = arith.sitofp %convert_element_type3A_448 : vector<256x1xi32> to vector<256x1xf32>
      %broadcast_in_dim3A_450 = vector.shape_cast %convert_element_type3A_449 : vector<256x1xf32> to vector<256x1xf32>
      %broadcast_in_dim3A_451 = vector.broadcast %broadcast_in_dim3A_450 : vector<256x1xf32> to vector<256x16xf32>
      %select_n3A_452 = arith.select %eq3A_447, %broadcast_in_dim3A_451, %add3A_413 : vector<256x16xi1>, vector<256x16xf32>
      %mul3A_453 = arith.constant 256 : i32
      %mul3A_454 = arith.muli %scan3A_11, %mul3A_453 : i32
      %swap3A_455 = arith.constant 6 : index
      %swap3A_456 = arith.index_cast %mul3A_454 : i32 to index
      %swap3A_457 = arith.constant 0 : index
      %swap3A_458 = vector.load %arg8[%swap3A_455, %swap3A_456, %swap3A_457] : memref<8x2048x16xf32, #tpu.memory_space<vmem>>, vector<1x256x16xf32>
      %swap3A_459 = vector.shape_cast %swap3A_458 : vector<1x256x16xf32> to vector<256x16xf32>
      %swap3A_460 = vector.shape_cast %select_n3A_452 : vector<256x16xf32> to vector<1x256x16xf32>
      tpu.vector_store %arg8[%swap3A_455, %swap3A_456, %swap3A_457], %swap3A_460 {strides = array<i32>} : memref<8x2048x16xf32, #tpu.memory_space<vmem>>, vector<1x256x16xf32>,
      %get3A_461 = arith.constant 0 : index
      %get3A_462 = arith.constant 7 : index
      %get3A_463 = arith.constant 0 : index
      %get3A_464 = vector.load %arg10[%get3A_461, %get3A_462, %get3A_463] : memref<256x8x128xf32, #tpu.memory_space<vmem>>, vector<256x1x128xf32>
      %reshape3A_465 = vector.shape_cast %get3A_464 : vector<256x1x128xf32> to vector<256x128xf32>
      %get3A_466 = arith.constant 0 : index
      %get3A_467 = arith.constant 0 : index
      %get3A_468 = vector.load %arg6[%get3A_466, %get3A_467] : memref<128x16xf32, #tpu.memory_space<vmem>>, vector<128x16xf32>
      %dot_general3A_469 = arith.constant dense<0.000000e+00> : vector<256x16xf32>
      %dot_general3A_470 = tpu.matmul %reshape3A_465, %get3A_468, %dot_general3A_469 {dimension_numbers = #tpu.dot_dimension_numbers<[1], [0], [0], [1], [0, 0, 1, 1], [], []>, transpose_lhs_hint = false} : vector<256x128xf32>, vector<128x16xf32>, vector<256x16xf32> -> vector<256x16xf32>
      %get3A_471 = arith.constant 0 : index
      %get3A_472 = arith.constant 0 : index
      %get3A_473 = vector.load %arg7[%get3A_471, %get3A_472] : memref<1x16xf32, #tpu.memory_space<vmem>>, vector<1x16xf32>
      %add3A_474 = vector.broadcast %get3A_473 : vector<1x16xf32> to vector<256x16xf32>
      %add3A_475 = arith.addf %dot_general3A_470, %add3A_474 : vector<256x16xf32>
      %mul3A_476 = arith.constant 256 : i32
      %mul3A_477 = arith.muli %scan3A_11, %mul3A_476 : i32
      %get3A_478 = arith.index_cast %mul3A_477 : i32 to index
      %get3A_479 = arith.constant 7 : index
      %get3A_480 = vector.load %arg1[%get3A_478, %get3A_479] : memref<2048x8xf32, #tpu.memory_space<vmem>>, vector<256x1xf32>
      %convert_element_type3A_481 = arith.fptosi %get3A_480 : vector<256x1xf32> to vector<256x1xi32>
      %lt3A_482 = arith.constant 512 : i32
      %lt3A_483 = vector.broadcast %lt3A_482 : i32 to vector<256x1xi32>
      %lt3A_484 = arith.cmpi slt, %convert_element_type3A_481, %lt3A_483 : vector<256x1xi32>
      %lt3A_485 = arith.constant 0 : i32
      %lt3A_486 = vector.broadcast %lt3A_485 : i32 to vector<256x1xi32>
      %lt3A_487 = arith.cmpi slt, %convert_element_type3A_481, %lt3A_486 : vector<256x1xi32>
      %add3A_488 = arith.constant 512 : i32
      %add3A_489 = vector.broadcast %add3A_488 : i32 to vector<256x1xi32>
      %add3A_490 = arith.addi %convert_element_type3A_481, %add3A_489 : vector<256x1xi32>
      %select_n3A_491 = arith.select %lt3A_487, %add3A_490, %convert_element_type3A_481 : vector<256x1xi1>, vector<256x1xi32>
      %lt3A_492 = arith.constant 0 : i32
      %lt3A_493 = vector.broadcast %lt3A_492 : i32 to vector<256x1xi32>
      %lt3A_494 = arith.cmpi slt, %select_n3A_491, %lt3A_493 : vector<256x1xi32>
      %add3A_495 = arith.constant 512 : i32
      %add3A_496 = vector.broadcast %add3A_495 : i32 to vector<256x1xi32>
      %add3A_497 = arith.addi %select_n3A_491, %add3A_496 : vector<256x1xi32>
      %select_n3A_498 = arith.select %lt3A_494, %add3A_497, %select_n3A_491 : vector<256x1xi1>, vector<256x1xi32>
      %ge3A_499 = arith.constant 0 : i32
      %ge3A_500 = vector.broadcast %ge3A_499 : i32 to vector<256x1xi32>
      %ge3A_501 = arith.cmpi sge, %select_n3A_498, %ge3A_500 : vector<256x1xi32>
      %and3A_502 = arith.andi %lt3A_484, %ge3A_501 : vector<256x1xi1>
      %lt3A_503 = arith.constant 512 : i32
      %lt3A_504 = vector.broadcast %lt3A_503 : i32 to vector<256x1xi32>
      %lt3A_505 = arith.cmpi slt, %select_n3A_498, %lt3A_504 : vector<256x1xi32>
      %and3A_506 = arith.andi %and3A_502, %lt3A_505 : vector<256x1xi1>
      %eq3A_507 = arith.constant 3 : i32
      %eq3A_508 = vector.broadcast %eq3A_507 : i32 to vector<256x16xi32>
      %eq3A_509 = arith.cmpi eq, %iota3A, %eq3A_508 : vector<256x16xi32>
      %convert_element_type3A_510 = arith.extui %and3A_506 : vector<256x1xi1> to vector<256x1xi32>
      %convert_element_type3A_511 = arith.sitofp %convert_element_type3A_510 : vector<256x1xi32> to vector<256x1xf32>
      %broadcast_in_dim3A_512 = vector.shape_cast %convert_element_type3A_511 : vector<256x1xf32> to vector<256x1xf32>
      %broadcast_in_dim3A_513 = vector.broadcast %broadcast_in_dim3A_512 : vector<256x1xf32> to vector<256x16xf32>
      %select_n3A_514 = arith.select %eq3A_509, %broadcast_in_dim3A_513, %add3A_475 : vector<256x16xi1>, vector<256x16xf32>
      %mul3A_515 = arith.constant 256 : i32
      %mul3A_516 = arith.muli %scan3A_11, %mul3A_515 : i32
      %swap3A_517 = arith.constant 7 : index
      %swap3A_518 = arith.index_cast %mul3A_516 : i32 to index
      %swap3A_519 = arith.constant 0 : index
      %swap3A_520 = vector.load %arg8[%swap3A_517, %swap3A_518, %swap3A_519] : memref<8x2048x16xf32, #tpu.memory_space<vmem>>, vector<1x256x16xf32>
      %swap3A_521 = vector.shape_cast %swap3A_520 : vector<1x256x16xf32> to vector<256x16xf32>
      %swap3A_522 = vector.shape_cast %select_n3A_514 : vector<256x16xf32> to vector<1x256x16xf32>
      tpu.vector_store %arg8[%swap3A_517, %swap3A_518, %swap3A_519], %swap3A_522 {strides = array<i32>} : memref<8x2048x16xf32, #tpu.memory_space<vmem>>, vector<1x256x16xf32>,
      scf.yield %scan3A_32#0, %scan3A_32#1 : vector<8x128xf32>, vector<8x128xf32>
    }
    %scan3A_10 = arith.constant 8 : i32
    return
  }
}

</mosaic_0001>

<sc_bundles>
// kernel: kernel.4.cloned.1.call-start
scs
__scs_entry_jumppad:
0x0: {  	(pc) =	sbr.rel $0x88, $3  }
0x1: {  	(tag) =	ssettag $0x0;
	lr =	simm.s32 $0x1  }
0x2: {  	[smem:$0x3F9A] =	sst lr;
	_ =	strace $0xD0000000  }
0x3: {  	_ = 	snop  }
0x4: {  	_ = 	snop  }
0x5: {  	_ = 	snop  }
0x6: {  	_ = 	snop  }
0x7: {  	_ = 	snop  }
__scs_overlays_trampoline_lowered:
0x8: {  	[smem:$0x3FA9] =	sst s0  }
0x9: {  	[smem:$0x3FAA] =	sst s1  }
0xa: {  	[smem:$0x3FAB] =	sst s2  }
0xb: {  	[smem:$0x3FAC] =	sst s3  }
0xc: {  	[smem:$0x3FAD] =	sst s4  }
0xd: {  	[smem:$0x3FAE] =	sst s5  }
0xe: {  	[smem:$0x3FAF] =	sst s6  }
0xf: {  	[smem:$0x3FB0] =	sst s7  }
0x10: {  	[smem:$0x3FB1] =	sst s8  }
0x11: {  	[smem:$0x3FB2] =	sst s9;
	s0 =	simm.s32 @!p0 $0x0  }
0x12: {  	s1 =	sld [smem:$0x3F98];
	s0 =	simm.s32 @p0 $0x1  }
0x13: {  	[smem:$0x3FB3] =	sst s0;
	s0 =	simm.s32 @!p1 $0x0  }
0x14: {  	s2 =	sld [smem:$0x3F97];
	s0 =	simm.s32 @p1 $0x1  }
0x15: {  	[smem:$0x3FB4] =	sst s0;
	s0 =	simm.s32 @!p2 $0x0  }
0x16: {  	s3 =	sld [smem:$0x3FDB];
	s0 =	simm.s32 @p2 $0x1  }
0x17: {  	s4 =	simm.s32 $0x1BF5;
	[smem:$0x3FB6] =	sst s0  }
0x18: {  	s0 =	sld [smem:$0x3F99];
	_ =	swait.ge [sflag:s4], $0x0  }
0x19: {  	s7 =	sld [smem:$0x3F9A]  }
0x1a: {  	s8 =	sadd.s32 $0xFFFFE003, lr  }
0x1b: {  	s9 =	sadd.s32 $0xFFFFFEF7, lr;
	s5 =	simm.s32 $0xFFFFFFFF;
	p2 =	slt.u32 s8, $0xFFFFF086  }
0x1c: {  	p1 =	slt.u32 s9, $0xF7A;
	s5 =	simm.s32 @!p2 $0x0  }
0x1d: {  	s5 =	simm.s32 @p1 $0x1;
	p0 =	seq.s32 s7, s2  }
0x1e: {  	s7 =	smul.u32 @!p0 $0xF7A, s2;
	p2 =	seq.s32 @!p0 s5, $0x0  }
0x1f: {  	s9 =	smul.u32 $0xF7A, s1;
	s8 =	simm.s32 @!p0 $0x1BF5;
	p2 =	por !p2, p0  }
0x20: {  	[sflag:s8] =	ssyncset.s32 @!p0 $0xFFFFF086;
	s6 =	sadd.s32 @!p0 s3, s7;
	s7 =	simm.s32 @!p0 $0x108  }
0x21: {  	s3 =	sadd.s32 s3, s9;
	s6 =	sadd.s32 @!p0 $0x88, s6;
	s7 =	simm.s32 @p2 $0x1082  }
0x22: {  	[simem:s7], [sflag:s8] =	dma.local @!p0 [hbm:s6], $0xF7A  }
0x23: {  	s9 =	sor.u32 $0xD0000000, s2;
	s6 =	simm.s32 $0x108;
	_ =	swait.ge @!p0 [sflag:s8], $0x0  }
0x24: {  	s3 =	sadd.s32 $0x88, s3;
	s6 =	simm.s32 @!p1 $0x1082;
	[sflag:s4] =	ssyncset.s32 $0xFFFFF086  }
0x25: {  	[simem:s6], [sflag:s4] =	dma.local [hbm:s3], $0xF7A  }
0x26: {  	[smem:$0x3F9A] =	sst s1;
	(tag) =	ssettag s2;
	_ =	strace s9  }
0x27: {  	s1 =	sld [smem:$0x3FAA]  }
0x28: {  	s2 =	sld [smem:$0x3FAB]  }
0x29: {  	s4 =	sld [smem:$0x3FAD]  }
0x2a: {  	p0 =	seq.s32 s5, $0x0;
	s5 =	sld [smem:$0x3FAE]  }
0x2b: {  	s6 =	sld [smem:$0x3FAF]  }
0x2c: {  	s7 =	sld [smem:$0x3FB0]  }
0x2d: {  	s3 =	simm.s32 $0x108;
	s8 =	sld [smem:$0x3FB1]  }
0x2e: {  	s3 =	simm.s32 @!p0 $0x1082;
	s9 =	sld [smem:$0x3FB2]  }
0x2f: {  	lr =	sadd.s32 s0, s3;
	s0 =	sld [smem:$0x3FA9]  }
0x30: {  	s3 =	sld [smem:$0x3FAC]  }
0x31: {  	[smem:$0x3FB5] =	sst s10  }
0x32: {  	s10 =	sld [smem:$0x3FB3];
	_ =	sdelay $0x3  }
0x33: {  	p0 =	seq.s32 s10, $0x1;
	s10 =	sld [smem:$0x3FB5];
	_ =	sdelay $0x3  }
0x34: {  	[smem:$0x3FB5] =	sst s10  }
0x35: {  	s10 =	sld [smem:$0x3FB4];
	_ =	sdelay $0x3  }
0x36: {  	p1 =	seq.s32 s10, $0x1;
	s10 =	sld [smem:$0x3FB5];
	_ =	sdelay $0x3  }
0x37: {  	[smem:$0x3FB5] =	sst s10  }
0x38: {  	s10 =	sld [smem:$0x3FB6]  }
0x39: {  	_ = 	snop;
	(pc) =	sbr.ind lr, $3  }
0x3a: {  	_ = 	snop  }
0x3b: {  	_ = 	snop  }
0x3c: {  	p2 =	seq.s32 s10, $0x1;
	s10 =	sld [smem:$0x3FB5]  }
0x3d: {  	_ =	shalt  }
0x3e: {  	_ =	shalt  }
0x3f: {  	_ =	shalt  }
0x40: {  	_ =	shalt  }
0x41: {  	_ =	shalt  }
0x42: {  	_ =	shalt  }
0x43: {  	_ =	shalt  }
0x44: {  	_ =	shalt  }
0x45: {  	_ =	shalt  }
0x46: {  	_ =	shalt  }
0x47: {  	_ =	shalt  }
0x48: {  	_ =	shalt  }
0x49: {  	_ =	shalt  }
0x4a: {  	_ =	shalt  }
0x4b: {  	_ =	shalt  }
0x4c: {  	_ =	shalt  }
0x4d: {  	_ =	shalt  }
0x4e: {  	_ =	shalt  }
0x4f: {  	_ =	shalt  }
0x50: {  	_ =	shalt  }
0x51: {  	_ =	shalt  }
0x52: {  	_ =	shalt  }
0x53: {  	_ =	shalt  }
0x54: {  	_ =	shalt  }
0x55: {  	_ =	shalt  }
0x56: {  	_ =	shalt  }
0x57: {  	_ =	shalt  }
0x58: {  	_ =	shalt  }
0x59: {  	_ =	shalt  }
0x5a: {  	_ =	shalt  }
0x5b: {  	_ =	shalt  }
0x5c: {  	_ =	shalt  }
0x5d: {  	_ =	shalt  }
0x5e: {  	_ =	shalt  }
0x5f: {  	_ =	shalt  }
0x60: {  	_ =	shalt  }
0x61: {  	_ =	shalt  }
0x62: {  	_ =	shalt  }
0x63: {  	_ =	shalt  }
0x64: {  	_ =	shalt  }
0x65: {  	_ =	shalt  }
0x66: {  	_ =	shalt  }
0x67: {  	_ =	shalt  }
0x68: {  	_ =	shalt  }
0x69: {  	_ =	shalt  }
0x6a: {  	_ =	shalt  }
0x6b: {  	_ =	shalt  }
0x6c: {  	_ =	shalt  }
0x6d: {  	_ =	shalt  }
0x6e: {  	_ =	shalt  }
0x6f: {  	_ =	shalt  }
0x70: {  	_ =	shalt  }
0x71: {  	_ =	shalt  }
0x72: {  	_ =	shalt  }
0x73: {  	_ =	shalt  }
0x74: {  	_ =	shalt  }
0x75: {  	_ =	shalt  }
0x76: {  	_ =	shalt  }
0x77: {  	_ =	shalt  }
0x78: {  	_ =	shalt  }
0x79: {  	_ =	shalt  }
0x7a: {  	_ =	shalt  }
0x7b: {  	_ =	shalt  }
0x7c: {  	_ =	shalt  }
0x7d: {  	_ =	shalt  }
0x7e: {  	_ =	shalt  }
0x7f: {  	_ =	shalt  }
0x80: {  	_ =	shalt  }
0x81: {  	_ =	shalt  }
0x82: {  	_ =	shalt  }
0x83: {  	_ =	shalt  }
0x84: {  	_ =	shalt  }
0x85: {  	_ =	shalt  }
0x86: {  	_ =	shalt  }
0x87: {  	_ =	shalt  }
.Lfunc_end0:
.L_simem_size_0:
called_computation_lowered:
.L_overlay_start_0:
0x88: {  	s2 =	sld [smem:$0x3FD9]  }
0x89: {  	s3 =	sld [smem:$0x3FFE];
	_ =	sdelay $0x1  }
0x8a: {  	s1 =	srdreg.scid  }
0x8b: {  	s0 =	sand.u32 $0x1, s1  }
0x8c: {  	s16 =	sshll.u32 s0, $0xA;
	s2 =	sadd.s32 s3, s2  }
0x8d: {  	s2 =	sadd.s32 s2, s16  }
0x8e: {  	[smem:$0x3FC1] =	sst s2  }
0x8f: {  	_ = 	snop  }
0x90: {  	(tm) =	ssettm $0x1  }
0x91: {  	s17 =	sld [smem:$0x3FFB];
	_ =	sdelay $0x3  }
0x92: {  	_ =	strace s17  }
0x93: {  	s2 =	sld [smem:$0x3FFC];
	_ =	sdelay $0x3  }
0x94: {  	_ =	strace s2  }
0x95: {  	s2 =	sld [smem:$0x3FFD];
	_ =	sdelay $0x3  }
0x96: {  	_ =	strace s2  }
0x97: {  	_ =	strace $0x8FFFFFFF  }
0x98: {  	s18 =	sld [smem:$0x3FDB];
	_ =	sdelay $0x1  }
0x99: {  	s19 =	simm.s32 $_scs_section_size  }
0x9a: {  	s4 =	simm.s32 $_size__tile_overlayer_lowered;
	s5 =	simm.s32 $_tile_overlayer_lowered  }
0x9b: {  	s22 =	simm.s32 $0x1BFF;
	s21 =	sshll.u32 s5, $0x1;
	s2 =	sadd.s32 s19, s18  }
0x9c: {  	s6 =	simm.s32 $0x0;
	s20 =	sshll.u32 s4, $0x1;
	s4 =	sadd.s32 s21, s2  }
0x9d: {  	[timem:s6], [sflag:s22] =	dma.local [hbm:s4], s20  }
0x9e: {  	_ =	swait.ge [sflag:s22], s20  }
0x9f: {  	s3 =	ssub.s32 $0x0, s20;
	[sflag:s22] =	ssyncset.done $0x0  }
0xa0: {  	[sflag:s22] =	ssyncadd.s32 s3;
	_ =	sdelay $0x1  }
0xa1: {  	s23 =	simm.s32 $0x1B8B  }
0xa2: {  	_ =	swait.ge [sflag:s23], $0x1  }
0xa3: {  	[sflag:s23] =	ssyncset.done $0x0  }
0xa4: {  	s25 =	simm.s32 $0x1B8E;
	s24 =	sld [smem:$0x3FFE];
	[sflag:s23] =	ssyncadd.s32 $0xFFFFFFFF  }
0xa5: {  	s26 =	simm.s32 $execute0_lowered;
	[smem:$0x3FD2] =	sst s25  }
0xa6: {  	s4 =	sshll.u32 s26, $0x1;
	_ =	strace $0x80000046;
	[dreg:$0x1] =	wrdreg $0xFFFFFFFF  }
0xa7: {  	s28 =	simm.s32 $_size_execute0_lowered;
	s2 =	sadd.s32 s2, s4;
	[dreg:$0x0] =	wrdreg $0x0  }
0xa8: {  	s4 =	sshll.u32 s28, $0x1;
	[dreg:$0x2] =	wrdreg s2  }
0xa9: {  	[dreg:$0x3] =	wrdreg s4  }
0xaa: {  	[dreg:$0x4] =	wrdreg $0xC0  }
0xab: {  	_ =	task [dreg:s6], $0x5FFFF  }
0xac: {  	[dreg:$0x1] =	wrdreg $0xFFFFFFFF  }
0xad: {  	[dreg:$0x0] =	wrdreg $0x60  }
0xae: {  	[dreg:$0x2] =	wrdreg s24  }
0xaf: {  	[dreg:$0x3] =	wrdreg $0x118000  }
0xb0: {  	[dreg:$0x4] =	wrdreg $0x9  }
0xb1: {  	_ =	task.clear_ibuf [dreg:s6], $0x5FFFF;
	_ =	strace $0x90000046  }
0xb2: {  	s29 =	simm.s32 $0x9;
	_ =	strace $0x80000048  }
0xb3: {  	_ =	swait.ge [sflag:s29], $0x1  }
0xb4: {  	[sflag:s29] =	ssyncadd.s32 $0xFFFFFFFF  }
0xb5: {  	_ =	strace $0x90000048  }
0xb6: {  	_ =	sfence  }
0xb7: {  	s30 =	sld [smem:$0x0];
	_ =	sdelay $0x2  }
0xb8: {  	s31 =	sshll.u32 s1, $0xD;
	s1 =	sshrl.u32 s1, $0x2  }
0xb9: {  	s3 =	sand.u32 $0x4000, s31;
	s1 =	sadd.s32 s1, s30  }
0xba: {  	s0 =	sor.u32 s3, s0;
	s1 =	sshll.u32 s1, $0x11  }
0xbb: {  	s0 =	sor.u32 s1, s0  }
0xbc: {  	s0 =	sadd.s32 $0x8F2B, s0  }
0xbd: {  	[sflag:s0] =	ssyncadd.remote.s32 $0x1  }
0xbe: {  	_ =	sfence.sel $0xFFFF  }
0xbf: {  	[dreg:$0x0] =	wrdreg $0xFFFFFFFF;
	(pc) =	sbr.abs _section_cstart, $3  }
0xc0: {  	[dreg:$0x1] =	wrdreg $0xFFFFFFFF  }
0xc1: {  	_ =	task.clear_ibuf [dreg:s6], $0x2FFFF;
	_ =	strace $0x9FFFFFFF  }
0xc2: {  	(tm) =	ssettm $0x7FFFFFFF  }
0xc3: {  	_ =	shalt  }
tec
execute0_lowered:
.L_overlay_start_1:
0x0: {  	(tag) =	ssettag $0x1  }
0x1: {  	s1 =	rddreg [dreg:$0x0]  }
0x2: {  	s4 =	rddreg [dreg:$0x1];
	s2 =	simm.s32 $0x0;
	s13 =	stileid.u32  }
0x3: {  	s5 =	srdreg.scid;
	s28 =	simm.s32 $0x10900;
	s29 =	simm.s32 $0x10B80  }
0x4: {  	s30 =	simm.s32 $0x200;
	s31 =	simm.s32 $0x2;
	[smem:$0x7FF] =	sst s2  }
0x5: {  	s0 =	sand.u32 $0x3, s13;
	s5 =	sand.u32 $0x1, s5;
	s9 =	sshll.u32 s13, $0x6  }
0x6: {  	s11 =	sshrl.u32 s13, $0x2;
	s24 =	sadd.s32 $0x1, s13;
	s25 =	smul.u32 $0x2800, s13  }
0x7: {  	s26 =	sand.u32 $0xC, s13;
	s13 =	sadd.s32 $0xFFFFFFFF, s13;
	_ =	strace $0x80000047  }
0x8: {  	s3 =	sshll.u32 s0, $0xD;
	s8 =	sshll.u32 s5, $0xA;
	s10 =	ssub.s32 $0x2, s5  }
0x9: {  	s5 =	sshll.u32 s5, $0x2;
	s16 =	sxor.u32 $0x2, s0;
	s19 =	sand.u32 $0x3, s13  }
0xa: {  	s6 =	sadd.s32 s3, s1;
	s3 =	sshll.u32 s0, $0x9;
	s8 =	sor.u32 s9, s8  }
0xb: {  	s22 =	sshrl.u32 s10, $0x1;
	s5 =	sor.u32 s11, s5;
	s12 =	sshrl.u32 s25, $0x2  }
0xc: {  	s7 =	sadd.s32 s3, s1;
	s9 =	ssub.s32 s10, s22;
	s10 =	sshll.u32 s16, $0x9  }
0xd: {  	s1 =	sadd.s32 s8, s1;
	s23 =	sshll.u32 s5, $0xF;
	s21 =	sadd.s32 $0x10E00, s10  }
0xe: {  	s5 =	sshll.u32 s5, $0x4;
	s22 =	sadd.s32 $0x10E80, s10;
	[dreg:$0x9] =	wrdreg s21  }
0xf: {  	s6 =	sadd.s32 s23, s6;
	s23 =	sadd.s32 $0x10F00, s10;
	[dreg:$0xa] =	wrdreg s22  }
0x10: {  	s8 =	sand.u32 $0x3, s24;
	s10 =	sadd.s32 $0x10F80, s10;
	[dreg:$0xb] =	wrdreg s23  }
0x11: {  	s5 =	sadd.s32 s5, s7;
	s6 =	sadd.s32 $0x1400, s6;
	[dreg:$0xc] =	wrdreg s10  }
0x12: {  	s15 =	sshll.u32 s8, $0x9;
	s5 =	sadd.s32 $0xC00, s5;
	[dreg:$0x3] =	wrdreg s6  }
0x13: {  	s7 =	sor.u32 s26, s8;
	s8 =	sadd.s32 $0x10E00, s15;
	[dreg:$0x4] =	wrdreg s5  }
0x14: {  	s11 =	sor.u32 s26, s19;
	s18 =	sadd.s32 $0x10E80, s15;
	[dreg:$0x5] =	wrdreg s8  }
0x15: {  	s11 =	smul.u32 $0x2800, s11;
	s20 =	sadd.s32 $0x10F00, s15;
	[dreg:$0x6] =	wrdreg s18  }
0x16: {  	s17 =	sor.u32 s26, s16;
	s10 =	sadd.s32 $0x41400, s1;
	[dreg:$0x7] =	wrdreg s20  }
0x17: {  	s24 =	sshrl.u32 s11, $0x2;
	s11 =	sadd.s32 $0x41410, s1;
	[dreg:$0x11] =	wrdreg s10  }
0x18: {  	s14 =	smul.u32 $0x2800, s7;
	s5 =	sadd.s32 $0x10F80, s15;
	[dreg:$0x12] =	wrdreg s11  }
0x19: {  	s6 =	sadd.s32 s12, s4;
	s15 =	smax.u32 s9, $0x1;
	[dreg:$0x8] =	wrdreg s5  }
0x1a: {  	s7 =	sshrl.u32 s14, $0x2;
	s14 =	sadd.s32 $0x41430, s1;
	[dreg:$0x15] =	wrdreg s15  }
0x1b: {  	s22 =	sshll.u32 s0, $0x7;
	s16 =	sadd.s32 $0x80, s6;
	[dreg:$0x14] =	wrdreg s14  }
0x1c: {  	s12 =	smul.u32 $0x2800, s17;
	s17 =	sadd.s32 $0x100, s6;
	[dreg:$0x16] =	wrdreg s16  }
0x1d: {  	s0 =	simm.s32 $0x0;
	s7 =	sadd.s32 s7, s4;
	[dreg:$0x17] =	wrdreg s17  }
0x1e: {  	s8 =	sadd.s32 s3, s7;
	s7 =	sshll.u32 s19, $0x9;
	s19 =	sadd.s32 $0x180, s6  }
0x1f: {  	s15 =	sor.u32 $0x20, s22;
	s25 =	sadd.s32 $0x10E00, s7;
	[dreg:$0x18] =	wrdreg s19  }
0x20: {  	s12 =	sshrl.u32 s12, $0x2;
	s26 =	sadd.s32 $0x10E80, s7;
	[dreg:$0xd] =	wrdreg s25  }
0x21: {  	s14 =	sor.u32 $0x10, s22;
	s5 =	sadd.s32 $0x10F00, s7;
	[dreg:$0xe] =	wrdreg s26  }
0x22: {  	s12 =	sadd.s32 s12, s4;
	s7 =	sadd.s32 $0x10F80, s7;
	[dreg:$0xf] =	wrdreg s5  }
0x23: {  	s13 =	sadd.s32 s3, s12;
	s12 =	sadd.s32 $0x41420, s1;
	[dreg:$0x10] =	wrdreg s7  }
0x24: {  	s16 =	sor.u32 $0x30, s22;
	s20 =	sadd.s32 $0x80, s8;
	[dreg:$0x13] =	wrdreg s12  }
0x25: {  	s17 =	sor.u32 $0x40, s22;
	s21 =	sadd.s32 $0x100, s8;
	[dreg:$0x19] =	wrdreg s20  }
0x26: {  	s4 =	sadd.s32 s24, s4;
	s23 =	sadd.s32 $0x180, s8;
	[dreg:$0x1a] =	wrdreg s21  }
0x27: {  	s18 =	sadd.s32 s3, s4;
	s19 =	sor.u32 $0x50, s22;
	[dreg:$0x1b] =	wrdreg s23  }
0x28: {  	s24 =	sadd.s32 $0x80, s13;
	s25 =	sadd.s32 $0x100, s13;
	s26 =	sadd.s32 $0x180, s13  }
0x29: {  	s10 =	sadd.s32 $0x80, s18;
	s11 =	sadd.s32 $0x100, s18;
	[dreg:$0x1c] =	wrdreg s24  }
0x2a: {  	s12 =	sadd.s32 $0x180, s18;
	s20 =	sor.u32 $0x60, s22;
	[dreg:$0x1d] =	wrdreg s25  }
0x2b: {  	v1 =	vlaneseq.u32;
	s21 =	sor.u32 $0x70, s22;
	s23 =	simm.s32 $0x80;
	[dreg:$0x1e] =	wrdreg s26  }
0x2c: {  	v0 =	vimm.f32 $0.0e+00;
	v1 =	vmul.u32 $0x80, v1;
	s24 =	simm.s32 $0x1;
	s25 =	simm.s32 $0x10400;
	s26 =	simm.s32 $0x10680  }
.LBB2_1:
0x2d: {  	s1 =	rddreg [dreg:$0x3]  }
0x2e: {  	[tilespmem:s2], [sflag:$0x1] =	stream.linear.gather [hbm4b:s1+s2], $0x10000, $0x38;
	[tilespmem:$0x12040] =	vst v63  }
0x2f: {  	s9 =	rddreg [dreg:$0x4];
	s4 =	simm.s32 $0x400;
	s5 =	simm.s32 $0x10000  }
0x30: {  	[tilespmem:s5], [sflag:$0x1] =	stream.strided.gather [hbm4b:s9+s23], $0x200, s4, s23, $0x38;
	[tilespmem:$0x12040] =	vst v63  }
0x31: {  	s1 =	simm.s32 $0x0;
	s4 =	simm.s32 $0x40  }
.LBB2_2:
0x32: {  	p0 =	sne.s32 s4, $0x800;
	[tilespmem:s1+$0x10B80] =	vst v0;
	s5 =	smov.u32 s4;
	s4 =	sadd.s32 $0x40, s4  }
.Ltmp0:
0x33: {  	[tilespmem:s1+$0x10900] =	vst v0;
	(pc) =	sbr.rel @p0 .LBB2_2-.Ltmp0, $3  }
0x34: {  	[tilespmem:s1+$0x10400] =	vst v0  }
0x35: {  	[tilespmem:s1+$0x10680] =	vst v0;
	_ =	sdelay $0x1  }
0x36: {  	s1 =	sshra.s32 s5, $0x2  }
0x37: {  	[tilespmem:s1+$0x10B80] =	vst v0  }
0x38: {  	[tilespmem:s1+$0x10900] =	vst v0  }
0x39: {  	[tilespmem:s1+$0x10400] =	vst v0  }
0x3a: {  	[tilespmem:s1+$0x10680] =	vst v0  }
0x3b: {  	_ =	swait.ge [sflag:s24], $0x10000  }
0x3c: {  	[sflag:s24] =	ssyncset.done $0x0  }
0x3d: {  	[sflag:s24] =	ssyncadd.s32 $0xFFFF0000  }
0x3e: {  	_ =	swait.ge [sflag:s24], $0x200  }
0x3f: {  	[sflag:s24] =	ssyncset.done $0x0  }
0x40: {  	s1 =	simm.s32 $0x0;
	[sflag:s24] =	ssyncadd.s32 $0xFFFFFE00  }
0x41: {  	v2 =	vld [tilespmem:s1+$0x10000];
	_ =	sdelay $0x4  }
0x42: {  	v2 =	vtrunc.f32 v2  }
0x43: {  	v2 =	vcvt.f32.s32 v2;
	_ =	sdelay $0x1  }
0x44: {  	s4 =	simm.s32 $0x10;
	v3 =	vshrl.u32 v2, $0x16  }
0x45: {  	v4 =	vand.u32 $0x200, v3;
	v3 =	vld [tilespmem:s4+$0x10000];
	_ =	sdelay $0x3  }
0x46: {  	s5 =	simm.s32 $0x0;
	s7 =	simm.s32 $0x80;
	v4 =	vadd.s32 v2, v4  }
.LBB2_4:
0x47: {  	s9 =	sshra.s32 s7, $0x2;
	p0 =	sne.s32 s7, $0x7C0;
	s7 =	sadd.s32 $0x40, s7;
	v5 =	vtrunc.f32 v3;
	v6 =	vshrl.u32 v4, $0x16  }
.Ltmp1:
0x48: {  	v3 =	vld [tilespmem:s9+$0x10000];
	v5 =	vcvt.f32.s32 v5;
	v6 =	vand.u32 $0x200, v6;
	(pc) =	sbr.rel @p0 .LBB2_4-.Ltmp1, $4  }
0x49: {  	v4 =	vadd.s32 v4, v6  }
0x4a: {  	vm0 =	vlt.s32 v2, $0x200;
	v6 =	vshrl.u32 v5, $0x16;
	v4 =	vmin.u32 v4, $0x200;
	v2 =	vmovc v5  }
0x4b: {  	v5 =	vand.u32 $0x200, v6;
	v6 =	vnsel vm0, $0x200, v4  }
0x4c: {  	v4 =	vadd.s32 v2, v5;
	[tilespmem:s1+$0x10200] =	vst v6;
	s1 =	smov.u32 s4;
	s4 =	smov.u32 s9  }
0x4d: {  	v3 =	vtrunc.f32 v3  }
0x4e: {  	v3 =	vcvt.f32.s32 v3;
	_ =	sdelay $0x1  }
0x4f: {  	v5 =	vshrl.u32 v3, $0x16  }
0x50: {  	v6 =	vshrl.u32 v4, $0x16;
	v5 =	vand.u32 $0x200, v5  }
0x51: {  	v6 =	vand.u32 $0x200, v6;
	v5 =	vadd.s32 v3, v5  }
0x52: {  	v4 =	vadd.s32 v4, v6;
	v6 =	vshrl.u32 v5, $0x16  }
0x53: {  	vm0 =	vlt.s32 v2, $0x200;
	v2 =	vmin.u32 v4, $0x200;
	v4 =	vand.u32 $0x200, v6  }
0x54: {  	vm15 =	vlt.s32 v3, $0x200;
	v4 =	vadd.s32 v5, v4;
	v5 =	vmov s5  }
0x55: {  	v2 =	vnsel vm0, $0x200, v2;
	v3 =	vmin.u32 v4, $0x200;
	v4 =	vshll.u32 v5, $0x7  }
0x56: {  	[tilespmem:s1+$0x10200] =	vst v2;
	v2 =	vnsel vm15, $0x200, v3;
	v3 =	vor.u32 v1, v4  }
0x57: {  	s1 =	simm.s32 $0x10200;
	[tilespmem:s4+$0x10200] =	vst v2  }
0x58: {  	v2 =	vld [tilespmem:s1+$0x0];
	_ =	sdelay $0x2  }
0x59: {  	v4 =	vld.idx.msk [tilespmem:v3+s2+$0x0], $0xffff  }
0x5a: {  	v5 =	vor.u32 $0x1, v3;
	_ =	sdelay $0x3  }
0x5b: {  	[tilespmem:v2+s25+$0x0] =	vst.idx.add.f32.msk $0xffff, v4  }
0x5c: {  	v4 =	vld.idx.msk [tilespmem:v5+s2+$0x0], $0xffff  }
0x5d: {  	v5 =	vor.u32 $0x2, v3;
	_ =	sdelay $0x3  }
0x5e: {  	[tilespmem:v2+s26+$0x0] =	vst.idx.add.f32.msk $0xffff, v4  }
0x5f: {  	v4 =	vld.idx.msk [tilespmem:v5+s2+$0x0], $0xffff  }
0x60: {  	v3 =	vor.u32 $0x3, v3;
	_ =	sdelay $0x3  }
0x61: {  	[tilespmem:v2+s28+$0x0] =	vst.idx.add.f32.msk $0xffff, v4  }
0x62: {  	s9 =	simm.s32 $0x10;
	v4 =	vld.idx.msk [tilespmem:v3+s2+$0x0], $0xffff  }
0x63: {  	v5 =	vmov s9  }
0x64: {  	v5 =	vshll.u32 v5, $0x7  }
0x65: {  	s4 =	simm.s32 $0x20;
	v3 =	vor.u32 v1, v5  }
.LBB2_6:
0x66: {  	p0 =	sne.s32 s4, $0x1F0  }
0x67: {  	[tilespmem:v2+s29+$0x0] =	vst.idx.add.f32.msk $0xffff, v4;
	s1 =	sadd.s32 $0x10, s1;
	s5 =	smov.u32 s4;
	s4 =	sadd.s32 $0x10, s4  }
0x68: {  	v2 =	vld [tilespmem:s1+$0x0];
	_ =	sdelay $0x1  }
0x69: {  	v4 =	vld.idx.msk [tilespmem:v3+s2+$0x0], $0xffff;
	_ =	sdelay $0x1  }
0x6a: {  	v5 =	vor.u32 $0x1, v3;
	_ =	sdelay $0x3  }
0x6b: {  	[tilespmem:v2+s25+$0x0] =	vst.idx.add.f32.msk $0xffff, v4  }
0x6c: {  	v4 =	vld.idx.msk [tilespmem:v5+s2+$0x0], $0xffff;
	_ =	sdelay $0x1  }
0x6d: {  	v5 =	vor.u32 $0x2, v3;
	_ =	sdelay $0x3  }
0x6e: {  	[tilespmem:v2+s26+$0x0] =	vst.idx.add.f32.msk $0xffff, v4  }
0x6f: {  	v4 =	vld.idx.msk [tilespmem:v5+s2+$0x0], $0xffff;
	_ =	sdelay $0x1  }
0x70: {  	v3 =	vor.u32 $0x3, v3;
	_ =	sdelay $0x3  }
0x71: {  	[tilespmem:v2+s28+$0x0] =	vst.idx.add.f32.msk $0xffff, v4  }
.Ltmp2:
0x72: {  	v4 =	vld.idx.msk [tilespmem:v3+s2+$0x0], $0xffff;
	(pc) =	sbr.rel @p0 .LBB2_6-.Ltmp2, $4  }
0x73: {  	_ = 	snop  }
0x74: {  	v3 =	vmov s5  }
0x75: {  	v3 =	vshll.u32 v3, $0x7  }
0x76: {  	v3 =	vor.u32 v1, v3  }
0x77: {  	_ =	sdelay $0x3  }
0x78: {  	[tilespmem:v2+s29+$0x0] =	vst.idx.add.f32.msk $0xffff, v4;
	s1 =	sadd.s32 $0x10, s1  }
0x79: {  	v2 =	vld [tilespmem:s1+$0x0];
	_ =	sdelay $0x2  }
0x7a: {  	v4 =	vld.idx.msk [tilespmem:v3+s2+$0x0], $0xffff  }
0x7b: {  	v5 =	vor.u32 $0x1, v3;
	_ =	sdelay $0x3  }
0x7c: {  	[tilespmem:v2+s25+$0x0] =	vst.idx.add.f32.msk $0xffff, v4  }
0x7d: {  	v4 =	vld.idx.msk [tilespmem:v5+s2+$0x0], $0xffff  }
0x7e: {  	v5 =	vor.u32 $0x2, v3;
	_ =	sdelay $0x3  }
0x7f: {  	[tilespmem:v2+s26+$0x0] =	vst.idx.add.f32.msk $0xffff, v4  }
0x80: {  	v4 =	vld.idx.msk [tilespmem:v5+s2+$0x0], $0xffff  }
0x81: {  	v3 =	vor.u32 $0x3, v3;
	_ =	sdelay $0x3  }
0x82: {  	[tilespmem:v2+s28+$0x0] =	vst.idx.add.f32.msk $0xffff, v4  }
0x83: {  	v3 =	vld.idx.msk [tilespmem:v3+s2+$0x0], $0xffff;
	_ =	sdelay $0x4  }
0x84: {  	[tilespmem:v2+s29+$0x0] =	vst.idx.add.f32.msk $0xffff, v3  }
0x85: {  	[spmem:s6] =	stream.strided.scatter [tilespmem:s25], [sflag:$0x1], $0x280, s30, s23, $0x38;
	[tilespmem:$0x12040] =	vst v63  }
0x86: {  	s9 =	rddreg [dreg:$0x16]  }
0x87: {  	[spmem:s9] =	stream.strided.scatter [tilespmem:s26], [sflag:$0x1], $0x280, s30, s23, $0x38;
	[tilespmem:$0x12040] =	vst v63  }
0x88: {  	s4 =	rddreg [dreg:$0x17]  }
0x89: {  	[spmem:s4] =	stream.strided.scatter [tilespmem:s28], [sflag:$0x1], $0x280, s30, s23, $0x38;
	[tilespmem:$0x12040] =	vst v63  }
0x8a: {  	s5 =	rddreg [dreg:$0x18]  }
0x8b: {  	[spmem:s5] =	stream.strided.scatter [tilespmem:s29], [sflag:$0x1], $0x280, s30, s23, $0x38;
	[tilespmem:$0x12040] =	vst v63  }
0x8c: {  	_ =	swait.ge [sflag:s24], $0x280  }
0x8d: {  	[sflag:s24] =	ssyncset.done $0x0  }
0x8e: {  	[sflag:s24] =	ssyncadd.s32 $0xFFFFFD80  }
0x8f: {  	_ =	swait.ge [sflag:s24], $0x280  }
0x90: {  	[sflag:s24] =	ssyncset.done $0x0  }
0x91: {  	[sflag:s24] =	ssyncadd.s32 $0xFFFFFD80  }
0x92: {  	_ =	swait.ge [sflag:s24], $0x280  }
0x93: {  	[sflag:s24] =	ssyncset.done $0x0  }
0x94: {  	[sflag:s24] =	ssyncadd.s32 $0xFFFFFD80  }
0x95: {  	_ =	swait.ge [sflag:s24], $0x280  }
0x96: {  	[sflag:s24] =	ssyncset.done $0x0  }
0x97: {  	[sflag:s24] =	ssyncadd.s32 $0xFFFFFD80  }
0x98: {  	[bflag:$0x0] =	sbarrier.arrive $0xFFFF  }
0x99: {  	s7 =	rddreg [dreg:$0x5]  }
0x9a: {  	s9 =	rddreg [dreg:$0x6]  }
0x9b: {  	s4 =	rddreg [dreg:$0x19]  }
0x9c: {  	s5 =	rddreg [dreg:$0x1a]  }
0x9d: {  	[tilespmem:s7], [sflag:$0x1] =	stream.linear.gather [spmem:s8], $0x80, $0x38;
	[tilespmem:$0x12040] =	vst v63  }
0x9e: {  	s7 =	rddreg [dreg:$0x8]  }
0x9f: {  	[tilespmem:s9], [sflag:$0x1] =	stream.linear.gather [spmem:s4], $0x80, $0x38;
	[tilespmem:$0x12040] =	vst v63  }
0xa0: {  	s4 =	rddreg [dreg:$0x7]  }
0xa1: {  	s9 =	rddreg [dreg:$0x1b]  }
0xa2: {  	[tilespmem:s4], [sflag:$0x1] =	stream.linear.gather [spmem:s5], $0x80, $0x38;
	[tilespmem:$0x12040] =	vst v63  }
0xa3: {  	s5 =	rddreg [dreg:$0x9]  }
0xa4: {  	s4 =	rddreg [dreg:$0xb]  }
0xa5: {  	[tilespmem:s7], [sflag:$0x1] =	stream.linear.gather [spmem:s9], $0x80, $0x38;
	[tilespmem:$0x12040] =	vst v63  }
0xa6: {  	s7 =	rddreg [dreg:$0xa]  }
0xa7: {  	s9 =	rddreg [dreg:$0x1c]  }
0xa8: {  	[tilespmem:s5], [sflag:$0x1] =	stream.linear.gather [spmem:s13], $0x80, $0x38;
	[tilespmem:$0x12040] =	vst v63  }
0xa9: {  	s5 =	rddreg [dreg:$0x1d]  }
0xaa: {  	[tilespmem:s7], [sflag:$0x1] =	stream.linear.gather [spmem:s9], $0x80, $0x38;
	[tilespmem:$0x12040] =	vst v63  }
0xab: {  	s7 =	rddreg [dreg:$0xc]  }
0xac: {  	[tilespmem:s4], [sflag:$0x1] =	stream.linear.gather [spmem:s5], $0x80, $0x38;
	[tilespmem:$0x12040] =	vst v63  }
0xad: {  	s9 =	rddreg [dreg:$0x1e]  }
0xae: {  	[tilespmem:s7], [sflag:$0x1] =	stream.linear.gather [spmem:s9], $0x80, $0x38;
	[tilespmem:$0x12040] =	vst v63  }
0xaf: {  	s4 =	rddreg [dreg:$0xd]  }
0xb0: {  	[tilespmem:s4], [sflag:$0x1] =	stream.linear.gather [spmem:s18], $0x80, $0x38;
	[tilespmem:$0x12040] =	vst v63  }
0xb1: {  	s5 =	rddreg [dreg:$0xe]  }
0xb2: {  	[tilespmem:s5], [sflag:$0x1] =	stream.linear.gather [spmem:s10], $0x80, $0x38;
	[tilespmem:$0x12040] =	vst v63  }
0xb3: {  	s7 =	rddreg [dreg:$0xf]  }
0xb4: {  	[tilespmem:s7], [sflag:$0x1] =	stream.linear.gather [spmem:s11], $0x80, $0x38;
	[tilespmem:$0x12040] =	vst v63  }
0xb5: {  	s9 =	rddreg [dreg:$0x10]  }
0xb6: {  	[tilespmem:s9], [sflag:$0x1] =	stream.linear.gather [spmem:s12], $0x80, $0x38;
	[tilespmem:$0x12040] =	vst v63  }
0xb7: {  	v2 =	vld [tilespmem:s22+$0x10400];
	_ =	sdelay $0x4  }
0xb8: {  	[tilespmem:s3+$0x10E00] =	vst v2  }
0xb9: {  	v2 =	vld [tilespmem:s22+$0x10680];
	_ =	sdelay $0x4  }
0xba: {  	[tilespmem:s3+$0x10E80] =	vst v2  }
0xbb: {  	v2 =	vld [tilespmem:s22+$0x10900];
	_ =	sdelay $0x4  }
0xbc: {  	[tilespmem:s3+$0x10F00] =	vst v2  }
0xbd: {  	v2 =	vld [tilespmem:s22+$0x10B80];
	_ =	sdelay $0x4  }
0xbe: {  	[tilespmem:s3+$0x10F80] =	vst v2  }
0xbf: {  	v2 =	vld [tilespmem:s14+$0x10400];
	_ =	sdelay $0x4  }
0xc0: {  	[tilespmem:s3+$0x10E10] =	vst v2  }
0xc1: {  	v2 =	vld [tilespmem:s14+$0x10680];
	_ =	sdelay $0x4  }
0xc2: {  	[tilespmem:s3+$0x10E90] =	vst v2  }
0xc3: {  	v2 =	vld [tilespmem:s14+$0x10900];
	_ =	sdelay $0x4  }
0xc4: {  	[tilespmem:s3+$0x10F10] =	vst v2  }
0xc5: {  	v2 =	vld [tilespmem:s14+$0x10B80];
	_ =	sdelay $0x4  }
0xc6: {  	[tilespmem:s3+$0x10F90] =	vst v2  }
0xc7: {  	v2 =	vld [tilespmem:s15+$0x10400];
	_ =	sdelay $0x4  }
0xc8: {  	[tilespmem:s3+$0x10E20] =	vst v2  }
0xc9: {  	v2 =	vld [tilespmem:s15+$0x10680];
	_ =	sdelay $0x4  }
0xca: {  	[tilespmem:s3+$0x10EA0] =	vst v2  }
0xcb: {  	v2 =	vld [tilespmem:s15+$0x10900];
	_ =	sdelay $0x4  }
0xcc: {  	[tilespmem:s3+$0x10F20] =	vst v2  }
0xcd: {  	v2 =	vld [tilespmem:s15+$0x10B80];
	_ =	sdelay $0x4  }
0xce: {  	[tilespmem:s3+$0x10FA0] =	vst v2  }
0xcf: {  	v2 =	vld [tilespmem:s16+$0x10400];
	_ =	sdelay $0x4  }
0xd0: {  	[tilespmem:s3+$0x10E30] =	vst v2  }
0xd1: {  	v2 =	vld [tilespmem:s16+$0x10680];
	_ =	sdelay $0x4  }
0xd2: {  	[tilespmem:s3+$0x10EB0] =	vst v2  }
0xd3: {  	v2 =	vld [tilespmem:s16+$0x10900];
	_ =	sdelay $0x4  }
0xd4: {  	[tilespmem:s3+$0x10F30] =	vst v2  }
0xd5: {  	v2 =	vld [tilespmem:s16+$0x10B80];
	_ =	sdelay $0x4  }
0xd6: {  	[tilespmem:s3+$0x10FB0] =	vst v2  }
0xd7: {  	v2 =	vld [tilespmem:s17+$0x10400];
	_ =	sdelay $0x4  }
0xd8: {  	[tilespmem:s3+$0x10E40] =	vst v2  }
0xd9: {  	v2 =	vld [tilespmem:s17+$0x10680];
	_ =	sdelay $0x4  }
0xda: {  	[tilespmem:s3+$0x10EC0] =	vst v2  }
0xdb: {  	v2 =	vld [tilespmem:s17+$0x10900];
	_ =	sdelay $0x4  }
0xdc: {  	[tilespmem:s3+$0x10F40] =	vst v2  }
0xdd: {  	v2 =	vld [tilespmem:s17+$0x10B80];
	_ =	sdelay $0x4  }
0xde: {  	[tilespmem:s3+$0x10FC0] =	vst v2  }
0xdf: {  	v2 =	vld [tilespmem:s19+$0x10400];
	_ =	sdelay $0x4  }
0xe0: {  	[tilespmem:s3+$0x10E50] =	vst v2  }
0xe1: {  	v2 =	vld [tilespmem:s19+$0x10680];
	_ =	sdelay $0x4  }
0xe2: {  	[tilespmem:s3+$0x10ED0] =	vst v2  }
0xe3: {  	v2 =	vld [tilespmem:s19+$0x10900];
	_ =	sdelay $0x4  }
0xe4: {  	[tilespmem:s3+$0x10F50] =	vst v2  }
0xe5: {  	v2 =	vld [tilespmem:s19+$0x10B80];
	_ =	sdelay $0x4  }
0xe6: {  	[tilespmem:s3+$0x10FD0] =	vst v2  }
0xe7: {  	v2 =	vld [tilespmem:s20+$0x10400];
	_ =	sdelay $0x4  }
0xe8: {  	[tilespmem:s3+$0x10E60] =	vst v2  }
0xe9: {  	v2 =	vld [tilespmem:s20+$0x10680];
	_ =	sdelay $0x4  }
0xea: {  	[tilespmem:s3+$0x10EE0] =	vst v2  }
0xeb: {  	v2 =	vld [tilespmem:s20+$0x10900];
	_ =	sdelay $0x4  }
0xec: {  	[tilespmem:s3+$0x10F60] =	vst v2  }
0xed: {  	v2 =	vld [tilespmem:s20+$0x10B80];
	_ =	sdelay $0x4  }
0xee: {  	[tilespmem:s3+$0x10FE0] =	vst v2  }
0xef: {  	v2 =	vld [tilespmem:s21+$0x10400];
	_ =	sdelay $0x4  }
0xf0: {  	[tilespmem:s3+$0x10E70] =	vst v2  }
0xf1: {  	v2 =	vld [tilespmem:s21+$0x10680];
	_ =	sdelay $0x4  }
0xf2: {  	[tilespmem:s3+$0x10EF0] =	vst v2  }
0xf3: {  	v2 =	vld [tilespmem:s21+$0x10900];
	_ =	sdelay $0x4  }
0xf4: {  	[tilespmem:s3+$0x10F70] =	vst v2  }
0xf5: {  	v2 =	vld [tilespmem:s21+$0x10B80];
	_ =	sdelay $0x4  }
0xf6: {  	[tilespmem:s3+$0x10FF0] =	vst v2  }
0xf7: {  	_ =	swait.ge [sflag:s24], $0x80  }
0xf8: {  	[sflag:s24] =	ssyncset.done $0x0  }
0xf9: {  	[sflag:s24] =	ssyncadd.s32 $0xFFFFFF80  }
0xfa: {  	_ =	swait.ge [sflag:s24], $0x80  }
0xfb: {  	[sflag:s24] =	ssyncset.done $0x0  }
0xfc: {  	[sflag:s24] =	ssyncadd.s32 $0xFFFFFF80  }
0xfd: {  	_ =	swait.ge [sflag:s24], $0x80  }
0xfe: {  	[sflag:s24] =	ssyncset.done $0x0  }
0xff: {  	[sflag:s24] =	ssyncadd.s32 $0xFFFFFF80  }
0x100: {  	_ =	swait.ge [sflag:s24], $0x80  }
0x101: {  	[sflag:s24] =	ssyncset.done $0x0  }
0x102: {  	[sflag:s24] =	ssyncadd.s32 $0xFFFFFF80  }
0x103: {  	_ =	swait.ge [sflag:s24], $0x80  }
0x104: {  	[sflag:s24] =	ssyncset.done $0x0  }
0x105: {  	[sflag:s24] =	ssyncadd.s32 $0xFFFFFF80  }
0x106: {  	_ =	swait.ge [sflag:s24], $0x80  }
0x107: {  	[sflag:s24] =	ssyncset.done $0x0  }
0x108: {  	[sflag:s24] =	ssyncadd.s32 $0xFFFFFF80  }
0x109: {  	_ =	swait.ge [sflag:s24], $0x80  }
0x10a: {  	[sflag:s24] =	ssyncset.done $0x0  }
0x10b: {  	[sflag:s24] =	ssyncadd.s32 $0xFFFFFF80  }
0x10c: {  	_ =	swait.ge [sflag:s24], $0x80  }
0x10d: {  	[sflag:s24] =	ssyncset.done $0x0  }
0x10e: {  	[sflag:s24] =	ssyncadd.s32 $0xFFFFFF80  }
0x10f: {  	_ =	swait.ge [sflag:s24], $0x80  }
0x110: {  	[sflag:s24] =	ssyncset.done $0x0  }
0x111: {  	[sflag:s24] =	ssyncadd.s32 $0xFFFFFF80  }
0x112: {  	_ =	swait.ge [sflag:s24], $0x80  }
0x113: {  	[sflag:s24] =	ssyncset.done $0x0  }
0x114: {  	[sflag:s24] =	ssyncadd.s32 $0xFFFFFF80  }
0x115: {  	_ =	swait.ge [sflag:s24], $0x80  }
0x116: {  	[sflag:s24] =	ssyncset.done $0x0  }
0x117: {  	[sflag:s24] =	ssyncadd.s32 $0xFFFFFF80  }
0x118: {  	_ =	swait.ge [sflag:s24], $0x80  }
0x119: {  	[sflag:s24] =	ssyncset.done $0x0  }
0x11a: {  	s1 =	simm.s32 $0xFFFFFF80;
	[sflag:s24] =	ssyncadd.s32 $0xFFFFFF80  }
0x11b: {  	v2 =	vld [tilespmem:s1+$0x11000]  }
0x11c: {  	v3 =	vld [tilespmem:s1+$0x11200]  }
0x11d: {  	v5 =	vld [tilespmem:s1+$0x10E80]  }
0x11e: {  	v4 =	vld [tilespmem:s1+$0x11400]  }
0x11f: {  	v6 =	vld [tilespmem:s1+$0x11080]  }
0x120: {  	v7 =	vld [tilespmem:s1+$0x11600]  }
0x121: {  	v8 =	vld [tilespmem:s1+$0x10F00];
	v2 =	vadd.f32 v3, v2  }
0x122: {  	v9 =	vld [tilespmem:s1+$0x11100]  }
0x123: {  	v10 =	vld [tilespmem:s1+$0x10F80];
	v2 =	vadd.f32 v4, v2  }
0x124: {  	v11 =	vld [tilespmem:s1+$0x11180]  }
0x125: {  	v12 =	vld [tilespmem:s1+$0x11280];
	v2 =	vadd.f32 v7, v2  }
0x126: {  	v13 =	vld [tilespmem:s1+$0x11300]  }
0x127: {  	v3 =	vld [tilespmem:s1+$0x11380];
	vm0 =	veq.f32 v2, $0.0e+00  }
0x128: {  	v8 =	vadd.f32 v9, v8;
	v4 =	vld [tilespmem:s1+$0x11480];
	v9 =	vsel vm0, $0x3F800000, v2  }
0x129: {  	v14 =	vadd.f32 v6, v5;
	v5 =	vld [tilespmem:s1+$0x11500];
	(erf) = vrcp.f32 v9  }
0x12a: {  	s4 =	simm.s32 $0xFFFFFF90;
	v6 =	vld [tilespmem:s1+$0x11580];
	v7 =	vadd.f32 v11, v10  }
0x12b: {  	s5 =	simm.s32 $0xFFFFFE80;
	v8 =	vadd.f32 v13, v8;
	v10 =	vadd.f32 v12, v14;
	v9 =	vld [tilespmem:s4+$0x11000]  }
.LBB2_8:
0x12c: {  	p0 =	sne.s32 s5, $0xFFFFFFC0;
	v11 =	vld [tilespmem:s4+$0x11200];
	v3 =	vadd.f32 v3, v7  }
0x12d: {  	v7 =	vld [tilespmem:s4+$0x10E80];
	v4 =	vadd.f32 v4, v10  }
0x12e: {  	v10 =	vld [tilespmem:s4+$0x11400];
	v5 =	vadd.f32 v5, v8  }
0x12f: {  	v8 =	vld [tilespmem:s4+$0x11080];
	v3 =	vadd.f32 v6, v3  }
0x130: {  	v6 =	vld [tilespmem:s4+$0x11600]  }
0x131: {  	v12 =	vld [tilespmem:s4+$0x10F00];
	v9 =	vadd.f32 v11, v9  }
0x132: {  	v11 =	vld [tilespmem:s4+$0x11100];
	v13 =	vpop (erf)  }
0x133: {  	v14 =	vld [tilespmem:s4+$0x10F80];
	v9 =	vadd.f32 v10, v9;
	v4 =	vmul.f32 v13, v4;
	v10 =	vmul.f32 v13, v2  }
0x134: {  	v5 =	vmul.f32 v13, v5;
	v13 =	vmul.f32 v13, v3;
	v8 =	vadd.f32 v8, v7;
	v7 =	vld [tilespmem:s4+$0x11180]  }
0x135: {  	v15 =	vld [tilespmem:s4+$0x11280];
	v2 =	vadd.f32 v6, v9;
	[tilespmem:s1+$0x11800] =	vst v10  }
0x136: {  	v16 =	vld [tilespmem:s4+$0x11300];
	[tilespmem:s1+$0x11680] =	vst v4  }
.Ltmp3:
0x137: {  	v11 =	vadd.f32 v11, v12;
	v3 =	vld [tilespmem:s4+$0x11380];
	vm0 =	veq.f32 v2, $0.0e+00;
	[tilespmem:s1+$0x11700] =	vst v5;
	(pc) =	sbr.rel @p0 .LBB2_8-.Ltmp3, $4  }
0x138: {  	v4 =	vld [tilespmem:s4+$0x11480];
	v6 =	vsel vm0, $0x3F800000, v2;
	[tilespmem:s1+$0x11780] =	vst v13;
	s1 =	smov.u32 s4  }
0x139: {  	v5 =	vld [tilespmem:s1+$0x11500];
	v7 =	vadd.f32 v7, v14;
	(erf) = vrcp.f32 v6  }
0x13a: {  	s4 =	sshra.s32 s5, $0x2;
	v10 =	vadd.f32 v15, v8;
	v6 =	vld [tilespmem:s1+$0x11580]  }
0x13b: {  	s5 =	sadd.s32 $0x40, s5;
	v9 =	vld [tilespmem:s4+$0x11000];
	v8 =	vadd.f32 v16, v11  }
0x13c: {  	v11 =	vld [tilespmem:s4+$0x11200];
	_ =	sdelay $0x1  }
0x13d: {  	v12 =	vld [tilespmem:s4+$0x11400];
	_ =	sdelay $0x1  }
0x13e: {  	v14 =	vld [tilespmem:s4+$0x11600]  }
0x13f: {  	v9 =	vadd.f32 v11, v9;
	_ =	sdelay $0x1  }
0x140: {  	v9 =	vadd.f32 v12, v9  }
0x141: {  	v13 =	vld [tilespmem:s4+$0x10E80]  }
0x142: {  	v15 =	vld [tilespmem:s4+$0x11080];
	v9 =	vadd.f32 v14, v9  }
0x143: {  	v52 =	vld [tilespmem:s4+$0x10F00]  }
0x144: {  	v16 =	vld [tilespmem:s4+$0x11100];
	v3 =	vadd.f32 v3, v7;
	v4 =	vadd.f32 v4, v10;
	v53 =	vpop (erf);
	vm0 =	veq.f32 v9, $0.0e+00  }
0x145: {  	v17 =	vld [tilespmem:s4+$0x10F80];
	v5 =	vadd.f32 v5, v8;
	v2 =	vmul.f32 v53, v2;
	v56 =	vsel vm0, $0x3F800000, v9  }
0x146: {  	v54 =	vld [tilespmem:s4+$0x11180];
	v3 =	vadd.f32 v6, v3;
	v4 =	vmul.f32 v53, v4;
	(erf) = vrcp.f32 v56  }
0x147: {  	v55 =	vld [tilespmem:s4+$0x11280];
	v57 =	vmul.f32 v53, v5;
	[tilespmem:s1+$0x11800] =	vst v2  }
0x148: {  	v3 =	vmul.f32 v53, v3;
	v2 =	vld [tilespmem:s4+$0x11300];
	[tilespmem:s1+$0x11680] =	vst v4  }
0x149: {  	v58 =	vld [tilespmem:s4+$0x11380];
	[tilespmem:s1+$0x11700] =	vst v57  }
0x14a: {  	v4 =	vld [tilespmem:s4+$0x11480];
	[tilespmem:s1+$0x11780] =	vst v3  }
0x14b: {  	v3 =	vadd.f32 v15, v13;
	v59 =	vld [tilespmem:s4+$0x11500]  }
0x14c: {  	v60 =	vadd.f32 v16, v52;
	v61 =	vld [tilespmem:s4+$0x11580]  }
0x14d: {  	v10 =	vadd.f32 v54, v17;
	v3 =	vadd.f32 v55, v3  }
0x14e: {  	v2 =	vadd.f32 v2, v60  }
0x14f: {  	v5 =	vadd.f32 v58, v10;
	v3 =	vadd.f32 v4, v3;
	v62 =	vpop (erf)  }
0x150: {  	v2 =	vadd.f32 v59, v2;
	v63 =	vmul.f32 v62, v9  }
0x151: {  	v5 =	vadd.f32 v61, v5;
	v3 =	vmul.f32 v62, v3  }
0x152: {  	v2 =	vmul.f32 v62, v2;
	[tilespmem:s4+$0x11800] =	vst v63  }
0x153: {  	v4 =	vmul.f32 v62, v5;
	[tilespmem:s4+$0x11680] =	vst v3  }
0x154: {  	[tilespmem:s4+$0x11700] =	vst v2  }
0x155: {  	s7 =	rddreg [dreg:$0x11];
	s9 =	simm.s32 $0x11600;
	[tilespmem:s4+$0x11780] =	vst v4  }
0x156: {  	[hbm4b:s7+s2] =	stream.linear.scatter [tilespmem:s9], [sflag:$0x2], $0x80, $0x38;
	[tilespmem:$0x12040] =	vst v63  }
0x157: {  	_ =	swait.ge [sflag:s31], $0x80  }
0x158: {  	[sflag:s31] =	ssyncset.done $0x0  }
0x159: {  	s5 =	simm.s32 $0x11680;
	s4 =	rddreg [dreg:$0x12];
	[sflag:s31] =	ssyncadd.s32 $0xFFFFFF80  }
0x15a: {  	[hbm4b:s4+s2] =	stream.linear.scatter [tilespmem:s5], [sflag:$0x2], $0x80, $0x38;
	[tilespmem:$0x12040] =	vst v63  }
0x15b: {  	_ =	swait.ge [sflag:s31], $0x80  }
0x15c: {  	[sflag:s31] =	ssyncset.done $0x0  }
0x15d: {  	s9 =	simm.s32 $0x11700;
	s7 =	rddreg [dreg:$0x13];
	[sflag:s31] =	ssyncadd.s32 $0xFFFFFF80  }
0x15e: {  	[hbm4b:s7+s2] =	stream.linear.scatter [tilespmem:s9], [sflag:$0x2], $0x80, $0x38;
	[tilespmem:$0x12040] =	vst v63  }
0x15f: {  	_ =	swait.ge [sflag:s31], $0x80  }
0x160: {  	[sflag:s31] =	ssyncset.done $0x0  }
0x161: {  	s7 =	simm.s32 $0x11780;
	s5 =	rddreg [dreg:$0x14];
	[sflag:s31] =	ssyncadd.s32 $0xFFFFFF80  }
0x162: {  	[hbm4b:s5+s2] =	stream.linear.scatter [tilespmem:s7], [sflag:$0x2], $0x80, $0x38;
	[tilespmem:$0x12040] =	vst v63  }
0x163: {  	_ =	swait.ge [sflag:s31], $0x80  }
0x164: {  	s0 =	sadd.s32 $0x1, s0;
	s9 =	rddreg [dreg:$0x15]  }
0x165: {  	p0 =	sne.s32 s0, s9  }
.Ltmp4:
0x166: {  	_ = 	snop;
	(pc) =	sbr.rel @p0 .LBB2_1-.Ltmp4, $3  }
0x167: {  	_ =	sdelay $0x1  }
0x168: {  	[sflag:s31] =	ssyncset.done $0x0  }
0x169: {  	[sflag:s31] =	ssyncadd.s32 $0xFFFFFF80  }
0x16a: {  	_ =	sfence.sel $0x180000  }
0x16b: {  	[bflag:$0x0] =	sbarrier.arrive $0xFFFF  }
0x16c: {  	_ =	strace $0x90000047  }
0x16d: {  	s0 =	stileid.u32;
	[bflag:$0x2] =	sbarrier.arrive $0xFFFF  }
0x16e: {  	p0 =	sne.s32 s0, $0x0;
	s0 =	rddreg [dreg:$0x2]  }
0x16f: {  	s0 =	sadd.s32 @!p0 $0x100000, s0  }
0x170: {  	[sflag:s0] =	ssyncadd.tile.s32 @!p0 $0x1;
	_ =	shalt  }
.Lfunc_end2:
_tile_overlayer_lowered:
.L_overlay_start_2:
0x171: {  	(tag) =	ssettag $0x2  }
0x172: {  	s0 =	rddreg [dreg:$0x0];
	s2 =	stileid.u32  }
0x173: {  	s1 =	rddreg [dreg:$0x1];
	p0 =	sne.s32 s2, $0x0  }
0x174: {  	s3 =	rddreg [dreg:$0x2];
	[bflag:$0x3] =	sbarrier.arrive $0xFFFF;
	s2 =	simm.s32 @!p0 $0x1C02  }
0x175: {  	[timem:s3], [sflag:s2] =	dma.local @!p0 [hbm:s0], s1  }
0x176: {  	s0 =	simm.s32 @!p0 $0x2  }
0x177: {  	_ =	swait.ge @!p0 [sflag:s0], s1  }
0x178: {  	s1 =	ssub.s32 @!p0 $0x0, s1;
	[sflag:s0] =	ssyncset.done @!p0 $0x0  }
0x179: {  	[sflag:s0] =	ssyncadd.s32 @!p0 s1  }
0x17a: {  	[bflag:$0x3] =	sbarrier.arrive $0xFFFF  }
0x17b: {  	_ =	shalt  }

</sc_bundles>
